<compile_context>
chip_gen: v7x
topology: tpu7x:2x2x1
jax: 0.10.2.dev20260603
libtpu: 0.0.44.dev20260713+nightly
codegen_flags: <defaults>
</compile_context>

<pallas_src>
import functools

import jax
import jax.numpy as jnp
from jax import lax
from jax.experimental import pallas as pl
from jax.experimental.pallas import tpu as pltpu
from jax.experimental.pallas import tpu_sc as plsc

N = 10000
E = 320000
D = 128
H = 128
C = 10
G = 64

NC = 2
NS = 16
NW = NC * NS
EPW = E // NW
CHUNK = 80
NCHUNKS = EPW // CHUNK
NPAD = 10240
RPT = NPAD // NS
ZROWS = 32


_sc_mesh = plsc.VectorSubcoreMesh(core_axis_name="c", subcore_axis_name="s")


@functools.partial(
    pl.kernel,
    out_type=jax.ShapeDtypeStruct((NC, NPAD, D), jnp.float32),
    mesh=_sc_mesh,
    scratch_types=(
        [pltpu.VMEM((2, CHUNK), jnp.int32)] * 8
        + [pltpu.VMEM((CHUNK, D), jnp.float32)] * 4
        + [
            pltpu.VMEM((ZROWS, D), jnp.float32),
            pltpu.VMEM_SHARED((NPAD, D), jnp.float32),
        ]
        + [pltpu.SemaphoreType.DMA] * 17
    ),
)
def _sc_agg(x_hbm, eidx_hbm, out_hbm,
            ib0, ib1, ib2, ib3, ib4, ib5, ib6, ib7,
            rb0, rb1, rb2, rb3, zbuf, agg_sh,
            gs0, gs1, gs2, gs3, ss0, ss1, ss2, ss3,
            is0, is1, is2, is3, is4, is5, is6, is7, zs):
    cid = lax.axis_index("c")
    sid = lax.axis_index("s")
    wid = sid * NC + cid

    IB = (ib0, ib1, ib2, ib3, ib4, ib5, ib6, ib7)
    RB = (rb0, rb1, rb2, rb3)
    GS = (gs0, gs1, gs2, gs3)
    SS = (ss0, ss1, ss2, ss3)
    IS = (is0, is1, is2, is3, is4, is5, is6, is7)

    base = sid * RPT

    def _fire_i(j, s):
        pltpu.async_copy(eidx_hbm.at[wid, j], IB[s], IS[s])

    def _wait_i(s):
        pltpu.make_async_copy(eidx_hbm.at[0, 0], IB[s], IS[s]).wait()

    def _fire_g(islot, b):
        pltpu.async_copy(x_hbm.at[IB[islot].at[0]], RB[b], GS[b])

    def _wait_g(b):
        pltpu.make_async_copy(x_hbm.at[IB[0].at[0]], RB[b], GS[b]).wait()

    def _fire_s(islot, b):
        pltpu.async_copy(RB[b], agg_sh.at[IB[islot].at[1]], SS[b],
                         add=True)

    def _wait_s(b):
        pltpu.make_async_copy(RB[b], agg_sh.at[IB[0].at[1]], SS[b]).wait()

    def _generic_step(j, b, islot, pf_j, pf_slot, g_j_slot, drain=True):
        _wait_g(b)
        _fire_s(islot, b)
        if drain:
            _wait_s((b + 2) % 4)
        if pf_j is not None:
            _fire_i(pf_j, pf_slot)
        if g_j_slot is not None:
            _wait_i(g_j_slot)
            _fire_g(g_j_slot, (b + 2) % 4)

    for s in range(6):
        _fire_i(s, s)

    def _zrow(i, carry):
        def _zcol(j, c):
            zbuf[i, pl.ds(j * 16, 16)] = jnp.zeros((16,), jnp.float32)
            return c
        return lax.fori_loop(0, D // 16, _zcol, carry)
    lax.fori_loop(0, ZROWS, _zrow, 0)

    def _zcopy(k, carry):
        pltpu.async_copy(zbuf, agg_sh.at[pl.ds(base + k * ZROWS, ZROWS)],
                         zs)
        return carry
    lax.fori_loop(0, RPT // ZROWS, _zcopy, 0)

    for b in (0, 1):
        _wait_i(b)
        _fire_g(b, b)

    def _zdrain(k, carry):
        pltpu.make_async_copy(zbuf, agg_sh.at[pl.ds(base, ZROWS)],
                              zs).wait()
        return carry
    lax.fori_loop(0, RPT // ZROWS, _zdrain, 0)
    plsc.subcore_barrier()

    _generic_step(0, 0, 0, 6, 6, 2, drain=False)
    _generic_step(1, 1, 1, 7, 7, 3, drain=False)

    def _body(jj, carry):
        j0 = 8 * jj + 2
        for k in range(8):
            j = j0 + k
            b = (2 + k) % 4
            islot = (2 + k) % 8
            _generic_step(j, b, islot, j + 6, (islot + 6) % 8,
                          (islot + 2) % 8)
        return carry
    lax.fori_loop(0, (NCHUNKS - 11) // 8, _body, 0)

    for j in range(NCHUNKS - 11, NCHUNKS):
        b = j % 4
        islot = j % 8
        pf = j + 6 if j + 6 < NCHUNKS else None
        gslot = (islot + 2) % 8 if j + 2 < NCHUNKS else None
        _generic_step(j, b, islot, pf, (islot + 6) % 8, gslot)
    _wait_s((NCHUNKS - 2) % 4)
    _wait_s((NCHUNKS - 1) % 4)
    plsc.subcore_barrier()

    pltpu.sync_copy(agg_sh.at[pl.ds(base, RPT)],
                    out_hbm.at[cid, pl.ds(base, RPT)])


def _pre_body(x_ref, wroot_ref, out_ref):
    out_ref[...] = jnp.dot(x_ref[...], wroot_ref[...],
                           preferred_element_type=jnp.float32)


_pre_root = pl.pallas_call(
    _pre_body,
    out_shape=jax.ShapeDtypeStruct((N, H), jnp.float32),
)


def _tc_body(aggs_ref, pre_ref, batch_ref, wrel_ref, wout_ref, out_ref):
    agg = (aggs_ref[0] + aggs_ref[1])[:N]
    h = jnp.dot(agg, wrel_ref[...], preferred_element_type=jnp.float32)
    h += pre_ref[...]
    h = jnp.maximum(h, 0.0)
    gids = lax.broadcasted_iota(jnp.int32, (G, N), 0)
    onehot = (gids == batch_ref[...]).astype(jnp.float32)
    sums = jnp.dot(onehot, h, preferred_element_type=jnp.float32)
    counts = jnp.sum(onehot, axis=1, keepdims=True)
    pooled = sums / jnp.maximum(counts, 1.0)
    out_ref[...] = jnp.dot(pooled, wout_ref[...],
                           preferred_element_type=jnp.float32)


_tc_readout = pl.pallas_call(
    _tc_body,
    out_shape=jax.ShapeDtypeStruct((G, C), jnp.float32),
)


def kernel(x, edge_index, batch, W_rel, W_root, W_out):
    eidx = edge_index.reshape(2, NW, NCHUNKS, CHUNK).transpose(1, 2, 0, 3)
    agg_parts = _sc_agg(x, eidx)
    pre = _pre_root(x, W_root)
    return _tc_readout(agg_parts, pre, batch.reshape(1, N), W_rel, W_out)

# --- scband reference (transcript-rebuilt; emitter-appended) ---
"""Pipeline reference for scband-sum-task-gnn-60662118089064 (READ-ONLY COPY).

The authoritative reference and input builder live on the scoring server;
editing this copy changes nothing except your own understanding.
"""

import jax, jax.numpy as jnp
import numpy as np

N = 10000
E = 320000
D = 128
H = 128
C = 10
G = 64


def _xavier_normal(key, fan_in, fan_out, gain=0.01):
    std = gain * np.sqrt(2.0 / (fan_in + fan_out))
    return jax.random.normal(key, (fan_in, fan_out), dtype=jnp.float32) * std


def setup_inputs(seed: int = 0) -> dict:
    key = jax.random.key(seed)
    k1, k2, k3, k4, k5, k6 = jax.random.split(key, 6)
    x = jax.random.normal(k1, (N, D), dtype=jnp.float32)
    edge_index = jax.random.randint(k2, (2, E), 0, N, dtype=jnp.int32)
    batch = jnp.sort(jax.random.randint(k3, (N,), 0, G, dtype=jnp.int32))
    # GraphConv weights: lin_rel (applied to aggregated neighbor features) and lin_root (self)
    W_rel = _xavier_normal(k4, D, H)
    W_root = _xavier_normal(k5, D, H)
    W_out = _xavier_normal(k6, H, C)
    return {"x": x, "edge_index": edge_index, "batch": batch, "W_rel": W_rel, "W_root": W_root, "W_out": W_out}


def reference(x, edge_index, batch, W_rel, W_root, W_out):
    # GraphConv (PyG): out_i = W_root x_i + W_rel * sum_{j in N(i)} x_j  (aggr='add', bias=False)
    src = edge_index[0]
    dst = edge_index[1]
    msgs = jnp.take(x, src, axis=0)                       # gather  [E, D]
    agg = jax.ops.segment_sum(msgs, dst, num_segments=N)  # scatter-add [N, D]
    h = jax.nn.relu(agg @ W_rel + x @ W_root)             # [N, H]
    # dropout p=0.0 -> identity
    # global_mean_pool over graph ids in `batch`
    sums = jax.ops.segment_sum(h, batch, num_segments=G)                       # [G, H]
    counts = jax.ops.segment_sum(jnp.ones((N,), dtype=jnp.float32), batch, num_segments=G)
    pooled = sums / jnp.clip(counts, 1.0)[:, None]
    logits = pooled @ W_out                               # [G, C]
    return logits

if __name__ == "__main__":
    import jax
    _d = setup_inputs()
    print(jax.jit(kernel)(*tuple(_d.values())))

</pallas_src>

<mosaic_0001>
#map = affine_map<(d0, d1) -> (0, 0)>
#map1 = affine_map<(d0, d1) -> (0, 0, 0, 0)>
#map2 = affine_map<(d0, d1) -> (0, 0, 0)>
module attributes {stable_mosaic.version = 14 : i64} {
  func.func @_sc_agg(%arg0: i32, %arg1: i32, %arg2: memref<10000x128xf32, #tpu.memory_space<hbm>>, %arg3: memref<32x125x2x80xi32, #tpu.memory_space<hbm>>, %arg4: memref<2x10240x128xf32, #tpu.memory_space<hbm>>, %arg5: memref<2x80xi32, #tpu.memory_space<vmem>>, %arg6: memref<2x80xi32, #tpu.memory_space<vmem>>, %arg7: memref<2x80xi32, #tpu.memory_space<vmem>>, %arg8: memref<2x80xi32, #tpu.memory_space<vmem>>, %arg9: memref<2x80xi32, #tpu.memory_space<vmem>>, %arg10: memref<2x80xi32, #tpu.memory_space<vmem>>, %arg11: memref<2x80xi32, #tpu.memory_space<vmem>>, %arg12: memref<2x80xi32, #tpu.memory_space<vmem>>, %arg13: memref<80x128xf32, #tpu.memory_space<vmem>>, %arg14: memref<80x128xf32, #tpu.memory_space<vmem>>, %arg15: memref<80x128xf32, #tpu.memory_space<vmem>>, %arg16: memref<80x128xf32, #tpu.memory_space<vmem>>, %arg17: memref<32x128xf32, #tpu.memory_space<vmem>>, %arg18: memref<10240x128xf32, #tpu.memory_space<vmem_shared>>, %arg19: memref<!tpu.dma_semaphore, #tpu.memory_space<semaphore_mem>>, %arg20: memref<!tpu.dma_semaphore, #tpu.memory_space<semaphore_mem>>, %arg21: memref<!tpu.dma_semaphore, #tpu.memory_space<semaphore_mem>>, %arg22: memref<!tpu.dma_semaphore, #tpu.memory_space<semaphore_mem>>, %arg23: memref<!tpu.dma_semaphore, #tpu.memory_space<semaphore_mem>>, %arg24: memref<!tpu.dma_semaphore, #tpu.memory_space<semaphore_mem>>, %arg25: memref<!tpu.dma_semaphore, #tpu.memory_space<semaphore_mem>>, %arg26: memref<!tpu.dma_semaphore, #tpu.memory_space<semaphore_mem>>, %arg27: memref<!tpu.dma_semaphore, #tpu.memory_space<semaphore_mem>>, %arg28: memref<!tpu.dma_semaphore, #tpu.memory_space<semaphore_mem>>, %arg29: memref<!tpu.dma_semaphore, #tpu.memory_space<semaphore_mem>>, %arg30: memref<!tpu.dma_semaphore, #tpu.memory_space<semaphore_mem>>, %arg31: memref<!tpu.dma_semaphore, #tpu.memory_space<semaphore_mem>>, %arg32: memref<!tpu.dma_semaphore, #tpu.memory_space<semaphore_mem>>, %arg33: memref<!tpu.dma_semaphore, #tpu.memory_space<semaphore_mem>>, %arg34: memref<!tpu.dma_semaphore, #tpu.memory_space<semaphore_mem>>, %arg35: memref<!tpu.dma_semaphore, #tpu.memory_space<semaphore_mem>>) attributes {dimension_semantics = [#tpu.dimension_semantics<core_parallel>, #tpu.dimension_semantics<subcore_parallel>], iteration_bounds = array<i64: 2, 16>, scalar_prefetch = 0 : i64, scratch_operands = 31 : i64, tpu.core_type = #tpu.core_type<sc_vector_subcore>, window_params = [{transform_indices = #map}, {transform_indices = #map1}, {transform_indices = #map2}]} {
    %mul3A = arith.constant 2 : i32
    %mul3A_0 = arith.muli %arg1, %mul3A : i32
    %add3A = arith.addi %mul3A_0, %arg0 : i32
    %mul3A_1 = arith.constant 640 : i32
    %mul3A_2 = arith.muli %arg1, %mul3A_1 : i32
    %dma_start3A = arith.constant 0 : i32
    %dma_start3A_3 = arith.constant 0 : i32
    %dma_start3A_4 = arith.constant 0 : i32
    %dma_start3A_5 = tpu.memref_slice %arg3[%add3A, %dma_start3A, %dma_start3A_3, %dma_start3A_4] : memref<32x125x2x80xi32, #tpu.memory_space<hbm>> -> memref<1x1x2x80xi32, #tpu.memory_space<hbm>>
    %dma_start3A_6 = tpu.memref_squeeze %dma_start3A_5 : memref<1x1x2x80xi32, #tpu.memory_space<hbm>> -> memref<2x80xi32, #tpu.memory_space<hbm>>
    %dma_start3A_7 = arith.constant 0 : i32
    %dma_start3A_8 = arith.constant 0 : i32
    %dma_start3A_9 = tpu.memref_slice %arg3[%add3A, %dma_start3A, %dma_start3A_7, %dma_start3A_8] : memref<32x125x2x80xi32, #tpu.memory_space<hbm>> -> memref<1x1x2x80xi32, #tpu.memory_space<hbm>>
    %dma_start3A_10 = tpu.memref_squeeze %dma_start3A_9 : memref<1x1x2x80xi32, #tpu.memory_space<hbm>> -> memref<2x80xi32, #tpu.memory_space<hbm>>
    tpu.enqueue_dma source(%dma_start3A_10 : memref<2x80xi32, #tpu.memory_space<hbm>>) target(%arg5 : memref<2x80xi32, #tpu.memory_space<vmem>>) target_semaphore(%arg27 : memref<!tpu.dma_semaphore, #tpu.memory_space<semaphore_mem>>)
    %dma_start3A_11 = arith.constant 1 : i32
    %dma_start3A_12 = arith.constant 0 : i32
    %dma_start3A_13 = arith.constant 0 : i32
    %dma_start3A_14 = tpu.memref_slice %arg3[%add3A, %dma_start3A_11, %dma_start3A_12, %dma_start3A_13] : memref<32x125x2x80xi32, #tpu.memory_space<hbm>> -> memref<1x1x2x80xi32, #tpu.memory_space<hbm>>
    %dma_start3A_15 = tpu.memref_squeeze %dma_start3A_14 : memref<1x1x2x80xi32, #tpu.memory_space<hbm>> -> memref<2x80xi32, #tpu.memory_space<hbm>>
    %dma_start3A_16 = arith.constant 0 : i32
    %dma_start3A_17 = arith.constant 0 : i32
    %dma_start3A_18 = tpu.memref_slice %arg3[%add3A, %dma_start3A_11, %dma_start3A_16, %dma_start3A_17] : memref<32x125x2x80xi32, #tpu.memory_space<hbm>> -> memref<1x1x2x80xi32, #tpu.memory_space<hbm>>
    %dma_start3A_19 = tpu.memref_squeeze %dma_start3A_18 : memref<1x1x2x80xi32, #tpu.memory_space<hbm>> -> memref<2x80xi32, #tpu.memory_space<hbm>>
    tpu.enqueue_dma source(%dma_start3A_19 : memref<2x80xi32, #tpu.memory_space<hbm>>) target(%arg6 : memref<2x80xi32, #tpu.memory_space<vmem>>) target_semaphore(%arg28 : memref<!tpu.dma_semaphore, #tpu.memory_space<semaphore_mem>>)
    %dma_start3A_20 = arith.constant 2 : i32
    %dma_start3A_21 = arith.constant 0 : i32
    %dma_start3A_22 = arith.constant 0 : i32
    %dma_start3A_23 = tpu.memref_slice %arg3[%add3A, %dma_start3A_20, %dma_start3A_21, %dma_start3A_22] : memref<32x125x2x80xi32, #tpu.memory_space<hbm>> -> memref<1x1x2x80xi32, #tpu.memory_space<hbm>>
    %dma_start3A_24 = tpu.memref_squeeze %dma_start3A_23 : memref<1x1x2x80xi32, #tpu.memory_space<hbm>> -> memref<2x80xi32, #tpu.memory_space<hbm>>
    %dma_start3A_25 = arith.constant 0 : i32
    %dma_start3A_26 = arith.constant 0 : i32
    %dma_start3A_27 = tpu.memref_slice %arg3[%add3A, %dma_start3A_20, %dma_start3A_25, %dma_start3A_26] : memref<32x125x2x80xi32, #tpu.memory_space<hbm>> -> memref<1x1x2x80xi32, #tpu.memory_space<hbm>>
    %dma_start3A_28 = tpu.memref_squeeze %dma_start3A_27 : memref<1x1x2x80xi32, #tpu.memory_space<hbm>> -> memref<2x80xi32, #tpu.memory_space<hbm>>
    tpu.enqueue_dma source(%dma_start3A_28 : memref<2x80xi32, #tpu.memory_space<hbm>>) target(%arg7 : memref<2x80xi32, #tpu.memory_space<vmem>>) target_semaphore(%arg29 : memref<!tpu.dma_semaphore, #tpu.memory_space<semaphore_mem>>)
    %dma_start3A_29 = arith.constant 3 : i32
    %dma_start3A_30 = arith.constant 0 : i32
    %dma_start3A_31 = arith.constant 0 : i32
    %dma_start3A_32 = tpu.memref_slice %arg3[%add3A, %dma_start3A_29, %dma_start3A_30, %dma_start3A_31] : memref<32x125x2x80xi32, #tpu.memory_space<hbm>> -> memref<1x1x2x80xi32, #tpu.memory_space<hbm>>
    %dma_start3A_33 = tpu.memref_squeeze %dma_start3A_32 : memref<1x1x2x80xi32, #tpu.memory_space<hbm>> -> memref<2x80xi32, #tpu.memory_space<hbm>>
    %dma_start3A_34 = arith.constant 0 : i32
    %dma_start3A_35 = arith.constant 0 : i32
    %dma_start3A_36 = tpu.memref_slice %arg3[%add3A, %dma_start3A_29, %dma_start3A_34, %dma_start3A_35] : memref<32x125x2x80xi32, #tpu.memory_space<hbm>> -> memref<1x1x2x80xi32, #tpu.memory_space<hbm>>
    %dma_start3A_37 = tpu.memref_squeeze %dma_start3A_36 : memref<1x1x2x80xi32, #tpu.memory_space<hbm>> -> memref<2x80xi32, #tpu.memory_space<hbm>>
    tpu.enqueue_dma source(%dma_start3A_37 : memref<2x80xi32, #tpu.memory_space<hbm>>) target(%arg8 : memref<2x80xi32, #tpu.memory_space<vmem>>) target_semaphore(%arg30 : memref<!tpu.dma_semaphore, #tpu.memory_space<semaphore_mem>>)
    %dma_start3A_38 = arith.constant 4 : i32
    %dma_start3A_39 = arith.constant 0 : i32
    %dma_start3A_40 = arith.constant 0 : i32
    %dma_start3A_41 = tpu.memref_slice %arg3[%add3A, %dma_start3A_38, %dma_start3A_39, %dma_start3A_40] : memref<32x125x2x80xi32, #tpu.memory_space<hbm>> -> memref<1x1x2x80xi32, #tpu.memory_space<hbm>>
    %dma_start3A_42 = tpu.memref_squeeze %dma_start3A_41 : memref<1x1x2x80xi32, #tpu.memory_space<hbm>> -> memref<2x80xi32, #tpu.memory_space<hbm>>
    %dma_start3A_43 = arith.constant 0 : i32
    %dma_start3A_44 = arith.constant 0 : i32
    %dma_start3A_45 = tpu.memref_slice %arg3[%add3A, %dma_start3A_38, %dma_start3A_43, %dma_start3A_44] : memref<32x125x2x80xi32, #tpu.memory_space<hbm>> -> memref<1x1x2x80xi32, #tpu.memory_space<hbm>>
    %dma_start3A_46 = tpu.memref_squeeze %dma_start3A_45 : memref<1x1x2x80xi32, #tpu.memory_space<hbm>> -> memref<2x80xi32, #tpu.memory_space<hbm>>
    tpu.enqueue_dma source(%dma_start3A_46 : memref<2x80xi32, #tpu.memory_space<hbm>>) target(%arg9 : memref<2x80xi32, #tpu.memory_space<vmem>>) target_semaphore(%arg31 : memref<!tpu.dma_semaphore, #tpu.memory_space<semaphore_mem>>)
    %dma_start3A_47 = arith.constant 5 : i32
    %dma_start3A_48 = arith.constant 0 : i32
    %dma_start3A_49 = arith.constant 0 : i32
    %dma_start3A_50 = tpu.memref_slice %arg3[%add3A, %dma_start3A_47, %dma_start3A_48, %dma_start3A_49] : memref<32x125x2x80xi32, #tpu.memory_space<hbm>> -> memref<1x1x2x80xi32, #tpu.memory_space<hbm>>
    %dma_start3A_51 = tpu.memref_squeeze %dma_start3A_50 : memref<1x1x2x80xi32, #tpu.memory_space<hbm>> -> memref<2x80xi32, #tpu.memory_space<hbm>>
    %dma_start3A_52 = arith.constant 0 : i32
    %dma_start3A_53 = arith.constant 0 : i32
    %dma_start3A_54 = tpu.memref_slice %arg3[%add3A, %dma_start3A_47, %dma_start3A_52, %dma_start3A_53] : memref<32x125x2x80xi32, #tpu.memory_space<hbm>> -> memref<1x1x2x80xi32, #tpu.memory_space<hbm>>
    %dma_start3A_55 = tpu.memref_squeeze %dma_start3A_54 : memref<1x1x2x80xi32, #tpu.memory_space<hbm>> -> memref<2x80xi32, #tpu.memory_space<hbm>>
    tpu.enqueue_dma source(%dma_start3A_55 : memref<2x80xi32, #tpu.memory_space<hbm>>) target(%arg10 : memref<2x80xi32, #tpu.memory_space<vmem>>) target_semaphore(%arg32 : memref<!tpu.dma_semaphore, #tpu.memory_space<semaphore_mem>>)
    %scan3A = arith.constant 0 : i32
    %scan3A_56 = arith.constant 0 : i32
    %scan3A_57 = arith.constant 32 : i32
    %scan3A_58 = arith.addi %scan3A_56, %scan3A_57 : i32
    %scan3A_59 = arith.constant 1 : i32
    scf.for %scan3A_636 = %scan3A_56 to %scan3A_58 step %scan3A_59  : i32 {
      %scan3A_637 = arith.constant 0 : i32
      %scan3A_638 = arith.constant 8 : i32
      %scan3A_639 = arith.addi %scan3A_637, %scan3A_638 : i32
      %scan3A_640 = arith.constant 1 : i32
      scf.for %scan3A_642 = %scan3A_637 to %scan3A_639 step %scan3A_640  : i32 {
        %broadcast_in_dim3A = arith.constant 0.000000e+00 : f32
        %broadcast_in_dim3A_643 = vector.broadcast %broadcast_in_dim3A : f32 to vector<16xf32>
        %mul3A_644 = arith.constant 16 : i32
        %mul3A_645 = arith.muli %scan3A_642, %mul3A_644 : i32
        %swap3A = arith.index_cast %scan3A_636 : i32 to index
        %swap3A_646 = arith.index_cast %mul3A_645 : i32 to index
        %swap3A_647 = tpu.vector_load %arg17[%swap3A, %swap3A_646] {strides = array<i32>} : memref<32x128xf32, #tpu.memory_space<vmem>>, vector<1x16xf32>,
        %swap3A_648 = vector.shape_cast %swap3A_647 : vector<1x16xf32> to vector<16xf32>
        %swap3A_649 = vector.shape_cast %broadcast_in_dim3A_643 : vector<16xf32> to vector<1x16xf32>
        tpu.vector_store %arg17[%swap3A, %swap3A_646], %swap3A_649 {strides = array<i32>} : memref<32x128xf32, #tpu.memory_space<vmem>>, vector<1x16xf32>,
      }
      %scan3A_641 = arith.constant 8 : i32
    }
    %scan3A_60 = arith.constant 32 : i32
    %scan3A_61 = arith.constant 0 : i32
    %scan3A_62 = arith.constant 0 : i32
    %scan3A_63 = arith.constant 20 : i32
    %scan3A_64 = arith.addi %scan3A_62, %scan3A_63 : i32
    %scan3A_65 = arith.constant 1 : i32
    scf.for %scan3A_636 = %scan3A_62 to %scan3A_64 step %scan3A_65  : i32 {
      %mul3A_637 = arith.constant 32 : i32
      %mul3A_638 = arith.muli %scan3A_636, %mul3A_637 : i32
      %add3A_639 = arith.addi %mul3A_2, %mul3A_638 : i32
      %dma_start3A_640 = arith.constant 0 : i32
      %dma_start3A_641 = tpu.memref_slice %arg18[%add3A_639, %dma_start3A_640] : memref<10240x128xf32, #tpu.memory_space<vmem_shared>> -> memref<32x128xf32, #tpu.memory_space<vmem_shared>>
      %dma_start3A_642 = arith.constant 0 : i32
      %dma_start3A_643 = tpu.memref_slice %arg18[%add3A_639, %dma_start3A_642] : memref<10240x128xf32, #tpu.memory_space<vmem_shared>> -> memref<32x128xf32, #tpu.memory_space<vmem_shared>>
      tpu.enqueue_dma source(%arg17 : memref<32x128xf32, #tpu.memory_space<vmem>>) target(%dma_start3A_643 : memref<32x128xf32, #tpu.memory_space<vmem_shared>>) target_semaphore(%arg35 : memref<!tpu.dma_semaphore, #tpu.memory_space<semaphore_mem>>)
    }
    %scan3A_66 = arith.constant 20 : i32
    %dma_wait3A = arith.constant 0 : i32
    %dma_wait3A_67 = arith.constant 0 : i32
    %dma_wait3A_68 = arith.constant 0 : i32
    %dma_wait3A_69 = arith.constant 0 : i32
    %dma_wait3A_70 = tpu.memref_slice %arg3[%dma_wait3A, %dma_wait3A_67, %dma_wait3A_68, %dma_wait3A_69] : memref<32x125x2x80xi32, #tpu.memory_space<hbm>> -> memref<1x1x2x80xi32, #tpu.memory_space<hbm>>
    %dma_wait3A_71 = tpu.memref_squeeze %dma_wait3A_70 : memref<1x1x2x80xi32, #tpu.memory_space<hbm>> -> memref<2x80xi32, #tpu.memory_space<hbm>>
    %dma_wait3A_72 = arith.constant 0 : i32
    %dma_wait3A_73 = arith.constant 0 : i32
    %dma_wait3A_74 = tpu.memref_slice %arg3[%dma_wait3A, %dma_wait3A_67, %dma_wait3A_72, %dma_wait3A_73] : memref<32x125x2x80xi32, #tpu.memory_space<hbm>> -> memref<1x1x2x80xi32, #tpu.memory_space<hbm>>
    %dma_wait3A_75 = tpu.memref_squeeze %dma_wait3A_74 : memref<1x1x2x80xi32, #tpu.memory_space<hbm>> -> memref<2x80xi32, #tpu.memory_space<hbm>>
    tpu.wait_dma2 semaphore(%arg27 : memref<!tpu.dma_semaphore, #tpu.memory_space<semaphore_mem>>) src(%dma_wait3A_75 : memref<2x80xi32, #tpu.memory_space<hbm>>) dst(%arg5 : memref<2x80xi32, #tpu.memory_space<vmem>>)
    %dma_start3A_76 = arith.constant 0 : i32
    %dma_start3A_77 = arith.constant 0 : i32
    %dma_start3A_78 = tpu.memref_slice %arg5[%dma_start3A_76, %dma_start3A_77] : memref<2x80xi32, #tpu.memory_space<vmem>> -> memref<1x80xi32, #tpu.memory_space<vmem>>
    %dma_start3A_79 = tpu.memref_squeeze %dma_start3A_78 : memref<1x80xi32, #tpu.memory_space<vmem>> -> memref<80xi32, #tpu.memory_space<vmem>>
    %dma_start3A_80 = arith.constant 0 : i32
    %dma_start3A_81 = arith.constant 0 : i32
    %dma_start3A_82 = tpu.memref_slice %arg2[%dma_start3A_80, %dma_start3A_81] : memref<10000x128xf32, #tpu.memory_space<hbm>> -> memref<10000x128xf32, #tpu.memory_space<hbm>>
    tpu.enqueue_indirect_dma source(%dma_start3A_82 : memref<10000x128xf32, #tpu.memory_space<hbm>>) target(%arg13 : memref<80x128xf32, #tpu.memory_space<vmem>>) offsets(%dma_start3A_79 : memref<80xi32, #tpu.memory_space<vmem>>) semaphore(%arg19 : memref<!tpu.dma_semaphore, #tpu.memory_space<semaphore_mem>>)
    %dma_wait3A_83 = arith.constant 0 : i32
    %dma_wait3A_84 = arith.constant 0 : i32
    %dma_wait3A_85 = arith.constant 0 : i32
    %dma_wait3A_86 = arith.constant 0 : i32
    %dma_wait3A_87 = tpu.memref_slice %arg3[%dma_wait3A_83, %dma_wait3A_84, %dma_wait3A_85, %dma_wait3A_86] : memref<32x125x2x80xi32, #tpu.memory_space<hbm>> -> memref<1x1x2x80xi32, #tpu.memory_space<hbm>>
    %dma_wait3A_88 = tpu.memref_squeeze %dma_wait3A_87 : memref<1x1x2x80xi32, #tpu.memory_space<hbm>> -> memref<2x80xi32, #tpu.memory_space<hbm>>
    %dma_wait3A_89 = arith.constant 0 : i32
    %dma_wait3A_90 = arith.constant 0 : i32
    %dma_wait3A_91 = tpu.memref_slice %arg3[%dma_wait3A_83, %dma_wait3A_84, %dma_wait3A_89, %dma_wait3A_90] : memref<32x125x2x80xi32, #tpu.memory_space<hbm>> -> memref<1x1x2x80xi32, #tpu.memory_space<hbm>>
    %dma_wait3A_92 = tpu.memref_squeeze %dma_wait3A_91 : memref<1x1x2x80xi32, #tpu.memory_space<hbm>> -> memref<2x80xi32, #tpu.memory_space<hbm>>
    tpu.wait_dma2 semaphore(%arg28 : memref<!tpu.dma_semaphore, #tpu.memory_space<semaphore_mem>>) src(%dma_wait3A_92 : memref<2x80xi32, #tpu.memory_space<hbm>>) dst(%arg6 : memref<2x80xi32, #tpu.memory_space<vmem>>)
    %dma_start3A_93 = arith.constant 0 : i32
    %dma_start3A_94 = arith.constant 0 : i32
    %dma_start3A_95 = tpu.memref_slice %arg6[%dma_start3A_93, %dma_start3A_94] : memref<2x80xi32, #tpu.memory_space<vmem>> -> memref<1x80xi32, #tpu.memory_space<vmem>>
    %dma_start3A_96 = tpu.memref_squeeze %dma_start3A_95 : memref<1x80xi32, #tpu.memory_space<vmem>> -> memref<80xi32, #tpu.memory_space<vmem>>
    %dma_start3A_97 = arith.constant 0 : i32
    %dma_start3A_98 = arith.constant 0 : i32
    %dma_start3A_99 = tpu.memref_slice %arg2[%dma_start3A_97, %dma_start3A_98] : memref<10000x128xf32, #tpu.memory_space<hbm>> -> memref<10000x128xf32, #tpu.memory_space<hbm>>
    tpu.enqueue_indirect_dma source(%dma_start3A_99 : memref<10000x128xf32, #tpu.memory_space<hbm>>) target(%arg14 : memref<80x128xf32, #tpu.memory_space<vmem>>) offsets(%dma_start3A_96 : memref<80xi32, #tpu.memory_space<vmem>>) semaphore(%arg20 : memref<!tpu.dma_semaphore, #tpu.memory_space<semaphore_mem>>)
    %scan3A_100 = arith.constant 0 : i32
    %scan3A_101 = arith.constant 0 : i32
    %scan3A_102 = arith.constant 20 : i32
    %scan3A_103 = arith.addi %scan3A_101, %scan3A_102 : i32
    %scan3A_104 = arith.constant 1 : i32
    scf.for %scan3A_636 = %scan3A_101 to %scan3A_103 step %scan3A_104  : i32 {
      %dma_wait3A_637 = arith.constant 0 : i32
      %dma_wait3A_638 = tpu.memref_slice %arg18[%mul3A_2, %dma_wait3A_637] : memref<10240x128xf32, #tpu.memory_space<vmem_shared>> -> memref<32x128xf32, #tpu.memory_space<vmem_shared>>
      %dma_wait3A_639 = arith.constant 0 : i32
      %dma_wait3A_640 = tpu.memref_slice %arg18[%mul3A_2, %dma_wait3A_639] : memref<10240x128xf32, #tpu.memory_space<vmem_shared>> -> memref<32x128xf32, #tpu.memory_space<vmem_shared>>
      tpu.wait_dma2 semaphore(%arg35 : memref<!tpu.dma_semaphore, #tpu.memory_space<semaphore_mem>>) src(%arg17 : memref<32x128xf32, #tpu.memory_space<vmem>>) dst(%dma_wait3A_640 : memref<32x128xf32, #tpu.memory_space<vmem_shared>>)
    }
    %scan3A_105 = arith.constant 20 : i32
    %barrier3A = arith.constant 0 : index
    tpu.barrier barrier_id(%barrier3A)
    %dma_wait3A_106 = arith.constant 0 : i32
    %dma_wait3A_107 = arith.constant 0 : i32
    %dma_wait3A_108 = tpu.memref_slice %arg5[%dma_wait3A_106, %dma_wait3A_107] : memref<2x80xi32, #tpu.memory_space<vmem>> -> memref<1x80xi32, #tpu.memory_space<vmem>>
    %dma_wait3A_109 = tpu.memref_squeeze %dma_wait3A_108 : memref<1x80xi32, #tpu.memory_space<vmem>> -> memref<80xi32, #tpu.memory_space<vmem>>
    %dma_wait3A_110 = arith.constant 0 : i32
    %dma_wait3A_111 = arith.constant 0 : i32
    %dma_wait3A_112 = tpu.memref_slice %arg2[%dma_wait3A_110, %dma_wait3A_111] : memref<10000x128xf32, #tpu.memory_space<hbm>> -> memref<10000x128xf32, #tpu.memory_space<hbm>>
    tpu.wait_indirect_dma semaphore(%arg19 : memref<!tpu.dma_semaphore, #tpu.memory_space<semaphore_mem>>) src(%dma_wait3A_112 : memref<10000x128xf32, #tpu.memory_space<hbm>>) dst(%arg13 : memref<80x128xf32, #tpu.memory_space<vmem>>)
    %dma_start3A_113 = arith.constant 1 : i32
    %dma_start3A_114 = arith.constant 0 : i32
    %dma_start3A_115 = tpu.memref_slice %arg5[%dma_start3A_113, %dma_start3A_114] : memref<2x80xi32, #tpu.memory_space<vmem>> -> memref<1x80xi32, #tpu.memory_space<vmem>>
    %dma_start3A_116 = tpu.memref_squeeze %dma_start3A_115 : memref<1x80xi32, #tpu.memory_space<vmem>> -> memref<80xi32, #tpu.memory_space<vmem>>
    %dma_start3A_117 = arith.constant 0 : i32
    %dma_start3A_118 = arith.constant 0 : i32
    %dma_start3A_119 = tpu.memref_slice %arg18[%dma_start3A_117, %dma_start3A_118] : memref<10240x128xf32, #tpu.memory_space<vmem_shared>> -> memref<10240x128xf32, #tpu.memory_space<vmem_shared>>
    tpu.enqueue_indirect_dma source(%arg13 : memref<80x128xf32, #tpu.memory_space<vmem>>) target(%dma_start3A_119 : memref<10240x128xf32, #tpu.memory_space<vmem_shared>>) offsets(%dma_start3A_116 : memref<80xi32, #tpu.memory_space<vmem>>) semaphore(%arg23 : memref<!tpu.dma_semaphore, #tpu.memory_space<semaphore_mem>>) {add = true}
    %dma_start3A_120 = arith.constant 6 : i32
    %dma_start3A_121 = arith.constant 0 : i32
    %dma_start3A_122 = arith.constant 0 : i32
    %dma_start3A_123 = tpu.memref_slice %arg3[%add3A, %dma_start3A_120, %dma_start3A_121, %dma_start3A_122] : memref<32x125x2x80xi32, #tpu.memory_space<hbm>> -> memref<1x1x2x80xi32, #tpu.memory_space<hbm>>
    %dma_start3A_124 = tpu.memref_squeeze %dma_start3A_123 : memref<1x1x2x80xi32, #tpu.memory_space<hbm>> -> memref<2x80xi32, #tpu.memory_space<hbm>>
    %dma_start3A_125 = arith.constant 0 : i32
    %dma_start3A_126 = arith.constant 0 : i32
    %dma_start3A_127 = tpu.memref_slice %arg3[%add3A, %dma_start3A_120, %dma_start3A_125, %dma_start3A_126] : memref<32x125x2x80xi32, #tpu.memory_space<hbm>> -> memref<1x1x2x80xi32, #tpu.memory_space<hbm>>
    %dma_start3A_128 = tpu.memref_squeeze %dma_start3A_127 : memref<1x1x2x80xi32, #tpu.memory_space<hbm>> -> memref<2x80xi32, #tpu.memory_space<hbm>>
    tpu.enqueue_dma source(%dma_start3A_128 : memref<2x80xi32, #tpu.memory_space<hbm>>) target(%arg11 : memref<2x80xi32, #tpu.memory_space<vmem>>) target_semaphore(%arg33 : memref<!tpu.dma_semaphore, #tpu.memory_space<semaphore_mem>>)
    %dma_wait3A_129 = arith.constant 0 : i32
    %dma_wait3A_130 = arith.constant 0 : i32
    %dma_wait3A_131 = arith.constant 0 : i32
    %dma_wait3A_132 = arith.constant 0 : i32
    %dma_wait3A_133 = tpu.memref_slice %arg3[%dma_wait3A_129, %dma_wait3A_130, %dma_wait3A_131, %dma_wait3A_132] : memref<32x125x2x80xi32, #tpu.memory_space<hbm>> -> memref<1x1x2x80xi32, #tpu.memory_space<hbm>>
    %dma_wait3A_134 = tpu.memref_squeeze %dma_wait3A_133 : memref<1x1x2x80xi32, #tpu.memory_space<hbm>> -> memref<2x80xi32, #tpu.memory_space<hbm>>
    %dma_wait3A_135 = arith.constant 0 : i32
    %dma_wait3A_136 = arith.constant 0 : i32
    %dma_wait3A_137 = tpu.memref_slice %arg3[%dma_wait3A_129, %dma_wait3A_130, %dma_wait3A_135, %dma_wait3A_136] : memref<32x125x2x80xi32, #tpu.memory_space<hbm>> -> memref<1x1x2x80xi32, #tpu.memory_space<hbm>>
    %dma_wait3A_138 = tpu.memref_squeeze %dma_wait3A_137 : memref<1x1x2x80xi32, #tpu.memory_space<hbm>> -> memref<2x80xi32, #tpu.memory_space<hbm>>
    tpu.wait_dma2 semaphore(%arg29 : memref<!tpu.dma_semaphore, #tpu.memory_space<semaphore_mem>>) src(%dma_wait3A_138 : memref<2x80xi32, #tpu.memory_space<hbm>>) dst(%arg7 : memref<2x80xi32, #tpu.memory_space<vmem>>)
    %dma_start3A_139 = arith.constant 0 : i32
    %dma_start3A_140 = arith.constant 0 : i32
    %dma_start3A_141 = tpu.memref_slice %arg7[%dma_start3A_139, %dma_start3A_140] : memref<2x80xi32, #tpu.memory_space<vmem>> -> memref<1x80xi32, #tpu.memory_space<vmem>>
    %dma_start3A_142 = tpu.memref_squeeze %dma_start3A_141 : memref<1x80xi32, #tpu.memory_space<vmem>> -> memref<80xi32, #tpu.memory_space<vmem>>
    %dma_start3A_143 = arith.constant 0 : i32
    %dma_start3A_144 = arith.constant 0 : i32
    %dma_start3A_145 = tpu.memref_slice %arg2[%dma_start3A_143, %dma_start3A_144] : memref<10000x128xf32, #tpu.memory_space<hbm>> -> memref<10000x128xf32, #tpu.memory_space<hbm>>
    tpu.enqueue_indirect_dma source(%dma_start3A_145 : memref<10000x128xf32, #tpu.memory_space<hbm>>) target(%arg15 : memref<80x128xf32, #tpu.memory_space<vmem>>) offsets(%dma_start3A_142 : memref<80xi32, #tpu.memory_space<vmem>>) semaphore(%arg21 : memref<!tpu.dma_semaphore, #tpu.memory_space<semaphore_mem>>)
    %dma_wait3A_146 = arith.constant 0 : i32
    %dma_wait3A_147 = arith.constant 0 : i32
    %dma_wait3A_148 = tpu.memref_slice %arg5[%dma_wait3A_146, %dma_wait3A_147] : memref<2x80xi32, #tpu.memory_space<vmem>> -> memref<1x80xi32, #tpu.memory_space<vmem>>
    %dma_wait3A_149 = tpu.memref_squeeze %dma_wait3A_148 : memref<1x80xi32, #tpu.memory_space<vmem>> -> memref<80xi32, #tpu.memory_space<vmem>>
    %dma_wait3A_150 = arith.constant 0 : i32
    %dma_wait3A_151 = arith.constant 0 : i32
    %dma_wait3A_152 = tpu.memref_slice %arg2[%dma_wait3A_150, %dma_wait3A_151] : memref<10000x128xf32, #tpu.memory_space<hbm>> -> memref<10000x128xf32, #tpu.memory_space<hbm>>
    tpu.wait_indirect_dma semaphore(%arg20 : memref<!tpu.dma_semaphore, #tpu.memory_space<semaphore_mem>>) src(%dma_wait3A_152 : memref<10000x128xf32, #tpu.memory_space<hbm>>) dst(%arg14 : memref<80x128xf32, #tpu.memory_space<vmem>>)
    %dma_start3A_153 = arith.constant 1 : i32
    %dma_start3A_154 = arith.constant 0 : i32
    %dma_start3A_155 = tpu.memref_slice %arg6[%dma_start3A_153, %dma_start3A_154] : memref<2x80xi32, #tpu.memory_space<vmem>> -> memref<1x80xi32, #tpu.memory_space<vmem>>
    %dma_start3A_156 = tpu.memref_squeeze %dma_start3A_155 : memref<1x80xi32, #tpu.memory_space<vmem>> -> memref<80xi32, #tpu.memory_space<vmem>>
    %dma_start3A_157 = arith.constant 0 : i32
    %dma_start3A_158 = arith.constant 0 : i32
    %dma_start3A_159 = tpu.memref_slice %arg18[%dma_start3A_157, %dma_start3A_158] : memref<10240x128xf32, #tpu.memory_space<vmem_shared>> -> memref<10240x128xf32, #tpu.memory_space<vmem_shared>>
    tpu.enqueue_indirect_dma source(%arg14 : memref<80x128xf32, #tpu.memory_space<vmem>>) target(%dma_start3A_159 : memref<10240x128xf32, #tpu.memory_space<vmem_shared>>) offsets(%dma_start3A_156 : memref<80xi32, #tpu.memory_space<vmem>>) semaphore(%arg24 : memref<!tpu.dma_semaphore, #tpu.memory_space<semaphore_mem>>) {add = true}
    %dma_start3A_160 = arith.constant 7 : i32
    %dma_start3A_161 = arith.constant 0 : i32
    %dma_start3A_162 = arith.constant 0 : i32
    %dma_start3A_163 = tpu.memref_slice %arg3[%add3A, %dma_start3A_160, %dma_start3A_161, %dma_start3A_162] : memref<32x125x2x80xi32, #tpu.memory_space<hbm>> -> memref<1x1x2x80xi32, #tpu.memory_space<hbm>>
    %dma_start3A_164 = tpu.memref_squeeze %dma_start3A_163 : memref<1x1x2x80xi32, #tpu.memory_space<hbm>> -> memref<2x80xi32, #tpu.memory_space<hbm>>
    %dma_start3A_165 = arith.constant 0 : i32
    %dma_start3A_166 = arith.constant 0 : i32
    %dma_start3A_167 = tpu.memref_slice %arg3[%add3A, %dma_start3A_160, %dma_start3A_165, %dma_start3A_166] : memref<32x125x2x80xi32, #tpu.memory_space<hbm>> -> memref<1x1x2x80xi32, #tpu.memory_space<hbm>>
    %dma_start3A_168 = tpu.memref_squeeze %dma_start3A_167 : memref<1x1x2x80xi32, #tpu.memory_space<hbm>> -> memref<2x80xi32, #tpu.memory_space<hbm>>
    tpu.enqueue_dma source(%dma_start3A_168 : memref<2x80xi32, #tpu.memory_space<hbm>>) target(%arg12 : memref<2x80xi32, #tpu.memory_space<vmem>>) target_semaphore(%arg34 : memref<!tpu.dma_semaphore, #tpu.memory_space<semaphore_mem>>)
    %dma_wait3A_169 = arith.constant 0 : i32
    %dma_wait3A_170 = arith.constant 0 : i32
    %dma_wait3A_171 = arith.constant 0 : i32
    %dma_wait3A_172 = arith.constant 0 : i32
    %dma_wait3A_173 = tpu.memref_slice %arg3[%dma_wait3A_169, %dma_wait3A_170, %dma_wait3A_171, %dma_wait3A_172] : memref<32x125x2x80xi32, #tpu.memory_space<hbm>> -> memref<1x1x2x80xi32, #tpu.memory_space<hbm>>
    %dma_wait3A_174 = tpu.memref_squeeze %dma_wait3A_173 : memref<1x1x2x80xi32, #tpu.memory_space<hbm>> -> memref<2x80xi32, #tpu.memory_space<hbm>>
    %dma_wait3A_175 = arith.constant 0 : i32
    %dma_wait3A_176 = arith.constant 0 : i32
    %dma_wait3A_177 = tpu.memref_slice %arg3[%dma_wait3A_169, %dma_wait3A_170, %dma_wait3A_175, %dma_wait3A_176] : memref<32x125x2x80xi32, #tpu.memory_space<hbm>> -> memref<1x1x2x80xi32, #tpu.memory_space<hbm>>
    %dma_wait3A_178 = tpu.memref_squeeze %dma_wait3A_177 : memref<1x1x2x80xi32, #tpu.memory_space<hbm>> -> memref<2x80xi32, #tpu.memory_space<hbm>>
    tpu.wait_dma2 semaphore(%arg30 : memref<!tpu.dma_semaphore, #tpu.memory_space<semaphore_mem>>) src(%dma_wait3A_178 : memref<2x80xi32, #tpu.memory_space<hbm>>) dst(%arg8 : memref<2x80xi32, #tpu.memory_space<vmem>>)
    %dma_start3A_179 = arith.constant 0 : i32
    %dma_start3A_180 = arith.constant 0 : i32
    %dma_start3A_181 = tpu.memref_slice %arg8[%dma_start3A_179, %dma_start3A_180] : memref<2x80xi32, #tpu.memory_space<vmem>> -> memref<1x80xi32, #tpu.memory_space<vmem>>
    %dma_start3A_182 = tpu.memref_squeeze %dma_start3A_181 : memref<1x80xi32, #tpu.memory_space<vmem>> -> memref<80xi32, #tpu.memory_space<vmem>>
    %dma_start3A_183 = arith.constant 0 : i32
    %dma_start3A_184 = arith.constant 0 : i32
    %dma_start3A_185 = tpu.memref_slice %arg2[%dma_start3A_183, %dma_start3A_184] : memref<10000x128xf32, #tpu.memory_space<hbm>> -> memref<10000x128xf32, #tpu.memory_space<hbm>>
    tpu.enqueue_indirect_dma source(%dma_start3A_185 : memref<10000x128xf32, #tpu.memory_space<hbm>>) target(%arg16 : memref<80x128xf32, #tpu.memory_space<vmem>>) offsets(%dma_start3A_182 : memref<80xi32, #tpu.memory_space<vmem>>) semaphore(%arg22 : memref<!tpu.dma_semaphore, #tpu.memory_space<semaphore_mem>>)
    %scan3A_186 = arith.constant 0 : i32
    %scan3A_187 = arith.constant 0 : i32
    %scan3A_188 = arith.constant 14 : i32
    %scan3A_189 = arith.addi %scan3A_187, %scan3A_188 : i32
    %scan3A_190 = arith.constant 1 : i32
    scf.for %scan3A_636 = %scan3A_187 to %scan3A_189 step %scan3A_190  : i32 {
      %mul3A_637 = arith.constant 8 : i32
      %mul3A_638 = arith.muli %mul3A_637, %scan3A_636 : i32
      %add3A_639 = arith.constant 2 : i32
      %add3A_640 = arith.addi %mul3A_638, %add3A_639 : i32
      %add3A_641 = arith.constant 0 : i32
      %add3A_642 = arith.addi %add3A_640, %add3A_641 : i32
      %add3A_643 = arith.constant 6 : i32
      %add3A_644 = arith.addi %add3A_642, %add3A_643 : i32
      %dma_wait3A_645 = arith.constant 0 : i32
      %dma_wait3A_646 = arith.constant 0 : i32
      %dma_wait3A_647 = tpu.memref_slice %arg5[%dma_wait3A_645, %dma_wait3A_646] : memref<2x80xi32, #tpu.memory_space<vmem>> -> memref<1x80xi32, #tpu.memory_space<vmem>>
      %dma_wait3A_648 = tpu.memref_squeeze %dma_wait3A_647 : memref<1x80xi32, #tpu.memory_space<vmem>> -> memref<80xi32, #tpu.memory_space<vmem>>
      %dma_wait3A_649 = arith.constant 0 : i32
      %dma_wait3A_650 = arith.constant 0 : i32
      %dma_wait3A_651 = tpu.memref_slice %arg2[%dma_wait3A_649, %dma_wait3A_650] : memref<10000x128xf32, #tpu.memory_space<hbm>> -> memref<10000x128xf32, #tpu.memory_space<hbm>>
      tpu.wait_indirect_dma semaphore(%arg21 : memref<!tpu.dma_semaphore, #tpu.memory_space<semaphore_mem>>) src(%dma_wait3A_651 : memref<10000x128xf32, #tpu.memory_space<hbm>>) dst(%arg15 : memref<80x128xf32, #tpu.memory_space<vmem>>)
      %dma_start3A_652 = arith.constant 1 : i32
      %dma_start3A_653 = arith.constant 0 : i32
      %dma_start3A_654 = tpu.memref_slice %arg7[%dma_start3A_652, %dma_start3A_653] : memref<2x80xi32, #tpu.memory_space<vmem>> -> memref<1x80xi32, #tpu.memory_space<vmem>>
      %dma_start3A_655 = tpu.memref_squeeze %dma_start3A_654 : memref<1x80xi32, #tpu.memory_space<vmem>> -> memref<80xi32, #tpu.memory_space<vmem>>
      %dma_start3A_656 = arith.constant 0 : i32
      %dma_start3A_657 = arith.constant 0 : i32
      %dma_start3A_658 = tpu.memref_slice %arg18[%dma_start3A_656, %dma_start3A_657] : memref<10240x128xf32, #tpu.memory_space<vmem_shared>> -> memref<10240x128xf32, #tpu.memory_space<vmem_shared>>
      tpu.enqueue_indirect_dma source(%arg15 : memref<80x128xf32, #tpu.memory_space<vmem>>) target(%dma_start3A_658 : memref<10240x128xf32, #tpu.memory_space<vmem_shared>>) offsets(%dma_start3A_655 : memref<80xi32, #tpu.memory_space<vmem>>) semaphore(%arg25 : memref<!tpu.dma_semaphore, #tpu.memory_space<semaphore_mem>>) {add = true}
      %dma_wait3A_659 = arith.constant 1 : i32
      %dma_wait3A_660 = arith.constant 0 : i32
      %dma_wait3A_661 = tpu.memref_slice %arg5[%dma_wait3A_659, %dma_wait3A_660] : memref<2x80xi32, #tpu.memory_space<vmem>> -> memref<1x80xi32, #tpu.memory_space<vmem>>
      %dma_wait3A_662 = tpu.memref_squeeze %dma_wait3A_661 : memref<1x80xi32, #tpu.memory_space<vmem>> -> memref<80xi32, #tpu.memory_space<vmem>>
      %dma_wait3A_663 = arith.constant 0 : i32
      %dma_wait3A_664 = arith.constant 0 : i32
      %dma_wait3A_665 = tpu.memref_slice %arg18[%dma_wait3A_663, %dma_wait3A_664] : memref<10240x128xf32, #tpu.memory_space<vmem_shared>> -> memref<10240x128xf32, #tpu.memory_space<vmem_shared>>
      tpu.wait_indirect_dma semaphore(%arg23 : memref<!tpu.dma_semaphore, #tpu.memory_space<semaphore_mem>>) src(%arg13 : memref<80x128xf32, #tpu.memory_space<vmem>>) dst(%dma_wait3A_665 : memref<10240x128xf32, #tpu.memory_space<vmem_shared>>)
      %dma_start3A_666 = arith.constant 0 : i32
      %dma_start3A_667 = arith.constant 0 : i32
      %dma_start3A_668 = tpu.memref_slice %arg3[%add3A, %add3A_644, %dma_start3A_666, %dma_start3A_667] : memref<32x125x2x80xi32, #tpu.memory_space<hbm>> -> memref<1x1x2x80xi32, #tpu.memory_space<hbm>>
      %dma_start3A_669 = tpu.memref_squeeze %dma_start3A_668 : memref<1x1x2x80xi32, #tpu.memory_space<hbm>> -> memref<2x80xi32, #tpu.memory_space<hbm>>
      %dma_start3A_670 = arith.constant 0 : i32
      %dma_start3A_671 = arith.constant 0 : i32
      %dma_start3A_672 = tpu.memref_slice %arg3[%add3A, %add3A_644, %dma_start3A_670, %dma_start3A_671] : memref<32x125x2x80xi32, #tpu.memory_space<hbm>> -> memref<1x1x2x80xi32, #tpu.memory_space<hbm>>
      %dma_start3A_673 = tpu.memref_squeeze %dma_start3A_672 : memref<1x1x2x80xi32, #tpu.memory_space<hbm>> -> memref<2x80xi32, #tpu.memory_space<hbm>>
      tpu.enqueue_dma source(%dma_start3A_673 : memref<2x80xi32, #tpu.memory_space<hbm>>) target(%arg5 : memref<2x80xi32, #tpu.memory_space<vmem>>) target_semaphore(%arg27 : memref<!tpu.dma_semaphore, #tpu.memory_space<semaphore_mem>>)
      %dma_wait3A_674 = arith.constant 0 : i32
      %dma_wait3A_675 = arith.constant 0 : i32
      %dma_wait3A_676 = arith.constant 0 : i32
      %dma_wait3A_677 = arith.constant 0 : i32
      %dma_wait3A_678 = tpu.memref_slice %arg3[%dma_wait3A_674, %dma_wait3A_675, %dma_wait3A_676, %dma_wait3A_677] : memref<32x125x2x80xi32, #tpu.memory_space<hbm>> -> memref<1x1x2x80xi32, #tpu.memory_space<hbm>>
      %dma_wait3A_679 = tpu.memref_squeeze %dma_wait3A_678 : memref<1x1x2x80xi32, #tpu.memory_space<hbm>> -> memref<2x80xi32, #tpu.memory_space<hbm>>
      %dma_wait3A_680 = arith.constant 0 : i32
      %dma_wait3A_681 = arith.constant 0 : i32
      %dma_wait3A_682 = tpu.memref_slice %arg3[%dma_wait3A_674, %dma_wait3A_675, %dma_wait3A_680, %dma_wait3A_681] : memref<32x125x2x80xi32, #tpu.memory_space<hbm>> -> memref<1x1x2x80xi32, #tpu.memory_space<hbm>>
      %dma_wait3A_683 = tpu.memref_squeeze %dma_wait3A_682 : memref<1x1x2x80xi32, #tpu.memory_space<hbm>> -> memref<2x80xi32, #tpu.memory_space<hbm>>
      tpu.wait_dma2 semaphore(%arg31 : memref<!tpu.dma_semaphore, #tpu.memory_space<semaphore_mem>>) src(%dma_wait3A_683 : memref<2x80xi32, #tpu.memory_space<hbm>>) dst(%arg9 : memref<2x80xi32, #tpu.memory_space<vmem>>)
      %dma_start3A_684 = arith.constant 0 : i32
      %dma_start3A_685 = arith.constant 0 : i32
      %dma_start3A_686 = tpu.memref_slice %arg9[%dma_start3A_684, %dma_start3A_685] : memref<2x80xi32, #tpu.memory_space<vmem>> -> memref<1x80xi32, #tpu.memory_space<vmem>>
      %dma_start3A_687 = tpu.memref_squeeze %dma_start3A_686 : memref<1x80xi32, #tpu.memory_space<vmem>> -> memref<80xi32, #tpu.memory_space<vmem>>
      %dma_start3A_688 = arith.constant 0 : i32
      %dma_start3A_689 = arith.constant 0 : i32
      %dma_start3A_690 = tpu.memref_slice %arg2[%dma_start3A_688, %dma_start3A_689] : memref<10000x128xf32, #tpu.memory_space<hbm>> -> memref<10000x128xf32, #tpu.memory_space<hbm>>
      tpu.enqueue_indirect_dma source(%dma_start3A_690 : memref<10000x128xf32, #tpu.memory_space<hbm>>) target(%arg13 : memref<80x128xf32, #tpu.memory_space<vmem>>) offsets(%dma_start3A_687 : memref<80xi32, #tpu.memory_space<vmem>>) semaphore(%arg19 : memref<!tpu.dma_semaphore, #tpu.memory_space<semaphore_mem>>)
      %add3A_691 = arith.constant 1 : i32
      %add3A_692 = arith.addi %add3A_640, %add3A_691 : i32
      %add3A_693 = arith.constant 6 : i32
      %add3A_694 = arith.addi %add3A_692, %add3A_693 : i32
      %dma_wait3A_695 = arith.constant 0 : i32
      %dma_wait3A_696 = arith.constant 0 : i32
      %dma_wait3A_697 = tpu.memref_slice %arg5[%dma_wait3A_695, %dma_wait3A_696] : memref<2x80xi32, #tpu.memory_space<vmem>> -> memref<1x80xi32, #tpu.memory_space<vmem>>
      %dma_wait3A_698 = tpu.memref_squeeze %dma_wait3A_697 : memref<1x80xi32, #tpu.memory_space<vmem>> -> memref<80xi32, #tpu.memory_space<vmem>>
      %dma_wait3A_699 = arith.constant 0 : i32
      %dma_wait3A_700 = arith.constant 0 : i32
      %dma_wait3A_701 = tpu.memref_slice %arg2[%dma_wait3A_699, %dma_wait3A_700] : memref<10000x128xf32, #tpu.memory_space<hbm>> -> memref<10000x128xf32, #tpu.memory_space<hbm>>
      tpu.wait_indirect_dma semaphore(%arg22 : memref<!tpu.dma_semaphore, #tpu.memory_space<semaphore_mem>>) src(%dma_wait3A_701 : memref<10000x128xf32, #tpu.memory_space<hbm>>) dst(%arg16 : memref<80x128xf32, #tpu.memory_space<vmem>>)
      %dma_start3A_702 = arith.constant 1 : i32
      %dma_start3A_703 = arith.constant 0 : i32
      %dma_start3A_704 = tpu.memref_slice %arg8[%dma_start3A_702, %dma_start3A_703] : memref<2x80xi32, #tpu.memory_space<vmem>> -> memref<1x80xi32, #tpu.memory_space<vmem>>
      %dma_start3A_705 = tpu.memref_squeeze %dma_start3A_704 : memref<1x80xi32, #tpu.memory_space<vmem>> -> memref<80xi32, #tpu.memory_space<vmem>>
      %dma_start3A_706 = arith.constant 0 : i32
      %dma_start3A_707 = arith.constant 0 : i32
      %dma_start3A_708 = tpu.memref_slice %arg18[%dma_start3A_706, %dma_start3A_707] : memref<10240x128xf32, #tpu.memory_space<vmem_shared>> -> memref<10240x128xf32, #tpu.memory_space<vmem_shared>>
      tpu.enqueue_indirect_dma source(%arg16 : memref<80x128xf32, #tpu.memory_space<vmem>>) target(%dma_start3A_708 : memref<10240x128xf32, #tpu.memory_space<vmem_shared>>) offsets(%dma_start3A_705 : memref<80xi32, #tpu.memory_space<vmem>>) semaphore(%arg26 : memref<!tpu.dma_semaphore, #tpu.memory_space<semaphore_mem>>) {add = true}
      %dma_wait3A_709 = arith.constant 1 : i32
      %dma_wait3A_710 = arith.constant 0 : i32
      %dma_wait3A_711 = tpu.memref_slice %arg5[%dma_wait3A_709, %dma_wait3A_710] : memref<2x80xi32, #tpu.memory_space<vmem>> -> memref<1x80xi32, #tpu.memory_space<vmem>>
      %dma_wait3A_712 = tpu.memref_squeeze %dma_wait3A_711 : memref<1x80xi32, #tpu.memory_space<vmem>> -> memref<80xi32, #tpu.memory_space<vmem>>
      %dma_wait3A_713 = arith.constant 0 : i32
      %dma_wait3A_714 = arith.constant 0 : i32
      %dma_wait3A_715 = tpu.memref_slice %arg18[%dma_wait3A_713, %dma_wait3A_714] : memref<10240x128xf32, #tpu.memory_space<vmem_shared>> -> memref<10240x128xf32, #tpu.memory_space<vmem_shared>>
      tpu.wait_indirect_dma semaphore(%arg24 : memref<!tpu.dma_semaphore, #tpu.memory_space<semaphore_mem>>) src(%arg14 : memref<80x128xf32, #tpu.memory_space<vmem>>) dst(%dma_wait3A_715 : memref<10240x128xf32, #tpu.memory_space<vmem_shared>>)
      %dma_start3A_716 = arith.constant 0 : i32
      %dma_start3A_717 = arith.constant 0 : i32
      %dma_start3A_718 = tpu.memref_slice %arg3[%add3A, %add3A_694, %dma_start3A_716, %dma_start3A_717] : memref<32x125x2x80xi32, #tpu.memory_space<hbm>> -> memref<1x1x2x80xi32, #tpu.memory_space<hbm>>
      %dma_start3A_719 = tpu.memref_squeeze %dma_start3A_718 : memref<1x1x2x80xi32, #tpu.memory_space<hbm>> -> memref<2x80xi32, #tpu.memory_space<hbm>>
      %dma_start3A_720 = arith.constant 0 : i32
      %dma_start3A_721 = arith.constant 0 : i32
      %dma_start3A_722 = tpu.memref_slice %arg3[%add3A, %add3A_694, %dma_start3A_720, %dma_start3A_721] : memref<32x125x2x80xi32, #tpu.memory_space<hbm>> -> memref<1x1x2x80xi32, #tpu.memory_space<hbm>>
      %dma_start3A_723 = tpu.memref_squeeze %dma_start3A_722 : memref<1x1x2x80xi32, #tpu.memory_space<hbm>> -> memref<2x80xi32, #tpu.memory_space<hbm>>
      tpu.enqueue_dma source(%dma_start3A_723 : memref<2x80xi32, #tpu.memory_space<hbm>>) target(%arg6 : memref<2x80xi32, #tpu.memory_space<vmem>>) target_semaphore(%arg28 : memref<!tpu.dma_semaphore, #tpu.memory_space<semaphore_mem>>)
      %dma_wait3A_724 = arith.constant 0 : i32
      %dma_wait3A_725 = arith.constant 0 : i32
      %dma_wait3A_726 = arith.constant 0 : i32
      %dma_wait3A_727 = arith.constant 0 : i32
      %dma_wait3A_728 = tpu.memref_slice %arg3[%dma_wait3A_724, %dma_wait3A_725, %dma_wait3A_726, %dma_wait3A_727] : memref<32x125x2x80xi32, #tpu.memory_space<hbm>> -> memref<1x1x2x80xi32, #tpu.memory_space<hbm>>
      %dma_wait3A_729 = tpu.memref_squeeze %dma_wait3A_728 : memref<1x1x2x80xi32, #tpu.memory_space<hbm>> -> memref<2x80xi32, #tpu.memory_space<hbm>>
      %dma_wait3A_730 = arith.constant 0 : i32
      %dma_wait3A_731 = arith.constant 0 : i32
      %dma_wait3A_732 = tpu.memref_slice %arg3[%dma_wait3A_724, %dma_wait3A_725, %dma_wait3A_730, %dma_wait3A_731] : memref<32x125x2x80xi32, #tpu.memory_space<hbm>> -> memref<1x1x2x80xi32, #tpu.memory_space<hbm>>
      %dma_wait3A_733 = tpu.memref_squeeze %dma_wait3A_732 : memref<1x1x2x80xi32, #tpu.memory_space<hbm>> -> memref<2x80xi32, #tpu.memory_space<hbm>>
      tpu.wait_dma2 semaphore(%arg32 : memref<!tpu.dma_semaphore, #tpu.memory_space<semaphore_mem>>) src(%dma_wait3A_733 : memref<2x80xi32, #tpu.memory_space<hbm>>) dst(%arg10 : memref<2x80xi32, #tpu.memory_space<vmem>>)
      %dma_start3A_734 = arith.constant 0 : i32
      %dma_start3A_735 = arith.constant 0 : i32
      %dma_start3A_736 = tpu.memref_slice %arg10[%dma_start3A_734, %dma_start3A_735] : memref<2x80xi32, #tpu.memory_space<vmem>> -> memref<1x80xi32, #tpu.memory_space<vmem>>
      %dma_start3A_737 = tpu.memref_squeeze %dma_start3A_736 : memref<1x80xi32, #tpu.memory_space<vmem>> -> memref<80xi32, #tpu.memory_space<vmem>>
      %dma_start3A_738 = arith.constant 0 : i32
      %dma_start3A_739 = arith.constant 0 : i32
      %dma_start3A_740 = tpu.memref_slice %arg2[%dma_start3A_738, %dma_start3A_739] : memref<10000x128xf32, #tpu.memory_space<hbm>> -> memref<10000x128xf32, #tpu.memory_space<hbm>>
      tpu.enqueue_indirect_dma source(%dma_start3A_740 : memref<10000x128xf32, #tpu.memory_space<hbm>>) target(%arg14 : memref<80x128xf32, #tpu.memory_space<vmem>>) offsets(%dma_start3A_737 : memref<80xi32, #tpu.memory_space<vmem>>) semaphore(%arg20 : memref<!tpu.dma_semaphore, #tpu.memory_space<semaphore_mem>>)
      %add3A_741 = arith.constant 2 : i32
      %add3A_742 = arith.addi %add3A_640, %add3A_741 : i32
      %add3A_743 = arith.constant 6 : i32
      %add3A_744 = arith.addi %add3A_742, %add3A_743 : i32
      %dma_wait3A_745 = arith.constant 0 : i32
      %dma_wait3A_746 = arith.constant 0 : i32
      %dma_wait3A_747 = tpu.memref_slice %arg5[%dma_wait3A_745, %dma_wait3A_746] : memref<2x80xi32, #tpu.memory_space<vmem>> -> memref<1x80xi32, #tpu.memory_space<vmem>>
      %dma_wait3A_748 = tpu.memref_squeeze %dma_wait3A_747 : memref<1x80xi32, #tpu.memory_space<vmem>> -> memref<80xi32, #tpu.memory_space<vmem>>
      %dma_wait3A_749 = arith.constant 0 : i32
      %dma_wait3A_750 = arith.constant 0 : i32
      %dma_wait3A_751 = tpu.memref_slice %arg2[%dma_wait3A_749, %dma_wait3A_750] : memref<10000x128xf32, #tpu.memory_space<hbm>> -> memref<10000x128xf32, #tpu.memory_space<hbm>>
      tpu.wait_indirect_dma semaphore(%arg19 : memref<!tpu.dma_semaphore, #tpu.memory_space<semaphore_mem>>) src(%dma_wait3A_751 : memref<10000x128xf32, #tpu.memory_space<hbm>>) dst(%arg13 : memref<80x128xf32, #tpu.memory_space<vmem>>)
      %dma_start3A_752 = arith.constant 1 : i32
      %dma_start3A_753 = arith.constant 0 : i32
      %dma_start3A_754 = tpu.memref_slice %arg9[%dma_start3A_752, %dma_start3A_753] : memref<2x80xi32, #tpu.memory_space<vmem>> -> memref<1x80xi32, #tpu.memory_space<vmem>>
      %dma_start3A_755 = tpu.memref_squeeze %dma_start3A_754 : memref<1x80xi32, #tpu.memory_space<vmem>> -> memref<80xi32, #tpu.memory_space<vmem>>
      %dma_start3A_756 = arith.constant 0 : i32
      %dma_start3A_757 = arith.constant 0 : i32
      %dma_start3A_758 = tpu.memref_slice %arg18[%dma_start3A_756, %dma_start3A_757] : memref<10240x128xf32, #tpu.memory_space<vmem_shared>> -> memref<10240x128xf32, #tpu.memory_space<vmem_shared>>
      tpu.enqueue_indirect_dma source(%arg13 : memref<80x128xf32, #tpu.memory_space<vmem>>) target(%dma_start3A_758 : memref<10240x128xf32, #tpu.memory_space<vmem_shared>>) offsets(%dma_start3A_755 : memref<80xi32, #tpu.memory_space<vmem>>) semaphore(%arg23 : memref<!tpu.dma_semaphore, #tpu.memory_space<semaphore_mem>>) {add = true}
      %dma_wait3A_759 = arith.constant 1 : i32
      %dma_wait3A_760 = arith.constant 0 : i32
      %dma_wait3A_761 = tpu.memref_slice %arg5[%dma_wait3A_759, %dma_wait3A_760] : memref<2x80xi32, #tpu.memory_space<vmem>> -> memref<1x80xi32, #tpu.memory_space<vmem>>
      %dma_wait3A_762 = tpu.memref_squeeze %dma_wait3A_761 : memref<1x80xi32, #tpu.memory_space<vmem>> -> memref<80xi32, #tpu.memory_space<vmem>>
      %dma_wait3A_763 = arith.constant 0 : i32
      %dma_wait3A_764 = arith.constant 0 : i32
      %dma_wait3A_765 = tpu.memref_slice %arg18[%dma_wait3A_763, %dma_wait3A_764] : memref<10240x128xf32, #tpu.memory_space<vmem_shared>> -> memref<10240x128xf32, #tpu.memory_space<vmem_shared>>
      tpu.wait_indirect_dma semaphore(%arg25 : memref<!tpu.dma_semaphore, #tpu.memory_space<semaphore_mem>>) src(%arg15 : memref<80x128xf32, #tpu.memory_space<vmem>>) dst(%dma_wait3A_765 : memref<10240x128xf32, #tpu.memory_space<vmem_shared>>)
      %dma_start3A_766 = arith.constant 0 : i32
      %dma_start3A_767 = arith.constant 0 : i32
      %dma_start3A_768 = tpu.memref_slice %arg3[%add3A, %add3A_744, %dma_start3A_766, %dma_start3A_767] : memref<32x125x2x80xi32, #tpu.memory_space<hbm>> -> memref<1x1x2x80xi32, #tpu.memory_space<hbm>>
      %dma_start3A_769 = tpu.memref_squeeze %dma_start3A_768 : memref<1x1x2x80xi32, #tpu.memory_space<hbm>> -> memref<2x80xi32, #tpu.memory_space<hbm>>
      %dma_start3A_770 = arith.constant 0 : i32
      %dma_start3A_771 = arith.constant 0 : i32
      %dma_start3A_772 = tpu.memref_slice %arg3[%add3A, %add3A_744, %dma_start3A_770, %dma_start3A_771] : memref<32x125x2x80xi32, #tpu.memory_space<hbm>> -> memref<1x1x2x80xi32, #tpu.memory_space<hbm>>
      %dma_start3A_773 = tpu.memref_squeeze %dma_start3A_772 : memref<1x1x2x80xi32, #tpu.memory_space<hbm>> -> memref<2x80xi32, #tpu.memory_space<hbm>>
      tpu.enqueue_dma source(%dma_start3A_773 : memref<2x80xi32, #tpu.memory_space<hbm>>) target(%arg7 : memref<2x80xi32, #tpu.memory_space<vmem>>) target_semaphore(%arg29 : memref<!tpu.dma_semaphore, #tpu.memory_space<semaphore_mem>>)
      %dma_wait3A_774 = arith.constant 0 : i32
      %dma_wait3A_775 = arith.constant 0 : i32
      %dma_wait3A_776 = arith.constant 0 : i32
      %dma_wait3A_777 = arith.constant 0 : i32
      %dma_wait3A_778 = tpu.memref_slice %arg3[%dma_wait3A_774, %dma_wait3A_775, %dma_wait3A_776, %dma_wait3A_777] : memref<32x125x2x80xi32, #tpu.memory_space<hbm>> -> memref<1x1x2x80xi32, #tpu.memory_space<hbm>>
      %dma_wait3A_779 = tpu.memref_squeeze %dma_wait3A_778 : memref<1x1x2x80xi32, #tpu.memory_space<hbm>> -> memref<2x80xi32, #tpu.memory_space<hbm>>
      %dma_wait3A_780 = arith.constant 0 : i32
      %dma_wait3A_781 = arith.constant 0 : i32
      %dma_wait3A_782 = tpu.memref_slice %arg3[%dma_wait3A_774, %dma_wait3A_775, %dma_wait3A_780, %dma_wait3A_781] : memref<32x125x2x80xi32, #tpu.memory_space<hbm>> -> memref<1x1x2x80xi32, #tpu.memory_space<hbm>>
      %dma_wait3A_783 = tpu.memref_squeeze %dma_wait3A_782 : memref<1x1x2x80xi32, #tpu.memory_space<hbm>> -> memref<2x80xi32, #tpu.memory_space<hbm>>
      tpu.wait_dma2 semaphore(%arg33 : memref<!tpu.dma_semaphore, #tpu.memory_space<semaphore_mem>>) src(%dma_wait3A_783 : memref<2x80xi32, #tpu.memory_space<hbm>>) dst(%arg11 : memref<2x80xi32, #tpu.memory_space<vmem>>)
      %dma_start3A_784 = arith.constant 0 : i32
      %dma_start3A_785 = arith.constant 0 : i32
      %dma_start3A_786 = tpu.memref_slice %arg11[%dma_start3A_784, %dma_start3A_785] : memref<2x80xi32, #tpu.memory_space<vmem>> -> memref<1x80xi32, #tpu.memory_space<vmem>>
      %dma_start3A_787 = tpu.memref_squeeze %dma_start3A_786 : memref<1x80xi32, #tpu.memory_space<vmem>> -> memref<80xi32, #tpu.memory_space<vmem>>
      %dma_start3A_788 = arith.constant 0 : i32
      %dma_start3A_789 = arith.constant 0 : i32
      %dma_start3A_790 = tpu.memref_slice %arg2[%dma_start3A_788, %dma_start3A_789] : memref<10000x128xf32, #tpu.memory_space<hbm>> -> memref<10000x128xf32, #tpu.memory_space<hbm>>
      tpu.enqueue_indirect_dma source(%dma_start3A_790 : memref<10000x128xf32, #tpu.memory_space<hbm>>) target(%arg15 : memref<80x128xf32, #tpu.memory_space<vmem>>) offsets(%dma_start3A_787 : memref<80xi32, #tpu.memory_space<vmem>>) semaphore(%arg21 : memref<!tpu.dma_semaphore, #tpu.memory_space<semaphore_mem>>)
      %add3A_791 = arith.constant 3 : i32
      %add3A_792 = arith.addi %add3A_640, %add3A_791 : i32
      %add3A_793 = arith.constant 6 : i32
      %add3A_794 = arith.addi %add3A_792, %add3A_793 : i32
      %dma_wait3A_795 = arith.constant 0 : i32
      %dma_wait3A_796 = arith.constant 0 : i32
      %dma_wait3A_797 = tpu.memref_slice %arg5[%dma_wait3A_795, %dma_wait3A_796] : memref<2x80xi32, #tpu.memory_space<vmem>> -> memref<1x80xi32, #tpu.memory_space<vmem>>
      %dma_wait3A_798 = tpu.memref_squeeze %dma_wait3A_797 : memref<1x80xi32, #tpu.memory_space<vmem>> -> memref<80xi32, #tpu.memory_space<vmem>>
      %dma_wait3A_799 = arith.constant 0 : i32
      %dma_wait3A_800 = arith.constant 0 : i32
      %dma_wait3A_801 = tpu.memref_slice %arg2[%dma_wait3A_799, %dma_wait3A_800] : memref<10000x128xf32, #tpu.memory_space<hbm>> -> memref<10000x128xf32, #tpu.memory_space<hbm>>
      tpu.wait_indirect_dma semaphore(%arg20 : memref<!tpu.dma_semaphore, #tpu.memory_space<semaphore_mem>>) src(%dma_wait3A_801 : memref<10000x128xf32, #tpu.memory_space<hbm>>) dst(%arg14 : memref<80x128xf32, #tpu.memory_space<vmem>>)
      %dma_start3A_802 = arith.constant 1 : i32
      %dma_start3A_803 = arith.constant 0 : i32
      %dma_start3A_804 = tpu.memref_slice %arg10[%dma_start3A_802, %dma_start3A_803] : memref<2x80xi32, #tpu.memory_space<vmem>> -> memref<1x80xi32, #tpu.memory_space<vmem>>
      %dma_start3A_805 = tpu.memref_squeeze %dma_start3A_804 : memref<1x80xi32, #tpu.memory_space<vmem>> -> memref<80xi32, #tpu.memory_space<vmem>>
      %dma_start3A_806 = arith.constant 0 : i32
      %dma_start3A_807 = arith.constant 0 : i32
      %dma_start3A_808 = tpu.memref_slice %arg18[%dma_start3A_806, %dma_start3A_807] : memref<10240x128xf32, #tpu.memory_space<vmem_shared>> -> memref<10240x128xf32, #tpu.memory_space<vmem_shared>>
      tpu.enqueue_indirect_dma source(%arg14 : memref<80x128xf32, #tpu.memory_space<vmem>>) target(%dma_start3A_808 : memref<10240x128xf32, #tpu.memory_space<vmem_shared>>) offsets(%dma_start3A_805 : memref<80xi32, #tpu.memory_space<vmem>>) semaphore(%arg24 : memref<!tpu.dma_semaphore, #tpu.memory_space<semaphore_mem>>) {add = true}
      %dma_wait3A_809 = arith.constant 1 : i32
      %dma_wait3A_810 = arith.constant 0 : i32
      %dma_wait3A_811 = tpu.memref_slice %arg5[%dma_wait3A_809, %dma_wait3A_810] : memref<2x80xi32, #tpu.memory_space<vmem>> -> memref<1x80xi32, #tpu.memory_space<vmem>>
      %dma_wait3A_812 = tpu.memref_squeeze %dma_wait3A_811 : memref<1x80xi32, #tpu.memory_space<vmem>> -> memref<80xi32, #tpu.memory_space<vmem>>
      %dma_wait3A_813 = arith.constant 0 : i32
      %dma_wait3A_814 = arith.constant 0 : i32
      %dma_wait3A_815 = tpu.memref_slice %arg18[%dma_wait3A_813, %dma_wait3A_814] : memref<10240x128xf32, #tpu.memory_space<vmem_shared>> -> memref<10240x128xf32, #tpu.memory_space<vmem_shared>>
      tpu.wait_indirect_dma semaphore(%arg26 : memref<!tpu.dma_semaphore, #tpu.memory_space<semaphore_mem>>) src(%arg16 : memref<80x128xf32, #tpu.memory_space<vmem>>) dst(%dma_wait3A_815 : memref<10240x128xf32, #tpu.memory_space<vmem_shared>>)
      %dma_start3A_816 = arith.constant 0 : i32
      %dma_start3A_817 = arith.constant 0 : i32
      %dma_start3A_818 = tpu.memref_slice %arg3[%add3A, %add3A_794, %dma_start3A_816, %dma_start3A_817] : memref<32x125x2x80xi32, #tpu.memory_space<hbm>> -> memref<1x1x2x80xi32, #tpu.memory_space<hbm>>
      %dma_start3A_819 = tpu.memref_squeeze %dma_start3A_818 : memref<1x1x2x80xi32, #tpu.memory_space<hbm>> -> memref<2x80xi32, #tpu.memory_space<hbm>>
      %dma_start3A_820 = arith.constant 0 : i32
      %dma_start3A_821 = arith.constant 0 : i32
      %dma_start3A_822 = tpu.memref_slice %arg3[%add3A, %add3A_794, %dma_start3A_820, %dma_start3A_821] : memref<32x125x2x80xi32, #tpu.memory_space<hbm>> -> memref<1x1x2x80xi32, #tpu.memory_space<hbm>>
      %dma_start3A_823 = tpu.memref_squeeze %dma_start3A_822 : memref<1x1x2x80xi32, #tpu.memory_space<hbm>> -> memref<2x80xi32, #tpu.memory_space<hbm>>
      tpu.enqueue_dma source(%dma_start3A_823 : memref<2x80xi32, #tpu.memory_space<hbm>>) target(%arg8 : memref<2x80xi32, #tpu.memory_space<vmem>>) target_semaphore(%arg30 : memref<!tpu.dma_semaphore, #tpu.memory_space<semaphore_mem>>)
      %dma_wait3A_824 = arith.constant 0 : i32
      %dma_wait3A_825 = arith.constant 0 : i32
      %dma_wait3A_826 = arith.constant 0 : i32
      %dma_wait3A_827 = arith.constant 0 : i32
      %dma_wait3A_828 = tpu.memref_slice %arg3[%dma_wait3A_824, %dma_wait3A_825, %dma_wait3A_826, %dma_wait3A_827] : memref<32x125x2x80xi32, #tpu.memory_space<hbm>> -> memref<1x1x2x80xi32, #tpu.memory_space<hbm>>
      %dma_wait3A_829 = tpu.memref_squeeze %dma_wait3A_828 : memref<1x1x2x80xi32, #tpu.memory_space<hbm>> -> memref<2x80xi32, #tpu.memory_space<hbm>>
      %dma_wait3A_830 = arith.constant 0 : i32
      %dma_wait3A_831 = arith.constant 0 : i32
      %dma_wait3A_832 = tpu.memref_slice %arg3[%dma_wait3A_824, %dma_wait3A_825, %dma_wait3A_830, %dma_wait3A_831] : memref<32x125x2x80xi32, #tpu.memory_space<hbm>> -> memref<1x1x2x80xi32, #tpu.memory_space<hbm>>
      %dma_wait3A_833 = tpu.memref_squeeze %dma_wait3A_832 : memref<1x1x2x80xi32, #tpu.memory_space<hbm>> -> memref<2x80xi32, #tpu.memory_space<hbm>>
      tpu.wait_dma2 semaphore(%arg34 : memref<!tpu.dma_semaphore, #tpu.memory_space<semaphore_mem>>) src(%dma_wait3A_833 : memref<2x80xi32, #tpu.memory_space<hbm>>) dst(%arg12 : memref<2x80xi32, #tpu.memory_space<vmem>>)
      %dma_start3A_834 = arith.constant 0 : i32
      %dma_start3A_835 = arith.constant 0 : i32
      %dma_start3A_836 = tpu.memref_slice %arg12[%dma_start3A_834, %dma_start3A_835] : memref<2x80xi32, #tpu.memory_space<vmem>> -> memref<1x80xi32, #tpu.memory_space<vmem>>
      %dma_start3A_837 = tpu.memref_squeeze %dma_start3A_836 : memref<1x80xi32, #tpu.memory_space<vmem>> -> memref<80xi32, #tpu.memory_space<vmem>>
      %dma_start3A_838 = arith.constant 0 : i32
      %dma_start3A_839 = arith.constant 0 : i32
      %dma_start3A_840 = tpu.memref_slice %arg2[%dma_start3A_838, %dma_start3A_839] : memref<10000x128xf32, #tpu.memory_space<hbm>> -> memref<10000x128xf32, #tpu.memory_space<hbm>>
      tpu.enqueue_indirect_dma source(%dma_start3A_840 : memref<10000x128xf32, #tpu.memory_space<hbm>>) target(%arg16 : memref<80x128xf32, #tpu.memory_space<vmem>>) offsets(%dma_start3A_837 : memref<80xi32, #tpu.memory_space<vmem>>) semaphore(%arg22 : memref<!tpu.dma_semaphore, #tpu.memory_space<semaphore_mem>>)
      %add3A_841 = arith.constant 4 : i32
      %add3A_842 = arith.addi %add3A_640, %add3A_841 : i32
      %add3A_843 = arith.constant 6 : i32
      %add3A_844 = arith.addi %add3A_842, %add3A_843 : i32
      %dma_wait3A_845 = arith.constant 0 : i32
      %dma_wait3A_846 = arith.constant 0 : i32
      %dma_wait3A_847 = tpu.memref_slice %arg5[%dma_wait3A_845, %dma_wait3A_846] : memref<2x80xi32, #tpu.memory_space<vmem>> -> memref<1x80xi32, #tpu.memory_space<vmem>>
      %dma_wait3A_848 = tpu.memref_squeeze %dma_wait3A_847 : memref<1x80xi32, #tpu.memory_space<vmem>> -> memref<80xi32, #tpu.memory_space<vmem>>
      %dma_wait3A_849 = arith.constant 0 : i32
      %dma_wait3A_850 = arith.constant 0 : i32
      %dma_wait3A_851 = tpu.memref_slice %arg2[%dma_wait3A_849, %dma_wait3A_850] : memref<10000x128xf32, #tpu.memory_space<hbm>> -> memref<10000x128xf32, #tpu.memory_space<hbm>>
      tpu.wait_indirect_dma semaphore(%arg21 : memref<!tpu.dma_semaphore, #tpu.memory_space<semaphore_mem>>) src(%dma_wait3A_851 : memref<10000x128xf32, #tpu.memory_space<hbm>>) dst(%arg15 : memref<80x128xf32, #tpu.memory_space<vmem>>)
      %dma_start3A_852 = arith.constant 1 : i32
      %dma_start3A_853 = arith.constant 0 : i32
      %dma_start3A_854 = tpu.memref_slice %arg11[%dma_start3A_852, %dma_start3A_853] : memref<2x80xi32, #tpu.memory_space<vmem>> -> memref<1x80xi32, #tpu.memory_space<vmem>>
      %dma_start3A_855 = tpu.memref_squeeze %dma_start3A_854 : memref<1x80xi32, #tpu.memory_space<vmem>> -> memref<80xi32, #tpu.memory_space<vmem>>
      %dma_start3A_856 = arith.constant 0 : i32
      %dma_start3A_857 = arith.constant 0 : i32
      %dma_start3A_858 = tpu.memref_slice %arg18[%dma_start3A_856, %dma_start3A_857] : memref<10240x128xf32, #tpu.memory_space<vmem_shared>> -> memref<10240x128xf32, #tpu.memory_space<vmem_shared>>
      tpu.enqueue_indirect_dma source(%arg15 : memref<80x128xf32, #tpu.memory_space<vmem>>) target(%dma_start3A_858 : memref<10240x128xf32, #tpu.memory_space<vmem_shared>>) offsets(%dma_start3A_855 : memref<80xi32, #tpu.memory_space<vmem>>) semaphore(%arg25 : memref<!tpu.dma_semaphore, #tpu.memory_space<semaphore_mem>>) {add = true}
      %dma_wait3A_859 = arith.constant 1 : i32
      %dma_wait3A_860 = arith.constant 0 : i32
      %dma_wait3A_861 = tpu.memref_slice %arg5[%dma_wait3A_859, %dma_wait3A_860] : memref<2x80xi32, #tpu.memory_space<vmem>> -> memref<1x80xi32, #tpu.memory_space<vmem>>
      %dma_wait3A_862 = tpu.memref_squeeze %dma_wait3A_861 : memref<1x80xi32, #tpu.memory_space<vmem>> -> memref<80xi32, #tpu.memory_space<vmem>>
      %dma_wait3A_863 = arith.constant 0 : i32
      %dma_wait3A_864 = arith.constant 0 : i32
      %dma_wait3A_865 = tpu.memref_slice %arg18[%dma_wait3A_863, %dma_wait3A_864] : memref<10240x128xf32, #tpu.memory_space<vmem_shared>> -> memref<10240x128xf32, #tpu.memory_space<vmem_shared>>
      tpu.wait_indirect_dma semaphore(%arg23 : memref<!tpu.dma_semaphore, #tpu.memory_space<semaphore_mem>>) src(%arg13 : memref<80x128xf32, #tpu.memory_space<vmem>>) dst(%dma_wait3A_865 : memref<10240x128xf32, #tpu.memory_space<vmem_shared>>)
      %dma_start3A_866 = arith.constant 0 : i32
      %dma_start3A_867 = arith.constant 0 : i32
      %dma_start3A_868 = tpu.memref_slice %arg3[%add3A, %add3A_844, %dma_start3A_866, %dma_start3A_867] : memref<32x125x2x80xi32, #tpu.memory_space<hbm>> -> memref<1x1x2x80xi32, #tpu.memory_space<hbm>>
      %dma_start3A_869 = tpu.memref_squeeze %dma_start3A_868 : memref<1x1x2x80xi32, #tpu.memory_space<hbm>> -> memref<2x80xi32, #tpu.memory_space<hbm>>
      %dma_start3A_870 = arith.constant 0 : i32
      %dma_start3A_871 = arith.constant 0 : i32
      %dma_start3A_872 = tpu.memref_slice %arg3[%add3A, %add3A_844, %dma_start3A_870, %dma_start3A_871] : memref<32x125x2x80xi32, #tpu.memory_space<hbm>> -> memref<1x1x2x80xi32, #tpu.memory_space<hbm>>
      %dma_start3A_873 = tpu.memref_squeeze %dma_start3A_872 : memref<1x1x2x80xi32, #tpu.memory_space<hbm>> -> memref<2x80xi32, #tpu.memory_space<hbm>>
      tpu.enqueue_dma source(%dma_start3A_873 : memref<2x80xi32, #tpu.memory_space<hbm>>) target(%arg9 : memref<2x80xi32, #tpu.memory_space<vmem>>) target_semaphore(%arg31 : memref<!tpu.dma_semaphore, #tpu.memory_space<semaphore_mem>>)
      %dma_wait3A_874 = arith.constant 0 : i32
      %dma_wait3A_875 = arith.constant 0 : i32
      %dma_wait3A_876 = arith.constant 0 : i32
      %dma_wait3A_877 = arith.constant 0 : i32
      %dma_wait3A_878 = tpu.memref_slice %arg3[%dma_wait3A_874, %dma_wait3A_875, %dma_wait3A_876, %dma_wait3A_877] : memref<32x125x2x80xi32, #tpu.memory_space<hbm>> -> memref<1x1x2x80xi32, #tpu.memory_space<hbm>>
      %dma_wait3A_879 = tpu.memref_squeeze %dma_wait3A_878 : memref<1x1x2x80xi32, #tpu.memory_space<hbm>> -> memref<2x80xi32, #tpu.memory_space<hbm>>
      %dma_wait3A_880 = arith.constant 0 : i32
      %dma_wait3A_881 = arith.constant 0 : i32
      %dma_wait3A_882 = tpu.memref_slice %arg3[%dma_wait3A_874, %dma_wait3A_875, %dma_wait3A_880, %dma_wait3A_881] : memref<32x125x2x80xi32, #tpu.memory_space<hbm>> -> memref<1x1x2x80xi32, #tpu.memory_space<hbm>>
      %dma_wait3A_883 = tpu.memref_squeeze %dma_wait3A_882 : memref<1x1x2x80xi32, #tpu.memory_space<hbm>> -> memref<2x80xi32, #tpu.memory_space<hbm>>
      tpu.wait_dma2 semaphore(%arg27 : memref<!tpu.dma_semaphore, #tpu.memory_space<semaphore_mem>>) src(%dma_wait3A_883 : memref<2x80xi32, #tpu.memory_space<hbm>>) dst(%arg5 : memref<2x80xi32, #tpu.memory_space<vmem>>)
      %dma_start3A_884 = arith.constant 0 : i32
      %dma_start3A_885 = arith.constant 0 : i32
      %dma_start3A_886 = tpu.memref_slice %arg5[%dma_start3A_884, %dma_start3A_885] : memref<2x80xi32, #tpu.memory_space<vmem>> -> memref<1x80xi32, #tpu.memory_space<vmem>>
      %dma_start3A_887 = tpu.memref_squeeze %dma_start3A_886 : memref<1x80xi32, #tpu.memory_space<vmem>> -> memref<80xi32, #tpu.memory_space<vmem>>
      %dma_start3A_888 = arith.constant 0 : i32
      %dma_start3A_889 = arith.constant 0 : i32
      %dma_start3A_890 = tpu.memref_slice %arg2[%dma_start3A_888, %dma_start3A_889] : memref<10000x128xf32, #tpu.memory_space<hbm>> -> memref<10000x128xf32, #tpu.memory_space<hbm>>
      tpu.enqueue_indirect_dma source(%dma_start3A_890 : memref<10000x128xf32, #tpu.memory_space<hbm>>) target(%arg13 : memref<80x128xf32, #tpu.memory_space<vmem>>) offsets(%dma_start3A_887 : memref<80xi32, #tpu.memory_space<vmem>>) semaphore(%arg19 : memref<!tpu.dma_semaphore, #tpu.memory_space<semaphore_mem>>)
      %add3A_891 = arith.constant 5 : i32
      %add3A_892 = arith.addi %add3A_640, %add3A_891 : i32
      %add3A_893 = arith.constant 6 : i32
      %add3A_894 = arith.addi %add3A_892, %add3A_893 : i32
      %dma_wait3A_895 = arith.constant 0 : i32
      %dma_wait3A_896 = arith.constant 0 : i32
      %dma_wait3A_897 = tpu.memref_slice %arg5[%dma_wait3A_895, %dma_wait3A_896] : memref<2x80xi32, #tpu.memory_space<vmem>> -> memref<1x80xi32, #tpu.memory_space<vmem>>
      %dma_wait3A_898 = tpu.memref_squeeze %dma_wait3A_897 : memref<1x80xi32, #tpu.memory_space<vmem>> -> memref<80xi32, #tpu.memory_space<vmem>>
      %dma_wait3A_899 = arith.constant 0 : i32
      %dma_wait3A_900 = arith.constant 0 : i32
      %dma_wait3A_901 = tpu.memref_slice %arg2[%dma_wait3A_899, %dma_wait3A_900] : memref<10000x128xf32, #tpu.memory_space<hbm>> -> memref<10000x128xf32, #tpu.memory_space<hbm>>
      tpu.wait_indirect_dma semaphore(%arg22 : memref<!tpu.dma_semaphore, #tpu.memory_space<semaphore_mem>>) src(%dma_wait3A_901 : memref<10000x128xf32, #tpu.memory_space<hbm>>) dst(%arg16 : memref<80x128xf32, #tpu.memory_space<vmem>>)
      %dma_start3A_902 = arith.constant 1 : i32
      %dma_start3A_903 = arith.constant 0 : i32
      %dma_start3A_904 = tpu.memref_slice %arg12[%dma_start3A_902, %dma_start3A_903] : memref<2x80xi32, #tpu.memory_space<vmem>> -> memref<1x80xi32, #tpu.memory_space<vmem>>
      %dma_start3A_905 = tpu.memref_squeeze %dma_start3A_904 : memref<1x80xi32, #tpu.memory_space<vmem>> -> memref<80xi32, #tpu.memory_space<vmem>>
      %dma_start3A_906 = arith.constant 0 : i32
      %dma_start3A_907 = arith.constant 0 : i32
      %dma_start3A_908 = tpu.memref_slice %arg18[%dma_start3A_906, %dma_start3A_907] : memref<10240x128xf32, #tpu.memory_space<vmem_shared>> -> memref<10240x128xf32, #tpu.memory_space<vmem_shared>>
      tpu.enqueue_indirect_dma source(%arg16 : memref<80x128xf32, #tpu.memory_space<vmem>>) target(%dma_start3A_908 : memref<10240x128xf32, #tpu.memory_space<vmem_shared>>) offsets(%dma_start3A_905 : memref<80xi32, #tpu.memory_space<vmem>>) semaphore(%arg26 : memref<!tpu.dma_semaphore, #tpu.memory_space<semaphore_mem>>) {add = true}
      %dma_wait3A_909 = arith.constant 1 : i32
      %dma_wait3A_910 = arith.constant 0 : i32
      %dma_wait3A_911 = tpu.memref_slice %arg5[%dma_wait3A_909, %dma_wait3A_910] : memref<2x80xi32, #tpu.memory_space<vmem>> -> memref<1x80xi32, #tpu.memory_space<vmem>>
      %dma_wait3A_912 = tpu.memref_squeeze %dma_wait3A_911 : memref<1x80xi32, #tpu.memory_space<vmem>> -> memref<80xi32, #tpu.memory_space<vmem>>
      %dma_wait3A_913 = arith.constant 0 : i32
      %dma_wait3A_914 = arith.constant 0 : i32
      %dma_wait3A_915 = tpu.memref_slice %arg18[%dma_wait3A_913, %dma_wait3A_914] : memref<10240x128xf32, #tpu.memory_space<vmem_shared>> -> memref<10240x128xf32, #tpu.memory_space<vmem_shared>>
      tpu.wait_indirect_dma semaphore(%arg24 : memref<!tpu.dma_semaphore, #tpu.memory_space<semaphore_mem>>) src(%arg14 : memref<80x128xf32, #tpu.memory_space<vmem>>) dst(%dma_wait3A_915 : memref<10240x128xf32, #tpu.memory_space<vmem_shared>>)
      %dma_start3A_916 = arith.constant 0 : i32
      %dma_start3A_917 = arith.constant 0 : i32
      %dma_start3A_918 = tpu.memref_slice %arg3[%add3A, %add3A_894, %dma_start3A_916, %dma_start3A_917] : memref<32x125x2x80xi32, #tpu.memory_space<hbm>> -> memref<1x1x2x80xi32, #tpu.memory_space<hbm>>
      %dma_start3A_919 = tpu.memref_squeeze %dma_start3A_918 : memref<1x1x2x80xi32, #tpu.memory_space<hbm>> -> memref<2x80xi32, #tpu.memory_space<hbm>>
      %dma_start3A_920 = arith.constant 0 : i32
      %dma_start3A_921 = arith.constant 0 : i32
      %dma_start3A_922 = tpu.memref_slice %arg3[%add3A, %add3A_894, %dma_start3A_920, %dma_start3A_921] : memref<32x125x2x80xi32, #tpu.memory_space<hbm>> -> memref<1x1x2x80xi32, #tpu.memory_space<hbm>>
      %dma_start3A_923 = tpu.memref_squeeze %dma_start3A_922 : memref<1x1x2x80xi32, #tpu.memory_space<hbm>> -> memref<2x80xi32, #tpu.memory_space<hbm>>
      tpu.enqueue_dma source(%dma_start3A_923 : memref<2x80xi32, #tpu.memory_space<hbm>>) target(%arg10 : memref<2x80xi32, #tpu.memory_space<vmem>>) target_semaphore(%arg32 : memref<!tpu.dma_semaphore, #tpu.memory_space<semaphore_mem>>)
      %dma_wait3A_924 = arith.constant 0 : i32
      %dma_wait3A_925 = arith.constant 0 : i32
      %dma_wait3A_926 = arith.constant 0 : i32
      %dma_wait3A_927 = arith.constant 0 : i32
      %dma_wait3A_928 = tpu.memref_slice %arg3[%dma_wait3A_924, %dma_wait3A_925, %dma_wait3A_926, %dma_wait3A_927] : memref<32x125x2x80xi32, #tpu.memory_space<hbm>> -> memref<1x1x2x80xi32, #tpu.memory_space<hbm>>
      %dma_wait3A_929 = tpu.memref_squeeze %dma_wait3A_928 : memref<1x1x2x80xi32, #tpu.memory_space<hbm>> -> memref<2x80xi32, #tpu.memory_space<hbm>>
      %dma_wait3A_930 = arith.constant 0 : i32
      %dma_wait3A_931 = arith.constant 0 : i32
      %dma_wait3A_932 = tpu.memref_slice %arg3[%dma_wait3A_924, %dma_wait3A_925, %dma_wait3A_930, %dma_wait3A_931] : memref<32x125x2x80xi32, #tpu.memory_space<hbm>> -> memref<1x1x2x80xi32, #tpu.memory_space<hbm>>
      %dma_wait3A_933 = tpu.memref_squeeze %dma_wait3A_932 : memref<1x1x2x80xi32, #tpu.memory_space<hbm>> -> memref<2x80xi32, #tpu.memory_space<hbm>>
      tpu.wait_dma2 semaphore(%arg28 : memref<!tpu.dma_semaphore, #tpu.memory_space<semaphore_mem>>) src(%dma_wait3A_933 : memref<2x80xi32, #tpu.memory_space<hbm>>) dst(%arg6 : memref<2x80xi32, #tpu.memory_space<vmem>>)
      %dma_start3A_934 = arith.constant 0 : i32
      %dma_start3A_935 = arith.constant 0 : i32
      %dma_start3A_936 = tpu.memref_slice %arg6[%dma_start3A_934, %dma_start3A_935] : memref<2x80xi32, #tpu.memory_space<vmem>> -> memref<1x80xi32, #tpu.memory_space<vmem>>
      %dma_start3A_937 = tpu.memref_squeeze %dma_start3A_936 : memref<1x80xi32, #tpu.memory_space<vmem>> -> memref<80xi32, #tpu.memory_space<vmem>>
      %dma_start3A_938 = arith.constant 0 : i32
      %dma_start3A_939 = arith.constant 0 : i32
      %dma_start3A_940 = tpu.memref_slice %arg2[%dma_start3A_938, %dma_start3A_939] : memref<10000x128xf32, #tpu.memory_space<hbm>> -> memref<10000x128xf32, #tpu.memory_space<hbm>>
      tpu.enqueue_indirect_dma source(%dma_start3A_940 : memref<10000x128xf32, #tpu.memory_space<hbm>>) target(%arg14 : memref<80x128xf32, #tpu.memory_space<vmem>>) offsets(%dma_start3A_937 : memref<80xi32, #tpu.memory_space<vmem>>) semaphore(%arg20 : memref<!tpu.dma_semaphore, #tpu.memory_space<semaphore_mem>>)
      %add3A_941 = arith.constant 6 : i32
      %add3A_942 = arith.addi %add3A_640, %add3A_941 : i32
      %add3A_943 = arith.constant 6 : i32
      %add3A_944 = arith.addi %add3A_942, %add3A_943 : i32
      %dma_wait3A_945 = arith.constant 0 : i32
      %dma_wait3A_946 = arith.constant 0 : i32
      %dma_wait3A_947 = tpu.memref_slice %arg5[%dma_wait3A_945, %dma_wait3A_946] : memref<2x80xi32, #tpu.memory_space<vmem>> -> memref<1x80xi32, #tpu.memory_space<vmem>>
      %dma_wait3A_948 = tpu.memref_squeeze %dma_wait3A_947 : memref<1x80xi32, #tpu.memory_space<vmem>> -> memref<80xi32, #tpu.memory_space<vmem>>
      %dma_wait3A_949 = arith.constant 0 : i32
      %dma_wait3A_950 = arith.constant 0 : i32
      %dma_wait3A_951 = tpu.memref_slice %arg2[%dma_wait3A_949, %dma_wait3A_950] : memref<10000x128xf32, #tpu.memory_space<hbm>> -> memref<10000x128xf32, #tpu.memory_space<hbm>>
      tpu.wait_indirect_dma semaphore(%arg19 : memref<!tpu.dma_semaphore, #tpu.memory_space<semaphore_mem>>) src(%dma_wait3A_951 : memref<10000x128xf32, #tpu.memory_space<hbm>>) dst(%arg13 : memref<80x128xf32, #tpu.memory_space<vmem>>)
      %dma_start3A_952 = arith.constant 1 : i32
      %dma_start3A_953 = arith.constant 0 : i32
      %dma_start3A_954 = tpu.memref_slice %arg5[%dma_start3A_952, %dma_start3A_953] : memref<2x80xi32, #tpu.memory_space<vmem>> -> memref<1x80xi32, #tpu.memory_space<vmem>>
      %dma_start3A_955 = tpu.memref_squeeze %dma_start3A_954 : memref<1x80xi32, #tpu.memory_space<vmem>> -> memref<80xi32, #tpu.memory_space<vmem>>
      %dma_start3A_956 = arith.constant 0 : i32
      %dma_start3A_957 = arith.constant 0 : i32
      %dma_start3A_958 = tpu.memref_slice %arg18[%dma_start3A_956, %dma_start3A_957] : memref<10240x128xf32, #tpu.memory_space<vmem_shared>> -> memref<10240x128xf32, #tpu.memory_space<vmem_shared>>
      tpu.enqueue_indirect_dma source(%arg13 : memref<80x128xf32, #tpu.memory_space<vmem>>) target(%dma_start3A_958 : memref<10240x128xf32, #tpu.memory_space<vmem_shared>>) offsets(%dma_start3A_955 : memref<80xi32, #tpu.memory_space<vmem>>) semaphore(%arg23 : memref<!tpu.dma_semaphore, #tpu.memory_space<semaphore_mem>>) {add = true}
      %dma_wait3A_959 = arith.constant 1 : i32
      %dma_wait3A_960 = arith.constant 0 : i32
      %dma_wait3A_961 = tpu.memref_slice %arg5[%dma_wait3A_959, %dma_wait3A_960] : memref<2x80xi32, #tpu.memory_space<vmem>> -> memref<1x80xi32, #tpu.memory_space<vmem>>
      %dma_wait3A_962 = tpu.memref_squeeze %dma_wait3A_961 : memref<1x80xi32, #tpu.memory_space<vmem>> -> memref<80xi32, #tpu.memory_space<vmem>>
      %dma_wait3A_963 = arith.constant 0 : i32
      %dma_wait3A_964 = arith.constant 0 : i32
      %dma_wait3A_965 = tpu.memref_slice %arg18[%dma_wait3A_963, %dma_wait3A_964] : memref<10240x128xf32, #tpu.memory_space<vmem_shared>> -> memref<10240x128xf32, #tpu.memory_space<vmem_shared>>
      tpu.wait_indirect_dma semaphore(%arg25 : memref<!tpu.dma_semaphore, #tpu.memory_space<semaphore_mem>>) src(%arg15 : memref<80x128xf32, #tpu.memory_space<vmem>>) dst(%dma_wait3A_965 : memref<10240x128xf32, #tpu.memory_space<vmem_shared>>)
      %dma_start3A_966 = arith.constant 0 : i32
      %dma_start3A_967 = arith.constant 0 : i32
      %dma_start3A_968 = tpu.memref_slice %arg3[%add3A, %add3A_944, %dma_start3A_966, %dma_start3A_967] : memref<32x125x2x80xi32, #tpu.memory_space<hbm>> -> memref<1x1x2x80xi32, #tpu.memory_space<hbm>>
      %dma_start3A_969 = tpu.memref_squeeze %dma_start3A_968 : memref<1x1x2x80xi32, #tpu.memory_space<hbm>> -> memref<2x80xi32, #tpu.memory_space<hbm>>
      %dma_start3A_970 = arith.constant 0 : i32
      %dma_start3A_971 = arith.constant 0 : i32
      %dma_start3A_972 = tpu.memref_slice %arg3[%add3A, %add3A_944, %dma_start3A_970, %dma_start3A_971] : memref<32x125x2x80xi32, #tpu.memory_space<hbm>> -> memref<1x1x2x80xi32, #tpu.memory_space<hbm>>
      %dma_start3A_973 = tpu.memref_squeeze %dma_start3A_972 : memref<1x1x2x80xi32, #tpu.memory_space<hbm>> -> memref<2x80xi32, #tpu.memory_space<hbm>>
      tpu.enqueue_dma source(%dma_start3A_973 : memref<2x80xi32, #tpu.memory_space<hbm>>) target(%arg11 : memref<2x80xi32, #tpu.memory_space<vmem>>) target_semaphore(%arg33 : memref<!tpu.dma_semaphore, #tpu.memory_space<semaphore_mem>>)
      %dma_wait3A_974 = arith.constant 0 : i32
      %dma_wait3A_975 = arith.constant 0 : i32
      %dma_wait3A_976 = arith.constant 0 : i32
      %dma_wait3A_977 = arith.constant 0 : i32
      %dma_wait3A_978 = tpu.memref_slice %arg3[%dma_wait3A_974, %dma_wait3A_975, %dma_wait3A_976, %dma_wait3A_977] : memref<32x125x2x80xi32, #tpu.memory_space<hbm>> -> memref<1x1x2x80xi32, #tpu.memory_space<hbm>>
      %dma_wait3A_979 = tpu.memref_squeeze %dma_wait3A_978 : memref<1x1x2x80xi32, #tpu.memory_space<hbm>> -> memref<2x80xi32, #tpu.memory_space<hbm>>
      %dma_wait3A_980 = arith.constant 0 : i32
      %dma_wait3A_981 = arith.constant 0 : i32
      %dma_wait3A_982 = tpu.memref_slice %arg3[%dma_wait3A_974, %dma_wait3A_975, %dma_wait3A_980, %dma_wait3A_981] : memref<32x125x2x80xi32, #tpu.memory_space<hbm>> -> memref<1x1x2x80xi32, #tpu.memory_space<hbm>>
      %dma_wait3A_983 = tpu.memref_squeeze %dma_wait3A_982 : memref<1x1x2x80xi32, #tpu.memory_space<hbm>> -> memref<2x80xi32, #tpu.memory_space<hbm>>
      tpu.wait_dma2 semaphore(%arg29 : memref<!tpu.dma_semaphore, #tpu.memory_space<semaphore_mem>>) src(%dma_wait3A_983 : memref<2x80xi32, #tpu.memory_space<hbm>>) dst(%arg7 : memref<2x80xi32, #tpu.memory_space<vmem>>)
      %dma_start3A_984 = arith.constant 0 : i32
      %dma_start3A_985 = arith.constant 0 : i32
      %dma_start3A_986 = tpu.memref_slice %arg7[%dma_start3A_984, %dma_start3A_985] : memref<2x80xi32, #tpu.memory_space<vmem>> -> memref<1x80xi32, #tpu.memory_space<vmem>>
      %dma_start3A_987 = tpu.memref_squeeze %dma_start3A_986 : memref<1x80xi32, #tpu.memory_space<vmem>> -> memref<80xi32, #tpu.memory_space<vmem>>
      %dma_start3A_988 = arith.constant 0 : i32
      %dma_start3A_989 = arith.constant 0 : i32
      %dma_start3A_990 = tpu.memref_slice %arg2[%dma_start3A_988, %dma_start3A_989] : memref<10000x128xf32, #tpu.memory_space<hbm>> -> memref<10000x128xf32, #tpu.memory_space<hbm>>
      tpu.enqueue_indirect_dma source(%dma_start3A_990 : memref<10000x128xf32, #tpu.memory_space<hbm>>) target(%arg15 : memref<80x128xf32, #tpu.memory_space<vmem>>) offsets(%dma_start3A_987 : memref<80xi32, #tpu.memory_space<vmem>>) semaphore(%arg21 : memref<!tpu.dma_semaphore, #tpu.memory_space<semaphore_mem>>)
      %add3A_991 = arith.constant 7 : i32
      %add3A_992 = arith.addi %add3A_640, %add3A_991 : i32
      %add3A_993 = arith.constant 6 : i32
      %add3A_994 = arith.addi %add3A_992, %add3A_993 : i32
      %dma_wait3A_995 = arith.constant 0 : i32
      %dma_wait3A_996 = arith.constant 0 : i32
      %dma_wait3A_997 = tpu.memref_slice %arg5[%dma_wait3A_995, %dma_wait3A_996] : memref<2x80xi32, #tpu.memory_space<vmem>> -> memref<1x80xi32, #tpu.memory_space<vmem>>
      %dma_wait3A_998 = tpu.memref_squeeze %dma_wait3A_997 : memref<1x80xi32, #tpu.memory_space<vmem>> -> memref<80xi32, #tpu.memory_space<vmem>>
      %dma_wait3A_999 = arith.constant 0 : i32
      %dma_wait3A_1000 = arith.constant 0 : i32
      %dma_wait3A_1001 = tpu.memref_slice %arg2[%dma_wait3A_999, %dma_wait3A_1000] : memref<10000x128xf32, #tpu.memory_space<hbm>> -> memref<10000x128xf32, #tpu.memory_space<hbm>>
      tpu.wait_indirect_dma semaphore(%arg20 : memref<!tpu.dma_semaphore, #tpu.memory_space<semaphore_mem>>) src(%dma_wait3A_1001 : memref<10000x128xf32, #tpu.memory_space<hbm>>) dst(%arg14 : memref<80x128xf32, #tpu.memory_space<vmem>>)
      %dma_start3A_1002 = arith.constant 1 : i32
      %dma_start3A_1003 = arith.constant 0 : i32
      %dma_start3A_1004 = tpu.memref_slice %arg6[%dma_start3A_1002, %dma_start3A_1003] : memref<2x80xi32, #tpu.memory_space<vmem>> -> memref<1x80xi32, #tpu.memory_space<vmem>>
      %dma_start3A_1005 = tpu.memref_squeeze %dma_start3A_1004 : memref<1x80xi32, #tpu.memory_space<vmem>> -> memref<80xi32, #tpu.memory_space<vmem>>
      %dma_start3A_1006 = arith.constant 0 : i32
      %dma_start3A_1007 = arith.constant 0 : i32
      %dma_start3A_1008 = tpu.memref_slice %arg18[%dma_start3A_1006, %dma_start3A_1007] : memref<10240x128xf32, #tpu.memory_space<vmem_shared>> -> memref<10240x128xf32, #tpu.memory_space<vmem_shared>>
      tpu.enqueue_indirect_dma source(%arg14 : memref<80x128xf32, #tpu.memory_space<vmem>>) target(%dma_start3A_1008 : memref<10240x128xf32, #tpu.memory_space<vmem_shared>>) offsets(%dma_start3A_1005 : memref<80xi32, #tpu.memory_space<vmem>>) semaphore(%arg24 : memref<!tpu.dma_semaphore, #tpu.memory_space<semaphore_mem>>) {add = true}
      %dma_wait3A_1009 = arith.constant 1 : i32
      %dma_wait3A_1010 = arith.constant 0 : i32
      %dma_wait3A_1011 = tpu.memref_slice %arg5[%dma_wait3A_1009, %dma_wait3A_1010] : memref<2x80xi32, #tpu.memory_space<vmem>> -> memref<1x80xi32, #tpu.memory_space<vmem>>
      %dma_wait3A_1012 = tpu.memref_squeeze %dma_wait3A_1011 : memref<1x80xi32, #tpu.memory_space<vmem>> -> memref<80xi32, #tpu.memory_space<vmem>>
      %dma_wait3A_1013 = arith.constant 0 : i32
      %dma_wait3A_1014 = arith.constant 0 : i32
      %dma_wait3A_1015 = tpu.memref_slice %arg18[%dma_wait3A_1013, %dma_wait3A_1014] : memref<10240x128xf32, #tpu.memory_space<vmem_shared>> -> memref<10240x128xf32, #tpu.memory_space<vmem_shared>>
      tpu.wait_indirect_dma semaphore(%arg26 : memref<!tpu.dma_semaphore, #tpu.memory_space<semaphore_mem>>) src(%arg16 : memref<80x128xf32, #tpu.memory_space<vmem>>) dst(%dma_wait3A_1015 : memref<10240x128xf32, #tpu.memory_space<vmem_shared>>)
      %dma_start3A_1016 = arith.constant 0 : i32
      %dma_start3A_1017 = arith.constant 0 : i32
      %dma_start3A_1018 = tpu.memref_slice %arg3[%add3A, %add3A_994, %dma_start3A_1016, %dma_start3A_1017] : memref<32x125x2x80xi32, #tpu.memory_space<hbm>> -> memref<1x1x2x80xi32, #tpu.memory_space<hbm>>
      %dma_start3A_1019 = tpu.memref_squeeze %dma_start3A_1018 : memref<1x1x2x80xi32, #tpu.memory_space<hbm>> -> memref<2x80xi32, #tpu.memory_space<hbm>>
      %dma_start3A_1020 = arith.constant 0 : i32
      %dma_start3A_1021 = arith.constant 0 : i32
      %dma_start3A_1022 = tpu.memref_slice %arg3[%add3A, %add3A_994, %dma_start3A_1020, %dma_start3A_1021] : memref<32x125x2x80xi32, #tpu.memory_space<hbm>> -> memref<1x1x2x80xi32, #tpu.memory_space<hbm>>
      %dma_start3A_1023 = tpu.memref_squeeze %dma_start3A_1022 : memref<1x1x2x80xi32, #tpu.memory_space<hbm>> -> memref<2x80xi32, #tpu.memory_space<hbm>>
      tpu.enqueue_dma source(%dma_start3A_1023 : memref<2x80xi32, #tpu.memory_space<hbm>>) target(%arg12 : memref<2x80xi32, #tpu.memory_space<vmem>>) target_semaphore(%arg34 : memref<!tpu.dma_semaphore, #tpu.memory_space<semaphore_mem>>)
      %dma_wait3A_1024 = arith.constant 0 : i32
      %dma_wait3A_1025 = arith.constant 0 : i32
      %dma_wait3A_1026 = arith.constant 0 : i32
      %dma_wait3A_1027 = arith.constant 0 : i32
      %dma_wait3A_1028 = tpu.memref_slice %arg3[%dma_wait3A_1024, %dma_wait3A_1025, %dma_wait3A_1026, %dma_wait3A_1027] : memref<32x125x2x80xi32, #tpu.memory_space<hbm>> -> memref<1x1x2x80xi32, #tpu.memory_space<hbm>>
      %dma_wait3A_1029 = tpu.memref_squeeze %dma_wait3A_1028 : memref<1x1x2x80xi32, #tpu.memory_space<hbm>> -> memref<2x80xi32, #tpu.memory_space<hbm>>
      %dma_wait3A_1030 = arith.constant 0 : i32
      %dma_wait3A_1031 = arith.constant 0 : i32
      %dma_wait3A_1032 = tpu.memref_slice %arg3[%dma_wait3A_1024, %dma_wait3A_1025, %dma_wait3A_1030, %dma_wait3A_1031] : memref<32x125x2x80xi32, #tpu.memory_space<hbm>> -> memref<1x1x2x80xi32, #tpu.memory_space<hbm>>
      %dma_wait3A_1033 = tpu.memref_squeeze %dma_wait3A_1032 : memref<1x1x2x80xi32, #tpu.memory_space<hbm>> -> memref<2x80xi32, #tpu.memory_space<hbm>>
      tpu.wait_dma2 semaphore(%arg30 : memref<!tpu.dma_semaphore, #tpu.memory_space<semaphore_mem>>) src(%dma_wait3A_1033 : memref<2x80xi32, #tpu.memory_space<hbm>>) dst(%arg8 : memref<2x80xi32, #tpu.memory_space<vmem>>)
      %dma_start3A_1034 = arith.constant 0 : i32
      %dma_start3A_1035 = arith.constant 0 : i32
      %dma_start3A_1036 = tpu.memref_slice %arg8[%dma_start3A_1034, %dma_start3A_1035] : memref<2x80xi32, #tpu.memory_space<vmem>> -> memref<1x80xi32, #tpu.memory_space<vmem>>
      %dma_start3A_1037 = tpu.memref_squeeze %dma_start3A_1036 : memref<1x80xi32, #tpu.memory_space<vmem>> -> memref<80xi32, #tpu.memory_space<vmem>>
      %dma_start3A_1038 = arith.constant 0 : i32
      %dma_start3A_1039 = arith.constant 0 : i32
      %dma_start3A_1040 = tpu.memref_slice %arg2[%dma_start3A_1038, %dma_start3A_1039] : memref<10000x128xf32, #tpu.memory_space<hbm>> -> memref<10000x128xf32, #tpu.memory_space<hbm>>
      tpu.enqueue_indirect_dma source(%dma_start3A_1040 : memref<10000x128xf32, #tpu.memory_space<hbm>>) target(%arg16 : memref<80x128xf32, #tpu.memory_space<vmem>>) offsets(%dma_start3A_1037 : memref<80xi32, #tpu.memory_space<vmem>>) semaphore(%arg22 : memref<!tpu.dma_semaphore, #tpu.memory_space<semaphore_mem>>)
    }
    %scan3A_191 = arith.constant 14 : i32
    %dma_wait3A_192 = arith.constant 0 : i32
    %dma_wait3A_193 = arith.constant 0 : i32
    %dma_wait3A_194 = tpu.memref_slice %arg5[%dma_wait3A_192, %dma_wait3A_193] : memref<2x80xi32, #tpu.memory_space<vmem>> -> memref<1x80xi32, #tpu.memory_space<vmem>>
    %dma_wait3A_195 = tpu.memref_squeeze %dma_wait3A_194 : memref<1x80xi32, #tpu.memory_space<vmem>> -> memref<80xi32, #tpu.memory_space<vmem>>
    %dma_wait3A_196 = arith.constant 0 : i32
    %dma_wait3A_197 = arith.constant 0 : i32
    %dma_wait3A_198 = tpu.memref_slice %arg2[%dma_wait3A_196, %dma_wait3A_197] : memref<10000x128xf32, #tpu.memory_space<hbm>> -> memref<10000x128xf32, #tpu.memory_space<hbm>>
    tpu.wait_indirect_dma semaphore(%arg21 : memref<!tpu.dma_semaphore, #tpu.memory_space<semaphore_mem>>) src(%dma_wait3A_198 : memref<10000x128xf32, #tpu.memory_space<hbm>>) dst(%arg15 : memref<80x128xf32, #tpu.memory_space<vmem>>)
    %dma_start3A_199 = arith.constant 1 : i32
    %dma_start3A_200 = arith.constant 0 : i32
    %dma_start3A_201 = tpu.memref_slice %arg7[%dma_start3A_199, %dma_start3A_200] : memref<2x80xi32, #tpu.memory_space<vmem>> -> memref<1x80xi32, #tpu.memory_space<vmem>>
    %dma_start3A_202 = tpu.memref_squeeze %dma_start3A_201 : memref<1x80xi32, #tpu.memory_space<vmem>> -> memref<80xi32, #tpu.memory_space<vmem>>
    %dma_start3A_203 = arith.constant 0 : i32
    %dma_start3A_204 = arith.constant 0 : i32
    %dma_start3A_205 = tpu.memref_slice %arg18[%dma_start3A_203, %dma_start3A_204] : memref<10240x128xf32, #tpu.memory_space<vmem_shared>> -> memref<10240x128xf32, #tpu.memory_space<vmem_shared>>
    tpu.enqueue_indirect_dma source(%arg15 : memref<80x128xf32, #tpu.memory_space<vmem>>) target(%dma_start3A_205 : memref<10240x128xf32, #tpu.memory_space<vmem_shared>>) offsets(%dma_start3A_202 : memref<80xi32, #tpu.memory_space<vmem>>) semaphore(%arg25 : memref<!tpu.dma_semaphore, #tpu.memory_space<semaphore_mem>>) {add = true}
    %dma_wait3A_206 = arith.constant 1 : i32
    %dma_wait3A_207 = arith.constant 0 : i32
    %dma_wait3A_208 = tpu.memref_slice %arg5[%dma_wait3A_206, %dma_wait3A_207] : memref<2x80xi32, #tpu.memory_space<vmem>> -> memref<1x80xi32, #tpu.memory_space<vmem>>
    %dma_wait3A_209 = tpu.memref_squeeze %dma_wait3A_208 : memref<1x80xi32, #tpu.memory_space<vmem>> -> memref<80xi32, #tpu.memory_space<vmem>>
    %dma_wait3A_210 = arith.constant 0 : i32
    %dma_wait3A_211 = arith.constant 0 : i32
    %dma_wait3A_212 = tpu.memref_slice %arg18[%dma_wait3A_210, %dma_wait3A_211] : memref<10240x128xf32, #tpu.memory_space<vmem_shared>> -> memref<10240x128xf32, #tpu.memory_space<vmem_shared>>
    tpu.wait_indirect_dma semaphore(%arg23 : memref<!tpu.dma_semaphore, #tpu.memory_space<semaphore_mem>>) src(%arg13 : memref<80x128xf32, #tpu.memory_space<vmem>>) dst(%dma_wait3A_212 : memref<10240x128xf32, #tpu.memory_space<vmem_shared>>)
    %dma_start3A_213 = arith.constant 120 : i32
    %dma_start3A_214 = arith.constant 0 : i32
    %dma_start3A_215 = arith.constant 0 : i32
    %dma_start3A_216 = tpu.memref_slice %arg3[%add3A, %dma_start3A_213, %dma_start3A_214, %dma_start3A_215] : memref<32x125x2x80xi32, #tpu.memory_space<hbm>> -> memref<1x1x2x80xi32, #tpu.memory_space<hbm>>
    %dma_start3A_217 = tpu.memref_squeeze %dma_start3A_216 : memref<1x1x2x80xi32, #tpu.memory_space<hbm>> -> memref<2x80xi32, #tpu.memory_space<hbm>>
    %dma_start3A_218 = arith.constant 0 : i32
    %dma_start3A_219 = arith.constant 0 : i32
    %dma_start3A_220 = tpu.memref_slice %arg3[%add3A, %dma_start3A_213, %dma_start3A_218, %dma_start3A_219] : memref<32x125x2x80xi32, #tpu.memory_space<hbm>> -> memref<1x1x2x80xi32, #tpu.memory_space<hbm>>
    %dma_start3A_221 = tpu.memref_squeeze %dma_start3A_220 : memref<1x1x2x80xi32, #tpu.memory_space<hbm>> -> memref<2x80xi32, #tpu.memory_space<hbm>>
    tpu.enqueue_dma source(%dma_start3A_221 : memref<2x80xi32, #tpu.memory_space<hbm>>) target(%arg5 : memref<2x80xi32, #tpu.memory_space<vmem>>) target_semaphore(%arg27 : memref<!tpu.dma_semaphore, #tpu.memory_space<semaphore_mem>>)
    %dma_wait3A_222 = arith.constant 0 : i32
    %dma_wait3A_223 = arith.constant 0 : i32
    %dma_wait3A_224 = arith.constant 0 : i32
    %dma_wait3A_225 = arith.constant 0 : i32
    %dma_wait3A_226 = tpu.memref_slice %arg3[%dma_wait3A_222, %dma_wait3A_223, %dma_wait3A_224, %dma_wait3A_225] : memref<32x125x2x80xi32, #tpu.memory_space<hbm>> -> memref<1x1x2x80xi32, #tpu.memory_space<hbm>>
    %dma_wait3A_227 = tpu.memref_squeeze %dma_wait3A_226 : memref<1x1x2x80xi32, #tpu.memory_space<hbm>> -> memref<2x80xi32, #tpu.memory_space<hbm>>
    %dma_wait3A_228 = arith.constant 0 : i32
    %dma_wait3A_229 = arith.constant 0 : i32
    %dma_wait3A_230 = tpu.memref_slice %arg3[%dma_wait3A_222, %dma_wait3A_223, %dma_wait3A_228, %dma_wait3A_229] : memref<32x125x2x80xi32, #tpu.memory_space<hbm>> -> memref<1x1x2x80xi32, #tpu.memory_space<hbm>>
    %dma_wait3A_231 = tpu.memref_squeeze %dma_wait3A_230 : memref<1x1x2x80xi32, #tpu.memory_space<hbm>> -> memref<2x80xi32, #tpu.memory_space<hbm>>
    tpu.wait_dma2 semaphore(%arg31 : memref<!tpu.dma_semaphore, #tpu.memory_space<semaphore_mem>>) src(%dma_wait3A_231 : memref<2x80xi32, #tpu.memory_space<hbm>>) dst(%arg9 : memref<2x80xi32, #tpu.memory_space<vmem>>)
    %dma_start3A_232 = arith.constant 0 : i32
    %dma_start3A_233 = arith.constant 0 : i32
    %dma_start3A_234 = tpu.memref_slice %arg9[%dma_start3A_232, %dma_start3A_233] : memref<2x80xi32, #tpu.memory_space<vmem>> -> memref<1x80xi32, #tpu.memory_space<vmem>>
    %dma_start3A_235 = tpu.memref_squeeze %dma_start3A_234 : memref<1x80xi32, #tpu.memory_space<vmem>> -> memref<80xi32, #tpu.memory_space<vmem>>
    %dma_start3A_236 = arith.constant 0 : i32
    %dma_start3A_237 = arith.constant 0 : i32
    %dma_start3A_238 = tpu.memref_slice %arg2[%dma_start3A_236, %dma_start3A_237] : memref<10000x128xf32, #tpu.memory_space<hbm>> -> memref<10000x128xf32, #tpu.memory_space<hbm>>
    tpu.enqueue_indirect_dma source(%dma_start3A_238 : memref<10000x128xf32, #tpu.memory_space<hbm>>) target(%arg13 : memref<80x128xf32, #tpu.memory_space<vmem>>) offsets(%dma_start3A_235 : memref<80xi32, #tpu.memory_space<vmem>>) semaphore(%arg19 : memref<!tpu.dma_semaphore, #tpu.memory_space<semaphore_mem>>)
    %dma_wait3A_239 = arith.constant 0 : i32
    %dma_wait3A_240 = arith.constant 0 : i32
    %dma_wait3A_241 = tpu.memref_slice %arg5[%dma_wait3A_239, %dma_wait3A_240] : memref<2x80xi32, #tpu.memory_space<vmem>> -> memref<1x80xi32, #tpu.memory_space<vmem>>
    %dma_wait3A_242 = tpu.memref_squeeze %dma_wait3A_241 : memref<1x80xi32, #tpu.memory_space<vmem>> -> memref<80xi32, #tpu.memory_space<vmem>>
    %dma_wait3A_243 = arith.constant 0 : i32
    %dma_wait3A_244 = arith.constant 0 : i32
    %dma_wait3A_245 = tpu.memref_slice %arg2[%dma_wait3A_243, %dma_wait3A_244] : memref<10000x128xf32, #tpu.memory_space<hbm>> -> memref<10000x128xf32, #tpu.memory_space<hbm>>
    tpu.wait_indirect_dma semaphore(%arg22 : memref<!tpu.dma_semaphore, #tpu.memory_space<semaphore_mem>>) src(%dma_wait3A_245 : memref<10000x128xf32, #tpu.memory_space<hbm>>) dst(%arg16 : memref<80x128xf32, #tpu.memory_space<vmem>>)
    %dma_start3A_246 = arith.constant 1 : i32
    %dma_start3A_247 = arith.constant 0 : i32
    %dma_start3A_248 = tpu.memref_slice %arg8[%dma_start3A_246, %dma_start3A_247] : memref<2x80xi32, #tpu.memory_space<vmem>> -> memref<1x80xi32, #tpu.memory_space<vmem>>
    %dma_start3A_249 = tpu.memref_squeeze %dma_start3A_248 : memref<1x80xi32, #tpu.memory_space<vmem>> -> memref<80xi32, #tpu.memory_space<vmem>>
    %dma_start3A_250 = arith.constant 0 : i32
    %dma_start3A_251 = arith.constant 0 : i32
    %dma_start3A_252 = tpu.memref_slice %arg18[%dma_start3A_250, %dma_start3A_251] : memref<10240x128xf32, #tpu.memory_space<vmem_shared>> -> memref<10240x128xf32, #tpu.memory_space<vmem_shared>>
    tpu.enqueue_indirect_dma source(%arg16 : memref<80x128xf32, #tpu.memory_space<vmem>>) target(%dma_start3A_252 : memref<10240x128xf32, #tpu.memory_space<vmem_shared>>) offsets(%dma_start3A_249 : memref<80xi32, #tpu.memory_space<vmem>>) semaphore(%arg26 : memref<!tpu.dma_semaphore, #tpu.memory_space<semaphore_mem>>) {add = true}
    %dma_wait3A_253 = arith.constant 1 : i32
    %dma_wait3A_254 = arith.constant 0 : i32
    %dma_wait3A_255 = tpu.memref_slice %arg5[%dma_wait3A_253, %dma_wait3A_254] : memref<2x80xi32, #tpu.memory_space<vmem>> -> memref<1x80xi32, #tpu.memory_space<vmem>>
    %dma_wait3A_256 = tpu.memref_squeeze %dma_wait3A_255 : memref<1x80xi32, #tpu.memory_space<vmem>> -> memref<80xi32, #tpu.memory_space<vmem>>
    %dma_wait3A_257 = arith.constant 0 : i32
    %dma_wait3A_258 = arith.constant 0 : i32
    %dma_wait3A_259 = tpu.memref_slice %arg18[%dma_wait3A_257, %dma_wait3A_258] : memref<10240x128xf32, #tpu.memory_space<vmem_shared>> -> memref<10240x128xf32, #tpu.memory_space<vmem_shared>>
    tpu.wait_indirect_dma semaphore(%arg24 : memref<!tpu.dma_semaphore, #tpu.memory_space<semaphore_mem>>) src(%arg14 : memref<80x128xf32, #tpu.memory_space<vmem>>) dst(%dma_wait3A_259 : memref<10240x128xf32, #tpu.memory_space<vmem_shared>>)
    %dma_start3A_260 = arith.constant 121 : i32
    %dma_start3A_261 = arith.constant 0 : i32
    %dma_start3A_262 = arith.constant 0 : i32
    %dma_start3A_263 = tpu.memref_slice %arg3[%add3A, %dma_start3A_260, %dma_start3A_261, %dma_start3A_262] : memref<32x125x2x80xi32, #tpu.memory_space<hbm>> -> memref<1x1x2x80xi32, #tpu.memory_space<hbm>>
    %dma_start3A_264 = tpu.memref_squeeze %dma_start3A_263 : memref<1x1x2x80xi32, #tpu.memory_space<hbm>> -> memref<2x80xi32, #tpu.memory_space<hbm>>
    %dma_start3A_265 = arith.constant 0 : i32
    %dma_start3A_266 = arith.constant 0 : i32
    %dma_start3A_267 = tpu.memref_slice %arg3[%add3A, %dma_start3A_260, %dma_start3A_265, %dma_start3A_266] : memref<32x125x2x80xi32, #tpu.memory_space<hbm>> -> memref<1x1x2x80xi32, #tpu.memory_space<hbm>>
    %dma_start3A_268 = tpu.memref_squeeze %dma_start3A_267 : memref<1x1x2x80xi32, #tpu.memory_space<hbm>> -> memref<2x80xi32, #tpu.memory_space<hbm>>
    tpu.enqueue_dma source(%dma_start3A_268 : memref<2x80xi32, #tpu.memory_space<hbm>>) target(%arg6 : memref<2x80xi32, #tpu.memory_space<vmem>>) target_semaphore(%arg28 : memref<!tpu.dma_semaphore, #tpu.memory_space<semaphore_mem>>)
    %dma_wait3A_269 = arith.constant 0 : i32
    %dma_wait3A_270 = arith.constant 0 : i32
    %dma_wait3A_271 = arith.constant 0 : i32
    %dma_wait3A_272 = arith.constant 0 : i32
    %dma_wait3A_273 = tpu.memref_slice %arg3[%dma_wait3A_269, %dma_wait3A_270, %dma_wait3A_271, %dma_wait3A_272] : memref<32x125x2x80xi32, #tpu.memory_space<hbm>> -> memref<1x1x2x80xi32, #tpu.memory_space<hbm>>
    %dma_wait3A_274 = tpu.memref_squeeze %dma_wait3A_273 : memref<1x1x2x80xi32, #tpu.memory_space<hbm>> -> memref<2x80xi32, #tpu.memory_space<hbm>>
    %dma_wait3A_275 = arith.constant 0 : i32
    %dma_wait3A_276 = arith.constant 0 : i32
    %dma_wait3A_277 = tpu.memref_slice %arg3[%dma_wait3A_269, %dma_wait3A_270, %dma_wait3A_275, %dma_wait3A_276] : memref<32x125x2x80xi32, #tpu.memory_space<hbm>> -> memref<1x1x2x80xi32, #tpu.memory_space<hbm>>
    %dma_wait3A_278 = tpu.memref_squeeze %dma_wait3A_277 : memref<1x1x2x80xi32, #tpu.memory_space<hbm>> -> memref<2x80xi32, #tpu.memory_space<hbm>>
    tpu.wait_dma2 semaphore(%arg32 : memref<!tpu.dma_semaphore, #tpu.memory_space<semaphore_mem>>) src(%dma_wait3A_278 : memref<2x80xi32, #tpu.memory_space<hbm>>) dst(%arg10 : memref<2x80xi32, #tpu.memory_space<vmem>>)
    %dma_start3A_279 = arith.constant 0 : i32
    %dma_start3A_280 = arith.constant 0 : i32
    %dma_start3A_281 = tpu.memref_slice %arg10[%dma_start3A_279, %dma_start3A_280] : memref<2x80xi32, #tpu.memory_space<vmem>> -> memref<1x80xi32, #tpu.memory_space<vmem>>
    %dma_start3A_282 = tpu.memref_squeeze %dma_start3A_281 : memref<1x80xi32, #tpu.memory_space<vmem>> -> memref<80xi32, #tpu.memory_space<vmem>>
    %dma_start3A_283 = arith.constant 0 : i32
    %dma_start3A_284 = arith.constant 0 : i32
    %dma_start3A_285 = tpu.memref_slice %arg2[%dma_start3A_283, %dma_start3A_284] : memref<10000x128xf32, #tpu.memory_space<hbm>> -> memref<10000x128xf32, #tpu.memory_space<hbm>>
    tpu.enqueue_indirect_dma source(%dma_start3A_285 : memref<10000x128xf32, #tpu.memory_space<hbm>>) target(%arg14 : memref<80x128xf32, #tpu.memory_space<vmem>>) offsets(%dma_start3A_282 : memref<80xi32, #tpu.memory_space<vmem>>) semaphore(%arg20 : memref<!tpu.dma_semaphore, #tpu.memory_space<semaphore_mem>>)
    %dma_wait3A_286 = arith.constant 0 : i32
    %dma_wait3A_287 = arith.constant 0 : i32
    %dma_wait3A_288 = tpu.memref_slice %arg5[%dma_wait3A_286, %dma_wait3A_287] : memref<2x80xi32, #tpu.memory_space<vmem>> -> memref<1x80xi32, #tpu.memory_space<vmem>>
    %dma_wait3A_289 = tpu.memref_squeeze %dma_wait3A_288 : memref<1x80xi32, #tpu.memory_space<vmem>> -> memref<80xi32, #tpu.memory_space<vmem>>
    %dma_wait3A_290 = arith.constant 0 : i32
    %dma_wait3A_291 = arith.constant 0 : i32
    %dma_wait3A_292 = tpu.memref_slice %arg2[%dma_wait3A_290, %dma_wait3A_291] : memref<10000x128xf32, #tpu.memory_space<hbm>> -> memref<10000x128xf32, #tpu.memory_space<hbm>>
    tpu.wait_indirect_dma semaphore(%arg19 : memref<!tpu.dma_semaphore, #tpu.memory_space<semaphore_mem>>) src(%dma_wait3A_292 : memref<10000x128xf32, #tpu.memory_space<hbm>>) dst(%arg13 : memref<80x128xf32, #tpu.memory_space<vmem>>)
    %dma_start3A_293 = arith.constant 1 : i32
    %dma_start3A_294 = arith.constant 0 : i32
    %dma_start3A_295 = tpu.memref_slice %arg9[%dma_start3A_293, %dma_start3A_294] : memref<2x80xi32, #tpu.memory_space<vmem>> -> memref<1x80xi32, #tpu.memory_space<vmem>>
    %dma_start3A_296 = tpu.memref_squeeze %dma_start3A_295 : memref<1x80xi32, #tpu.memory_space<vmem>> -> memref<80xi32, #tpu.memory_space<vmem>>
    %dma_start3A_297 = arith.constant 0 : i32
    %dma_start3A_298 = arith.constant 0 : i32
    %dma_start3A_299 = tpu.memref_slice %arg18[%dma_start3A_297, %dma_start3A_298] : memref<10240x128xf32, #tpu.memory_space<vmem_shared>> -> memref<10240x128xf32, #tpu.memory_space<vmem_shared>>
    tpu.enqueue_indirect_dma source(%arg13 : memref<80x128xf32, #tpu.memory_space<vmem>>) target(%dma_start3A_299 : memref<10240x128xf32, #tpu.memory_space<vmem_shared>>) offsets(%dma_start3A_296 : memref<80xi32, #tpu.memory_space<vmem>>) semaphore(%arg23 : memref<!tpu.dma_semaphore, #tpu.memory_space<semaphore_mem>>) {add = true}
    %dma_wait3A_300 = arith.constant 1 : i32
    %dma_wait3A_301 = arith.constant 0 : i32
    %dma_wait3A_302 = tpu.memref_slice %arg5[%dma_wait3A_300, %dma_wait3A_301] : memref<2x80xi32, #tpu.memory_space<vmem>> -> memref<1x80xi32, #tpu.memory_space<vmem>>
    %dma_wait3A_303 = tpu.memref_squeeze %dma_wait3A_302 : memref<1x80xi32, #tpu.memory_space<vmem>> -> memref<80xi32, #tpu.memory_space<vmem>>
    %dma_wait3A_304 = arith.constant 0 : i32
    %dma_wait3A_305 = arith.constant 0 : i32
    %dma_wait3A_306 = tpu.memref_slice %arg18[%dma_wait3A_304, %dma_wait3A_305] : memref<10240x128xf32, #tpu.memory_space<vmem_shared>> -> memref<10240x128xf32, #tpu.memory_space<vmem_shared>>
    tpu.wait_indirect_dma semaphore(%arg25 : memref<!tpu.dma_semaphore, #tpu.memory_space<semaphore_mem>>) src(%arg15 : memref<80x128xf32, #tpu.memory_space<vmem>>) dst(%dma_wait3A_306 : memref<10240x128xf32, #tpu.memory_space<vmem_shared>>)
    %dma_start3A_307 = arith.constant 122 : i32
    %dma_start3A_308 = arith.constant 0 : i32
    %dma_start3A_309 = arith.constant 0 : i32
    %dma_start3A_310 = tpu.memref_slice %arg3[%add3A, %dma_start3A_307, %dma_start3A_308, %dma_start3A_309] : memref<32x125x2x80xi32, #tpu.memory_space<hbm>> -> memref<1x1x2x80xi32, #tpu.memory_space<hbm>>
    %dma_start3A_311 = tpu.memref_squeeze %dma_start3A_310 : memref<1x1x2x80xi32, #tpu.memory_space<hbm>> -> memref<2x80xi32, #tpu.memory_space<hbm>>
    %dma_start3A_312 = arith.constant 0 : i32
    %dma_start3A_313 = arith.constant 0 : i32
    %dma_start3A_314 = tpu.memref_slice %arg3[%add3A, %dma_start3A_307, %dma_start3A_312, %dma_start3A_313] : memref<32x125x2x80xi32, #tpu.memory_space<hbm>> -> memref<1x1x2x80xi32, #tpu.memory_space<hbm>>
    %dma_start3A_315 = tpu.memref_squeeze %dma_start3A_314 : memref<1x1x2x80xi32, #tpu.memory_space<hbm>> -> memref<2x80xi32, #tpu.memory_space<hbm>>
    tpu.enqueue_dma source(%dma_start3A_315 : memref<2x80xi32, #tpu.memory_space<hbm>>) target(%arg7 : memref<2x80xi32, #tpu.memory_space<vmem>>) target_semaphore(%arg29 : memref<!tpu.dma_semaphore, #tpu.memory_space<semaphore_mem>>)
    %dma_wait3A_316 = arith.constant 0 : i32
    %dma_wait3A_317 = arith.constant 0 : i32
    %dma_wait3A_318 = arith.constant 0 : i32
    %dma_wait3A_319 = arith.constant 0 : i32
    %dma_wait3A_320 = tpu.memref_slice %arg3[%dma_wait3A_316, %dma_wait3A_317, %dma_wait3A_318, %dma_wait3A_319] : memref<32x125x2x80xi32, #tpu.memory_space<hbm>> -> memref<1x1x2x80xi32, #tpu.memory_space<hbm>>
    %dma_wait3A_321 = tpu.memref_squeeze %dma_wait3A_320 : memref<1x1x2x80xi32, #tpu.memory_space<hbm>> -> memref<2x80xi32, #tpu.memory_space<hbm>>
    %dma_wait3A_322 = arith.constant 0 : i32
    %dma_wait3A_323 = arith.constant 0 : i32
    %dma_wait3A_324 = tpu.memref_slice %arg3[%dma_wait3A_316, %dma_wait3A_317, %dma_wait3A_322, %dma_wait3A_323] : memref<32x125x2x80xi32, #tpu.memory_space<hbm>> -> memref<1x1x2x80xi32, #tpu.memory_space<hbm>>
    %dma_wait3A_325 = tpu.memref_squeeze %dma_wait3A_324 : memref<1x1x2x80xi32, #tpu.memory_space<hbm>> -> memref<2x80xi32, #tpu.memory_space<hbm>>
    tpu.wait_dma2 semaphore(%arg33 : memref<!tpu.dma_semaphore, #tpu.memory_space<semaphore_mem>>) src(%dma_wait3A_325 : memref<2x80xi32, #tpu.memory_space<hbm>>) dst(%arg11 : memref<2x80xi32, #tpu.memory_space<vmem>>)
    %dma_start3A_326 = arith.constant 0 : i32
    %dma_start3A_327 = arith.constant 0 : i32
    %dma_start3A_328 = tpu.memref_slice %arg11[%dma_start3A_326, %dma_start3A_327] : memref<2x80xi32, #tpu.memory_space<vmem>> -> memref<1x80xi32, #tpu.memory_space<vmem>>
    %dma_start3A_329 = tpu.memref_squeeze %dma_start3A_328 : memref<1x80xi32, #tpu.memory_space<vmem>> -> memref<80xi32, #tpu.memory_space<vmem>>
    %dma_start3A_330 = arith.constant 0 : i32
    %dma_start3A_331 = arith.constant 0 : i32
    %dma_start3A_332 = tpu.memref_slice %arg2[%dma_start3A_330, %dma_start3A_331] : memref<10000x128xf32, #tpu.memory_space<hbm>> -> memref<10000x128xf32, #tpu.memory_space<hbm>>
    tpu.enqueue_indirect_dma source(%dma_start3A_332 : memref<10000x128xf32, #tpu.memory_space<hbm>>) target(%arg15 : memref<80x128xf32, #tpu.memory_space<vmem>>) offsets(%dma_start3A_329 : memref<80xi32, #tpu.memory_space<vmem>>) semaphore(%arg21 : memref<!tpu.dma_semaphore, #tpu.memory_space<semaphore_mem>>)
    %dma_wait3A_333 = arith.constant 0 : i32
    %dma_wait3A_334 = arith.constant 0 : i32
    %dma_wait3A_335 = tpu.memref_slice %arg5[%dma_wait3A_333, %dma_wait3A_334] : memref<2x80xi32, #tpu.memory_space<vmem>> -> memref<1x80xi32, #tpu.memory_space<vmem>>
    %dma_wait3A_336 = tpu.memref_squeeze %dma_wait3A_335 : memref<1x80xi32, #tpu.memory_space<vmem>> -> memref<80xi32, #tpu.memory_space<vmem>>
    %dma_wait3A_337 = arith.constant 0 : i32
    %dma_wait3A_338 = arith.constant 0 : i32
    %dma_wait3A_339 = tpu.memref_slice %arg2[%dma_wait3A_337, %dma_wait3A_338] : memref<10000x128xf32, #tpu.memory_space<hbm>> -> memref<10000x128xf32, #tpu.memory_space<hbm>>
    tpu.wait_indirect_dma semaphore(%arg20 : memref<!tpu.dma_semaphore, #tpu.memory_space<semaphore_mem>>) src(%dma_wait3A_339 : memref<10000x128xf32, #tpu.memory_space<hbm>>) dst(%arg14 : memref<80x128xf32, #tpu.memory_space<vmem>>)
    %dma_start3A_340 = arith.constant 1 : i32
    %dma_start3A_341 = arith.constant 0 : i32
    %dma_start3A_342 = tpu.memref_slice %arg10[%dma_start3A_340, %dma_start3A_341] : memref<2x80xi32, #tpu.memory_space<vmem>> -> memref<1x80xi32, #tpu.memory_space<vmem>>
    %dma_start3A_343 = tpu.memref_squeeze %dma_start3A_342 : memref<1x80xi32, #tpu.memory_space<vmem>> -> memref<80xi32, #tpu.memory_space<vmem>>
    %dma_start3A_344 = arith.constant 0 : i32
    %dma_start3A_345 = arith.constant 0 : i32
    %dma_start3A_346 = tpu.memref_slice %arg18[%dma_start3A_344, %dma_start3A_345] : memref<10240x128xf32, #tpu.memory_space<vmem_shared>> -> memref<10240x128xf32, #tpu.memory_space<vmem_shared>>
    tpu.enqueue_indirect_dma source(%arg14 : memref<80x128xf32, #tpu.memory_space<vmem>>) target(%dma_start3A_346 : memref<10240x128xf32, #tpu.memory_space<vmem_shared>>) offsets(%dma_start3A_343 : memref<80xi32, #tpu.memory_space<vmem>>) semaphore(%arg24 : memref<!tpu.dma_semaphore, #tpu.memory_space<semaphore_mem>>) {add = true}
    %dma_wait3A_347 = arith.constant 1 : i32
    %dma_wait3A_348 = arith.constant 0 : i32
    %dma_wait3A_349 = tpu.memref_slice %arg5[%dma_wait3A_347, %dma_wait3A_348] : memref<2x80xi32, #tpu.memory_space<vmem>> -> memref<1x80xi32, #tpu.memory_space<vmem>>
    %dma_wait3A_350 = tpu.memref_squeeze %dma_wait3A_349 : memref<1x80xi32, #tpu.memory_space<vmem>> -> memref<80xi32, #tpu.memory_space<vmem>>
    %dma_wait3A_351 = arith.constant 0 : i32
    %dma_wait3A_352 = arith.constant 0 : i32
    %dma_wait3A_353 = tpu.memref_slice %arg18[%dma_wait3A_351, %dma_wait3A_352] : memref<10240x128xf32, #tpu.memory_space<vmem_shared>> -> memref<10240x128xf32, #tpu.memory_space<vmem_shared>>
    tpu.wait_indirect_dma semaphore(%arg26 : memref<!tpu.dma_semaphore, #tpu.memory_space<semaphore_mem>>) src(%arg16 : memref<80x128xf32, #tpu.memory_space<vmem>>) dst(%dma_wait3A_353 : memref<10240x128xf32, #tpu.memory_space<vmem_shared>>)
    %dma_start3A_354 = arith.constant 123 : i32
    %dma_start3A_355 = arith.constant 0 : i32
    %dma_start3A_356 = arith.constant 0 : i32
    %dma_start3A_357 = tpu.memref_slice %arg3[%add3A, %dma_start3A_354, %dma_start3A_355, %dma_start3A_356] : memref<32x125x2x80xi32, #tpu.memory_space<hbm>> -> memref<1x1x2x80xi32, #tpu.memory_space<hbm>>
    %dma_start3A_358 = tpu.memref_squeeze %dma_start3A_357 : memref<1x1x2x80xi32, #tpu.memory_space<hbm>> -> memref<2x80xi32, #tpu.memory_space<hbm>>
    %dma_start3A_359 = arith.constant 0 : i32
    %dma_start3A_360 = arith.constant 0 : i32
    %dma_start3A_361 = tpu.memref_slice %arg3[%add3A, %dma_start3A_354, %dma_start3A_359, %dma_start3A_360] : memref<32x125x2x80xi32, #tpu.memory_space<hbm>> -> memref<1x1x2x80xi32, #tpu.memory_space<hbm>>
    %dma_start3A_362 = tpu.memref_squeeze %dma_start3A_361 : memref<1x1x2x80xi32, #tpu.memory_space<hbm>> -> memref<2x80xi32, #tpu.memory_space<hbm>>
    tpu.enqueue_dma source(%dma_start3A_362 : memref<2x80xi32, #tpu.memory_space<hbm>>) target(%arg8 : memref<2x80xi32, #tpu.memory_space<vmem>>) target_semaphore(%arg30 : memref<!tpu.dma_semaphore, #tpu.memory_space<semaphore_mem>>)
    %dma_wait3A_363 = arith.constant 0 : i32
    %dma_wait3A_364 = arith.constant 0 : i32
    %dma_wait3A_365 = arith.constant 0 : i32
    %dma_wait3A_366 = arith.constant 0 : i32
    %dma_wait3A_367 = tpu.memref_slice %arg3[%dma_wait3A_363, %dma_wait3A_364, %dma_wait3A_365, %dma_wait3A_366] : memref<32x125x2x80xi32, #tpu.memory_space<hbm>> -> memref<1x1x2x80xi32, #tpu.memory_space<hbm>>
    %dma_wait3A_368 = tpu.memref_squeeze %dma_wait3A_367 : memref<1x1x2x80xi32, #tpu.memory_space<hbm>> -> memref<2x80xi32, #tpu.memory_space<hbm>>
    %dma_wait3A_369 = arith.constant 0 : i32
    %dma_wait3A_370 = arith.constant 0 : i32
    %dma_wait3A_371 = tpu.memref_slice %arg3[%dma_wait3A_363, %dma_wait3A_364, %dma_wait3A_369, %dma_wait3A_370] : memref<32x125x2x80xi32, #tpu.memory_space<hbm>> -> memref<1x1x2x80xi32, #tpu.memory_space<hbm>>
    %dma_wait3A_372 = tpu.memref_squeeze %dma_wait3A_371 : memref<1x1x2x80xi32, #tpu.memory_space<hbm>> -> memref<2x80xi32, #tpu.memory_space<hbm>>
    tpu.wait_dma2 semaphore(%arg34 : memref<!tpu.dma_semaphore, #tpu.memory_space<semaphore_mem>>) src(%dma_wait3A_372 : memref<2x80xi32, #tpu.memory_space<hbm>>) dst(%arg12 : memref<2x80xi32, #tpu.memory_space<vmem>>)
    %dma_start3A_373 = arith.constant 0 : i32
    %dma_start3A_374 = arith.constant 0 : i32
    %dma_start3A_375 = tpu.memref_slice %arg12[%dma_start3A_373, %dma_start3A_374] : memref<2x80xi32, #tpu.memory_space<vmem>> -> memref<1x80xi32, #tpu.memory_space<vmem>>
    %dma_start3A_376 = tpu.memref_squeeze %dma_start3A_375 : memref<1x80xi32, #tpu.memory_space<vmem>> -> memref<80xi32, #tpu.memory_space<vmem>>
    %dma_start3A_377 = arith.constant 0 : i32
    %dma_start3A_378 = arith.constant 0 : i32
    %dma_start3A_379 = tpu.memref_slice %arg2[%dma_start3A_377, %dma_start3A_378] : memref<10000x128xf32, #tpu.memory_space<hbm>> -> memref<10000x128xf32, #tpu.memory_space<hbm>>
    tpu.enqueue_indirect_dma source(%dma_start3A_379 : memref<10000x128xf32, #tpu.memory_space<hbm>>) target(%arg16 : memref<80x128xf32, #tpu.memory_space<vmem>>) offsets(%dma_start3A_376 : memref<80xi32, #tpu.memory_space<vmem>>) semaphore(%arg22 : memref<!tpu.dma_semaphore, #tpu.memory_space<semaphore_mem>>)
    %dma_wait3A_380 = arith.constant 0 : i32
    %dma_wait3A_381 = arith.constant 0 : i32
    %dma_wait3A_382 = tpu.memref_slice %arg5[%dma_wait3A_380, %dma_wait3A_381] : memref<2x80xi32, #tpu.memory_space<vmem>> -> memref<1x80xi32, #tpu.memory_space<vmem>>
    %dma_wait3A_383 = tpu.memref_squeeze %dma_wait3A_382 : memref<1x80xi32, #tpu.memory_space<vmem>> -> memref<80xi32, #tpu.memory_space<vmem>>
    %dma_wait3A_384 = arith.constant 0 : i32
    %dma_wait3A_385 = arith.constant 0 : i32
    %dma_wait3A_386 = tpu.memref_slice %arg2[%dma_wait3A_384, %dma_wait3A_385] : memref<10000x128xf32, #tpu.memory_space<hbm>> -> memref<10000x128xf32, #tpu.memory_space<hbm>>
    tpu.wait_indirect_dma semaphore(%arg21 : memref<!tpu.dma_semaphore, #tpu.memory_space<semaphore_mem>>) src(%dma_wait3A_386 : memref<10000x128xf32, #tpu.memory_space<hbm>>) dst(%arg15 : memref<80x128xf32, #tpu.memory_space<vmem>>)
    %dma_start3A_387 = arith.constant 1 : i32
    %dma_start3A_388 = arith.constant 0 : i32
    %dma_start3A_389 = tpu.memref_slice %arg11[%dma_start3A_387, %dma_start3A_388] : memref<2x80xi32, #tpu.memory_space<vmem>> -> memref<1x80xi32, #tpu.memory_space<vmem>>
    %dma_start3A_390 = tpu.memref_squeeze %dma_start3A_389 : memref<1x80xi32, #tpu.memory_space<vmem>> -> memref<80xi32, #tpu.memory_space<vmem>>
    %dma_start3A_391 = arith.constant 0 : i32
    %dma_start3A_392 = arith.constant 0 : i32
    %dma_start3A_393 = tpu.memref_slice %arg18[%dma_start3A_391, %dma_start3A_392] : memref<10240x128xf32, #tpu.memory_space<vmem_shared>> -> memref<10240x128xf32, #tpu.memory_space<vmem_shared>>
    tpu.enqueue_indirect_dma source(%arg15 : memref<80x128xf32, #tpu.memory_space<vmem>>) target(%dma_start3A_393 : memref<10240x128xf32, #tpu.memory_space<vmem_shared>>) offsets(%dma_start3A_390 : memref<80xi32, #tpu.memory_space<vmem>>) semaphore(%arg25 : memref<!tpu.dma_semaphore, #tpu.memory_space<semaphore_mem>>) {add = true}
    %dma_wait3A_394 = arith.constant 1 : i32
    %dma_wait3A_395 = arith.constant 0 : i32
    %dma_wait3A_396 = tpu.memref_slice %arg5[%dma_wait3A_394, %dma_wait3A_395] : memref<2x80xi32, #tpu.memory_space<vmem>> -> memref<1x80xi32, #tpu.memory_space<vmem>>
    %dma_wait3A_397 = tpu.memref_squeeze %dma_wait3A_396 : memref<1x80xi32, #tpu.memory_space<vmem>> -> memref<80xi32, #tpu.memory_space<vmem>>
    %dma_wait3A_398 = arith.constant 0 : i32
    %dma_wait3A_399 = arith.constant 0 : i32
    %dma_wait3A_400 = tpu.memref_slice %arg18[%dma_wait3A_398, %dma_wait3A_399] : memref<10240x128xf32, #tpu.memory_space<vmem_shared>> -> memref<10240x128xf32, #tpu.memory_space<vmem_shared>>
    tpu.wait_indirect_dma semaphore(%arg23 : memref<!tpu.dma_semaphore, #tpu.memory_space<semaphore_mem>>) src(%arg13 : memref<80x128xf32, #tpu.memory_space<vmem>>) dst(%dma_wait3A_400 : memref<10240x128xf32, #tpu.memory_space<vmem_shared>>)
    %dma_start3A_401 = arith.constant 124 : i32
    %dma_start3A_402 = arith.constant 0 : i32
    %dma_start3A_403 = arith.constant 0 : i32
    %dma_start3A_404 = tpu.memref_slice %arg3[%add3A, %dma_start3A_401, %dma_start3A_402, %dma_start3A_403] : memref<32x125x2x80xi32, #tpu.memory_space<hbm>> -> memref<1x1x2x80xi32, #tpu.memory_space<hbm>>
    %dma_start3A_405 = tpu.memref_squeeze %dma_start3A_404 : memref<1x1x2x80xi32, #tpu.memory_space<hbm>> -> memref<2x80xi32, #tpu.memory_space<hbm>>
    %dma_start3A_406 = arith.constant 0 : i32
    %dma_start3A_407 = arith.constant 0 : i32
    %dma_start3A_408 = tpu.memref_slice %arg3[%add3A, %dma_start3A_401, %dma_start3A_406, %dma_start3A_407] : memref<32x125x2x80xi32, #tpu.memory_space<hbm>> -> memref<1x1x2x80xi32, #tpu.memory_space<hbm>>
    %dma_start3A_409 = tpu.memref_squeeze %dma_start3A_408 : memref<1x1x2x80xi32, #tpu.memory_space<hbm>> -> memref<2x80xi32, #tpu.memory_space<hbm>>
    tpu.enqueue_dma source(%dma_start3A_409 : memref<2x80xi32, #tpu.memory_space<hbm>>) target(%arg9 : memref<2x80xi32, #tpu.memory_space<vmem>>) target_semaphore(%arg31 : memref<!tpu.dma_semaphore, #tpu.memory_space<semaphore_mem>>)
    %dma_wait3A_410 = arith.constant 0 : i32
    %dma_wait3A_411 = arith.constant 0 : i32
    %dma_wait3A_412 = arith.constant 0 : i32
    %dma_wait3A_413 = arith.constant 0 : i32
    %dma_wait3A_414 = tpu.memref_slice %arg3[%dma_wait3A_410, %dma_wait3A_411, %dma_wait3A_412, %dma_wait3A_413] : memref<32x125x2x80xi32, #tpu.memory_space<hbm>> -> memref<1x1x2x80xi32, #tpu.memory_space<hbm>>
    %dma_wait3A_415 = tpu.memref_squeeze %dma_wait3A_414 : memref<1x1x2x80xi32, #tpu.memory_space<hbm>> -> memref<2x80xi32, #tpu.memory_space<hbm>>
    %dma_wait3A_416 = arith.constant 0 : i32
    %dma_wait3A_417 = arith.constant 0 : i32
    %dma_wait3A_418 = tpu.memref_slice %arg3[%dma_wait3A_410, %dma_wait3A_411, %dma_wait3A_416, %dma_wait3A_417] : memref<32x125x2x80xi32, #tpu.memory_space<hbm>> -> memref<1x1x2x80xi32, #tpu.memory_space<hbm>>
    %dma_wait3A_419 = tpu.memref_squeeze %dma_wait3A_418 : memref<1x1x2x80xi32, #tpu.memory_space<hbm>> -> memref<2x80xi32, #tpu.memory_space<hbm>>
    tpu.wait_dma2 semaphore(%arg27 : memref<!tpu.dma_semaphore, #tpu.memory_space<semaphore_mem>>) src(%dma_wait3A_419 : memref<2x80xi32, #tpu.memory_space<hbm>>) dst(%arg5 : memref<2x80xi32, #tpu.memory_space<vmem>>)
    %dma_start3A_420 = arith.constant 0 : i32
    %dma_start3A_421 = arith.constant 0 : i32
    %dma_start3A_422 = tpu.memref_slice %arg5[%dma_start3A_420, %dma_start3A_421] : memref<2x80xi32, #tpu.memory_space<vmem>> -> memref<1x80xi32, #tpu.memory_space<vmem>>
    %dma_start3A_423 = tpu.memref_squeeze %dma_start3A_422 : memref<1x80xi32, #tpu.memory_space<vmem>> -> memref<80xi32, #tpu.memory_space<vmem>>
    %dma_start3A_424 = arith.constant 0 : i32
    %dma_start3A_425 = arith.constant 0 : i32
    %dma_start3A_426 = tpu.memref_slice %arg2[%dma_start3A_424, %dma_start3A_425] : memref<10000x128xf32, #tpu.memory_space<hbm>> -> memref<10000x128xf32, #tpu.memory_space<hbm>>
    tpu.enqueue_indirect_dma source(%dma_start3A_426 : memref<10000x128xf32, #tpu.memory_space<hbm>>) target(%arg13 : memref<80x128xf32, #tpu.memory_space<vmem>>) offsets(%dma_start3A_423 : memref<80xi32, #tpu.memory_space<vmem>>) semaphore(%arg19 : memref<!tpu.dma_semaphore, #tpu.memory_space<semaphore_mem>>)
    %dma_wait3A_427 = arith.constant 0 : i32
    %dma_wait3A_428 = arith.constant 0 : i32
    %dma_wait3A_429 = tpu.memref_slice %arg5[%dma_wait3A_427, %dma_wait3A_428] : memref<2x80xi32, #tpu.memory_space<vmem>> -> memref<1x80xi32, #tpu.memory_space<vmem>>
    %dma_wait3A_430 = tpu.memref_squeeze %dma_wait3A_429 : memref<1x80xi32, #tpu.memory_space<vmem>> -> memref<80xi32, #tpu.memory_space<vmem>>
    %dma_wait3A_431 = arith.constant 0 : i32
    %dma_wait3A_432 = arith.constant 0 : i32
    %dma_wait3A_433 = tpu.memref_slice %arg2[%dma_wait3A_431, %dma_wait3A_432] : memref<10000x128xf32, #tpu.memory_space<hbm>> -> memref<10000x128xf32, #tpu.memory_space<hbm>>
    tpu.wait_indirect_dma semaphore(%arg22 : memref<!tpu.dma_semaphore, #tpu.memory_space<semaphore_mem>>) src(%dma_wait3A_433 : memref<10000x128xf32, #tpu.memory_space<hbm>>) dst(%arg16 : memref<80x128xf32, #tpu.memory_space<vmem>>)
    %dma_start3A_434 = arith.constant 1 : i32
    %dma_start3A_435 = arith.constant 0 : i32
    %dma_start3A_436 = tpu.memref_slice %arg12[%dma_start3A_434, %dma_start3A_435] : memref<2x80xi32, #tpu.memory_space<vmem>> -> memref<1x80xi32, #tpu.memory_space<vmem>>
    %dma_start3A_437 = tpu.memref_squeeze %dma_start3A_436 : memref<1x80xi32, #tpu.memory_space<vmem>> -> memref<80xi32, #tpu.memory_space<vmem>>
    %dma_start3A_438 = arith.constant 0 : i32
    %dma_start3A_439 = arith.constant 0 : i32
    %dma_start3A_440 = tpu.memref_slice %arg18[%dma_start3A_438, %dma_start3A_439] : memref<10240x128xf32, #tpu.memory_space<vmem_shared>> -> memref<10240x128xf32, #tpu.memory_space<vmem_shared>>
    tpu.enqueue_indirect_dma source(%arg16 : memref<80x128xf32, #tpu.memory_space<vmem>>) target(%dma_start3A_440 : memref<10240x128xf32, #tpu.memory_space<vmem_shared>>) offsets(%dma_start3A_437 : memref<80xi32, #tpu.memory_space<vmem>>) semaphore(%arg26 : memref<!tpu.dma_semaphore, #tpu.memory_space<semaphore_mem>>) {add = true}
    %dma_wait3A_441 = arith.constant 1 : i32
    %dma_wait3A_442 = arith.constant 0 : i32
    %dma_wait3A_443 = tpu.memref_slice %arg5[%dma_wait3A_441, %dma_wait3A_442] : memref<2x80xi32, #tpu.memory_space<vmem>> -> memref<1x80xi32, #tpu.memory_space<vmem>>
    %dma_wait3A_444 = tpu.memref_squeeze %dma_wait3A_443 : memref<1x80xi32, #tpu.memory_space<vmem>> -> memref<80xi32, #tpu.memory_space<vmem>>
    %dma_wait3A_445 = arith.constant 0 : i32
    %dma_wait3A_446 = arith.constant 0 : i32
    %dma_wait3A_447 = tpu.memref_slice %arg18[%dma_wait3A_445, %dma_wait3A_446] : memref<10240x128xf32, #tpu.memory_space<vmem_shared>> -> memref<10240x128xf32, #tpu.memory_space<vmem_shared>>
    tpu.wait_indirect_dma semaphore(%arg24 : memref<!tpu.dma_semaphore, #tpu.memory_space<semaphore_mem>>) src(%arg14 : memref<80x128xf32, #tpu.memory_space<vmem>>) dst(%dma_wait3A_447 : memref<10240x128xf32, #tpu.memory_space<vmem_shared>>)
    %dma_wait3A_448 = arith.constant 0 : i32
    %dma_wait3A_449 = arith.constant 0 : i32
    %dma_wait3A_450 = arith.constant 0 : i32
    %dma_wait3A_451 = arith.constant 0 : i32
    %dma_wait3A_452 = tpu.memref_slice %arg3[%dma_wait3A_448, %dma_wait3A_449, %dma_wait3A_450, %dma_wait3A_451] : memref<32x125x2x80xi32, #tpu.memory_space<hbm>> -> memref<1x1x2x80xi32, #tpu.memory_space<hbm>>
    %dma_wait3A_453 = tpu.memref_squeeze %dma_wait3A_452 : memref<1x1x2x80xi32, #tpu.memory_space<hbm>> -> memref<2x80xi32, #tpu.memory_space<hbm>>
    %dma_wait3A_454 = arith.constant 0 : i32
    %dma_wait3A_455 = arith.constant 0 : i32
    %dma_wait3A_456 = tpu.memref_slice %arg3[%dma_wait3A_448, %dma_wait3A_449, %dma_wait3A_454, %dma_wait3A_455] : memref<32x125x2x80xi32, #tpu.memory_space<hbm>> -> memref<1x1x2x80xi32, #tpu.memory_space<hbm>>
    %dma_wait3A_457 = tpu.memref_squeeze %dma_wait3A_456 : memref<1x1x2x80xi32, #tpu.memory_space<hbm>> -> memref<2x80xi32, #tpu.memory_space<hbm>>
    tpu.wait_dma2 semaphore(%arg28 : memref<!tpu.dma_semaphore, #tpu.memory_space<semaphore_mem>>) src(%dma_wait3A_457 : memref<2x80xi32, #tpu.memory_space<hbm>>) dst(%arg6 : memref<2x80xi32, #tpu.memory_space<vmem>>)
    %dma_start3A_458 = arith.constant 0 : i32
    %dma_start3A_459 = arith.constant 0 : i32
    %dma_start3A_460 = tpu.memref_slice %arg6[%dma_start3A_458, %dma_start3A_459] : memref<2x80xi32, #tpu.memory_space<vmem>> -> memref<1x80xi32, #tpu.memory_space<vmem>>
    %dma_start3A_461 = tpu.memref_squeeze %dma_start3A_460 : memref<1x80xi32, #tpu.memory_space<vmem>> -> memref<80xi32, #tpu.memory_space<vmem>>
    %dma_start3A_462 = arith.constant 0 : i32
    %dma_start3A_463 = arith.constant 0 : i32
    %dma_start3A_464 = tpu.memref_slice %arg2[%dma_start3A_462, %dma_start3A_463] : memref<10000x128xf32, #tpu.memory_space<hbm>> -> memref<10000x128xf32, #tpu.memory_space<hbm>>
    tpu.enqueue_indirect_dma source(%dma_start3A_464 : memref<10000x128xf32, #tpu.memory_space<hbm>>) target(%arg14 : memref<80x128xf32, #tpu.memory_space<vmem>>) offsets(%dma_start3A_461 : memref<80xi32, #tpu.memory_space<vmem>>) semaphore(%arg20 : memref<!tpu.dma_semaphore, #tpu.memory_space<semaphore_mem>>)
    %dma_wait3A_465 = arith.constant 0 : i32
    %dma_wait3A_466 = arith.constant 0 : i32
    %dma_wait3A_467 = tpu.memref_slice %arg5[%dma_wait3A_465, %dma_wait3A_466] : memref<2x80xi32, #tpu.memory_space<vmem>> -> memref<1x80xi32, #tpu.memory_space<vmem>>
    %dma_wait3A_468 = tpu.memref_squeeze %dma_wait3A_467 : memref<1x80xi32, #tpu.memory_space<vmem>> -> memref<80xi32, #tpu.memory_space<vmem>>
    %dma_wait3A_469 = arith.constant 0 : i32
    %dma_wait3A_470 = arith.constant 0 : i32
    %dma_wait3A_471 = tpu.memref_slice %arg2[%dma_wait3A_469, %dma_wait3A_470] : memref<10000x128xf32, #tpu.memory_space<hbm>> -> memref<10000x128xf32, #tpu.memory_space<hbm>>
    tpu.wait_indirect_dma semaphore(%arg19 : memref<!tpu.dma_semaphore, #tpu.memory_space<semaphore_mem>>) src(%dma_wait3A_471 : memref<10000x128xf32, #tpu.memory_space<hbm>>) dst(%arg13 : memref<80x128xf32, #tpu.memory_space<vmem>>)
    %dma_start3A_472 = arith.constant 1 : i32
    %dma_start3A_473 = arith.constant 0 : i32
    %dma_start3A_474 = tpu.memref_slice %arg5[%dma_start3A_472, %dma_start3A_473] : memref<2x80xi32, #tpu.memory_space<vmem>> -> memref<1x80xi32, #tpu.memory_space<vmem>>
    %dma_start3A_475 = tpu.memref_squeeze %dma_start3A_474 : memref<1x80xi32, #tpu.memory_space<vmem>> -> memref<80xi32, #tpu.memory_space<vmem>>
    %dma_start3A_476 = arith.constant 0 : i32
    %dma_start3A_477 = arith.constant 0 : i32
    %dma_start3A_478 = tpu.memref_slice %arg18[%dma_start3A_476, %dma_start3A_477] : memref<10240x128xf32, #tpu.memory_space<vmem_shared>> -> memref<10240x128xf32, #tpu.memory_space<vmem_shared>>
    tpu.enqueue_indirect_dma source(%arg13 : memref<80x128xf32, #tpu.memory_space<vmem>>) target(%dma_start3A_478 : memref<10240x128xf32, #tpu.memory_space<vmem_shared>>) offsets(%dma_start3A_475 : memref<80xi32, #tpu.memory_space<vmem>>) semaphore(%arg23 : memref<!tpu.dma_semaphore, #tpu.memory_space<semaphore_mem>>) {add = true}
    %dma_wait3A_479 = arith.constant 1 : i32
    %dma_wait3A_480 = arith.constant 0 : i32
    %dma_wait3A_481 = tpu.memref_slice %arg5[%dma_wait3A_479, %dma_wait3A_480] : memref<2x80xi32, #tpu.memory_space<vmem>> -> memref<1x80xi32, #tpu.memory_space<vmem>>
    %dma_wait3A_482 = tpu.memref_squeeze %dma_wait3A_481 : memref<1x80xi32, #tpu.memory_space<vmem>> -> memref<80xi32, #tpu.memory_space<vmem>>
    %dma_wait3A_483 = arith.constant 0 : i32
    %dma_wait3A_484 = arith.constant 0 : i32
    %dma_wait3A_485 = tpu.memref_slice %arg18[%dma_wait3A_483, %dma_wait3A_484] : memref<10240x128xf32, #tpu.memory_space<vmem_shared>> -> memref<10240x128xf32, #tpu.memory_space<vmem_shared>>
    tpu.wait_indirect_dma semaphore(%arg25 : memref<!tpu.dma_semaphore, #tpu.memory_space<semaphore_mem>>) src(%arg15 : memref<80x128xf32, #tpu.memory_space<vmem>>) dst(%dma_wait3A_485 : memref<10240x128xf32, #tpu.memory_space<vmem_shared>>)
    %dma_wait3A_486 = arith.constant 0 : i32
    %dma_wait3A_487 = arith.constant 0 : i32
    %dma_wait3A_488 = arith.constant 0 : i32
    %dma_wait3A_489 = arith.constant 0 : i32
    %dma_wait3A_490 = tpu.memref_slice %arg3[%dma_wait3A_486, %dma_wait3A_487, %dma_wait3A_488, %dma_wait3A_489] : memref<32x125x2x80xi32, #tpu.memory_space<hbm>> -> memref<1x1x2x80xi32, #tpu.memory_space<hbm>>
    %dma_wait3A_491 = tpu.memref_squeeze %dma_wait3A_490 : memref<1x1x2x80xi32, #tpu.memory_space<hbm>> -> memref<2x80xi32, #tpu.memory_space<hbm>>
    %dma_wait3A_492 = arith.constant 0 : i32
    %dma_wait3A_493 = arith.constant 0 : i32
    %dma_wait3A_494 = tpu.memref_slice %arg3[%dma_wait3A_486, %dma_wait3A_487, %dma_wait3A_492, %dma_wait3A_493] : memref<32x125x2x80xi32, #tpu.memory_space<hbm>> -> memref<1x1x2x80xi32, #tpu.memory_space<hbm>>
    %dma_wait3A_495 = tpu.memref_squeeze %dma_wait3A_494 : memref<1x1x2x80xi32, #tpu.memory_space<hbm>> -> memref<2x80xi32, #tpu.memory_space<hbm>>
    tpu.wait_dma2 semaphore(%arg29 : memref<!tpu.dma_semaphore, #tpu.memory_space<semaphore_mem>>) src(%dma_wait3A_495 : memref<2x80xi32, #tpu.memory_space<hbm>>) dst(%arg7 : memref<2x80xi32, #tpu.memory_space<vmem>>)
    %dma_start3A_496 = arith.constant 0 : i32
    %dma_start3A_497 = arith.constant 0 : i32
    %dma_start3A_498 = tpu.memref_slice %arg7[%dma_start3A_496, %dma_start3A_497] : memref<2x80xi32, #tpu.memory_space<vmem>> -> memref<1x80xi32, #tpu.memory_space<vmem>>
    %dma_start3A_499 = tpu.memref_squeeze %dma_start3A_498 : memref<1x80xi32, #tpu.memory_space<vmem>> -> memref<80xi32, #tpu.memory_space<vmem>>
    %dma_start3A_500 = arith.constant 0 : i32
    %dma_start3A_501 = arith.constant 0 : i32
    %dma_start3A_502 = tpu.memref_slice %arg2[%dma_start3A_500, %dma_start3A_501] : memref<10000x128xf32, #tpu.memory_space<hbm>> -> memref<10000x128xf32, #tpu.memory_space<hbm>>
    tpu.enqueue_indirect_dma source(%dma_start3A_502 : memref<10000x128xf32, #tpu.memory_space<hbm>>) target(%arg15 : memref<80x128xf32, #tpu.memory_space<vmem>>) offsets(%dma_start3A_499 : memref<80xi32, #tpu.memory_space<vmem>>) semaphore(%arg21 : memref<!tpu.dma_semaphore, #tpu.memory_space<semaphore_mem>>)
    %dma_wait3A_503 = arith.constant 0 : i32
    %dma_wait3A_504 = arith.constant 0 : i32
    %dma_wait3A_505 = tpu.memref_slice %arg5[%dma_wait3A_503, %dma_wait3A_504] : memref<2x80xi32, #tpu.memory_space<vmem>> -> memref<1x80xi32, #tpu.memory_space<vmem>>
    %dma_wait3A_506 = tpu.memref_squeeze %dma_wait3A_505 : memref<1x80xi32, #tpu.memory_space<vmem>> -> memref<80xi32, #tpu.memory_space<vmem>>
    %dma_wait3A_507 = arith.constant 0 : i32
    %dma_wait3A_508 = arith.constant 0 : i32
    %dma_wait3A_509 = tpu.memref_slice %arg2[%dma_wait3A_507, %dma_wait3A_508] : memref<10000x128xf32, #tpu.memory_space<hbm>> -> memref<10000x128xf32, #tpu.memory_space<hbm>>
    tpu.wait_indirect_dma semaphore(%arg20 : memref<!tpu.dma_semaphore, #tpu.memory_space<semaphore_mem>>) src(%dma_wait3A_509 : memref<10000x128xf32, #tpu.memory_space<hbm>>) dst(%arg14 : memref<80x128xf32, #tpu.memory_space<vmem>>)
    %dma_start3A_510 = arith.constant 1 : i32
    %dma_start3A_511 = arith.constant 0 : i32
    %dma_start3A_512 = tpu.memref_slice %arg6[%dma_start3A_510, %dma_start3A_511] : memref<2x80xi32, #tpu.memory_space<vmem>> -> memref<1x80xi32, #tpu.memory_space<vmem>>
    %dma_start3A_513 = tpu.memref_squeeze %dma_start3A_512 : memref<1x80xi32, #tpu.memory_space<vmem>> -> memref<80xi32, #tpu.memory_space<vmem>>
    %dma_start3A_514 = arith.constant 0 : i32
    %dma_start3A_515 = arith.constant 0 : i32
    %dma_start3A_516 = tpu.memref_slice %arg18[%dma_start3A_514, %dma_start3A_515] : memref<10240x128xf32, #tpu.memory_space<vmem_shared>> -> memref<10240x128xf32, #tpu.memory_space<vmem_shared>>
    tpu.enqueue_indirect_dma source(%arg14 : memref<80x128xf32, #tpu.memory_space<vmem>>) target(%dma_start3A_516 : memref<10240x128xf32, #tpu.memory_space<vmem_shared>>) offsets(%dma_start3A_513 : memref<80xi32, #tpu.memory_space<vmem>>) semaphore(%arg24 : memref<!tpu.dma_semaphore, #tpu.memory_space<semaphore_mem>>) {add = true}
    %dma_wait3A_517 = arith.constant 1 : i32
    %dma_wait3A_518 = arith.constant 0 : i32
    %dma_wait3A_519 = tpu.memref_slice %arg5[%dma_wait3A_517, %dma_wait3A_518] : memref<2x80xi32, #tpu.memory_space<vmem>> -> memref<1x80xi32, #tpu.memory_space<vmem>>
    %dma_wait3A_520 = tpu.memref_squeeze %dma_wait3A_519 : memref<1x80xi32, #tpu.memory_space<vmem>> -> memref<80xi32, #tpu.memory_space<vmem>>
    %dma_wait3A_521 = arith.constant 0 : i32
    %dma_wait3A_522 = arith.constant 0 : i32
    %dma_wait3A_523 = tpu.memref_slice %arg18[%dma_wait3A_521, %dma_wait3A_522] : memref<10240x128xf32, #tpu.memory_space<vmem_shared>> -> memref<10240x128xf32, #tpu.memory_space<vmem_shared>>
    tpu.wait_indirect_dma semaphore(%arg26 : memref<!tpu.dma_semaphore, #tpu.memory_space<semaphore_mem>>) src(%arg16 : memref<80x128xf32, #tpu.memory_space<vmem>>) dst(%dma_wait3A_523 : memref<10240x128xf32, #tpu.memory_space<vmem_shared>>)
    %dma_wait3A_524 = arith.constant 0 : i32
    %dma_wait3A_525 = arith.constant 0 : i32
    %dma_wait3A_526 = arith.constant 0 : i32
    %dma_wait3A_527 = arith.constant 0 : i32
    %dma_wait3A_528 = tpu.memref_slice %arg3[%dma_wait3A_524, %dma_wait3A_525, %dma_wait3A_526, %dma_wait3A_527] : memref<32x125x2x80xi32, #tpu.memory_space<hbm>> -> memref<1x1x2x80xi32, #tpu.memory_space<hbm>>
    %dma_wait3A_529 = tpu.memref_squeeze %dma_wait3A_528 : memref<1x1x2x80xi32, #tpu.memory_space<hbm>> -> memref<2x80xi32, #tpu.memory_space<hbm>>
    %dma_wait3A_530 = arith.constant 0 : i32
    %dma_wait3A_531 = arith.constant 0 : i32
    %dma_wait3A_532 = tpu.memref_slice %arg3[%dma_wait3A_524, %dma_wait3A_525, %dma_wait3A_530, %dma_wait3A_531] : memref<32x125x2x80xi32, #tpu.memory_space<hbm>> -> memref<1x1x2x80xi32, #tpu.memory_space<hbm>>
    %dma_wait3A_533 = tpu.memref_squeeze %dma_wait3A_532 : memref<1x1x2x80xi32, #tpu.memory_space<hbm>> -> memref<2x80xi32, #tpu.memory_space<hbm>>
    tpu.wait_dma2 semaphore(%arg30 : memref<!tpu.dma_semaphore, #tpu.memory_space<semaphore_mem>>) src(%dma_wait3A_533 : memref<2x80xi32, #tpu.memory_space<hbm>>) dst(%arg8 : memref<2x80xi32, #tpu.memory_space<vmem>>)
    %dma_start3A_534 = arith.constant 0 : i32
    %dma_start3A_535 = arith.constant 0 : i32
    %dma_start3A_536 = tpu.memref_slice %arg8[%dma_start3A_534, %dma_start3A_535] : memref<2x80xi32, #tpu.memory_space<vmem>> -> memref<1x80xi32, #tpu.memory_space<vmem>>
    %dma_start3A_537 = tpu.memref_squeeze %dma_start3A_536 : memref<1x80xi32, #tpu.memory_space<vmem>> -> memref<80xi32, #tpu.memory_space<vmem>>
    %dma_start3A_538 = arith.constant 0 : i32
    %dma_start3A_539 = arith.constant 0 : i32
    %dma_start3A_540 = tpu.memref_slice %arg2[%dma_start3A_538, %dma_start3A_539] : memref<10000x128xf32, #tpu.memory_space<hbm>> -> memref<10000x128xf32, #tpu.memory_space<hbm>>
    tpu.enqueue_indirect_dma source(%dma_start3A_540 : memref<10000x128xf32, #tpu.memory_space<hbm>>) target(%arg16 : memref<80x128xf32, #tpu.memory_space<vmem>>) offsets(%dma_start3A_537 : memref<80xi32, #tpu.memory_space<vmem>>) semaphore(%arg22 : memref<!tpu.dma_semaphore, #tpu.memory_space<semaphore_mem>>)
    %dma_wait3A_541 = arith.constant 0 : i32
    %dma_wait3A_542 = arith.constant 0 : i32
    %dma_wait3A_543 = tpu.memref_slice %arg5[%dma_wait3A_541, %dma_wait3A_542] : memref<2x80xi32, #tpu.memory_space<vmem>> -> memref<1x80xi32, #tpu.memory_space<vmem>>
    %dma_wait3A_544 = tpu.memref_squeeze %dma_wait3A_543 : memref<1x80xi32, #tpu.memory_space<vmem>> -> memref<80xi32, #tpu.memory_space<vmem>>
    %dma_wait3A_545 = arith.constant 0 : i32
    %dma_wait3A_546 = arith.constant 0 : i32
    %dma_wait3A_547 = tpu.memref_slice %arg2[%dma_wait3A_545, %dma_wait3A_546] : memref<10000x128xf32, #tpu.memory_space<hbm>> -> memref<10000x128xf32, #tpu.memory_space<hbm>>
    tpu.wait_indirect_dma semaphore(%arg21 : memref<!tpu.dma_semaphore, #tpu.memory_space<semaphore_mem>>) src(%dma_wait3A_547 : memref<10000x128xf32, #tpu.memory_space<hbm>>) dst(%arg15 : memref<80x128xf32, #tpu.memory_space<vmem>>)
    %dma_start3A_548 = arith.constant 1 : i32
    %dma_start3A_549 = arith.constant 0 : i32
    %dma_start3A_550 = tpu.memref_slice %arg7[%dma_start3A_548, %dma_start3A_549] : memref<2x80xi32, #tpu.memory_space<vmem>> -> memref<1x80xi32, #tpu.memory_space<vmem>>
    %dma_start3A_551 = tpu.memref_squeeze %dma_start3A_550 : memref<1x80xi32, #tpu.memory_space<vmem>> -> memref<80xi32, #tpu.memory_space<vmem>>
    %dma_start3A_552 = arith.constant 0 : i32
    %dma_start3A_553 = arith.constant 0 : i32
    %dma_start3A_554 = tpu.memref_slice %arg18[%dma_start3A_552, %dma_start3A_553] : memref<10240x128xf32, #tpu.memory_space<vmem_shared>> -> memref<10240x128xf32, #tpu.memory_space<vmem_shared>>
    tpu.enqueue_indirect_dma source(%arg15 : memref<80x128xf32, #tpu.memory_space<vmem>>) target(%dma_start3A_554 : memref<10240x128xf32, #tpu.memory_space<vmem_shared>>) offsets(%dma_start3A_551 : memref<80xi32, #tpu.memory_space<vmem>>) semaphore(%arg25 : memref<!tpu.dma_semaphore, #tpu.memory_space<semaphore_mem>>) {add = true}
    %dma_wait3A_555 = arith.constant 1 : i32
    %dma_wait3A_556 = arith.constant 0 : i32
    %dma_wait3A_557 = tpu.memref_slice %arg5[%dma_wait3A_555, %dma_wait3A_556] : memref<2x80xi32, #tpu.memory_space<vmem>> -> memref<1x80xi32, #tpu.memory_space<vmem>>
    %dma_wait3A_558 = tpu.memref_squeeze %dma_wait3A_557 : memref<1x80xi32, #tpu.memory_space<vmem>> -> memref<80xi32, #tpu.memory_space<vmem>>
    %dma_wait3A_559 = arith.constant 0 : i32
    %dma_wait3A_560 = arith.constant 0 : i32
    %dma_wait3A_561 = tpu.memref_slice %arg18[%dma_wait3A_559, %dma_wait3A_560] : memref<10240x128xf32, #tpu.memory_space<vmem_shared>> -> memref<10240x128xf32, #tpu.memory_space<vmem_shared>>
    tpu.wait_indirect_dma semaphore(%arg23 : memref<!tpu.dma_semaphore, #tpu.memory_space<semaphore_mem>>) src(%arg13 : memref<80x128xf32, #tpu.memory_space<vmem>>) dst(%dma_wait3A_561 : memref<10240x128xf32, #tpu.memory_space<vmem_shared>>)
    %dma_wait3A_562 = arith.constant 0 : i32
    %dma_wait3A_563 = arith.constant 0 : i32
    %dma_wait3A_564 = arith.constant 0 : i32
    %dma_wait3A_565 = arith.constant 0 : i32
    %dma_wait3A_566 = tpu.memref_slice %arg3[%dma_wait3A_562, %dma_wait3A_563, %dma_wait3A_564, %dma_wait3A_565] : memref<32x125x2x80xi32, #tpu.memory_space<hbm>> -> memref<1x1x2x80xi32, #tpu.memory_space<hbm>>
    %dma_wait3A_567 = tpu.memref_squeeze %dma_wait3A_566 : memref<1x1x2x80xi32, #tpu.memory_space<hbm>> -> memref<2x80xi32, #tpu.memory_space<hbm>>
    %dma_wait3A_568 = arith.constant 0 : i32
    %dma_wait3A_569 = arith.constant 0 : i32
    %dma_wait3A_570 = tpu.memref_slice %arg3[%dma_wait3A_562, %dma_wait3A_563, %dma_wait3A_568, %dma_wait3A_569] : memref<32x125x2x80xi32, #tpu.memory_space<hbm>> -> memref<1x1x2x80xi32, #tpu.memory_space<hbm>>
    %dma_wait3A_571 = tpu.memref_squeeze %dma_wait3A_570 : memref<1x1x2x80xi32, #tpu.memory_space<hbm>> -> memref<2x80xi32, #tpu.memory_space<hbm>>
    tpu.wait_dma2 semaphore(%arg31 : memref<!tpu.dma_semaphore, #tpu.memory_space<semaphore_mem>>) src(%dma_wait3A_571 : memref<2x80xi32, #tpu.memory_space<hbm>>) dst(%arg9 : memref<2x80xi32, #tpu.memory_space<vmem>>)
    %dma_start3A_572 = arith.constant 0 : i32
    %dma_start3A_573 = arith.constant 0 : i32
    %dma_start3A_574 = tpu.memref_slice %arg9[%dma_start3A_572, %dma_start3A_573] : memref<2x80xi32, #tpu.memory_space<vmem>> -> memref<1x80xi32, #tpu.memory_space<vmem>>
    %dma_start3A_575 = tpu.memref_squeeze %dma_start3A_574 : memref<1x80xi32, #tpu.memory_space<vmem>> -> memref<80xi32, #tpu.memory_space<vmem>>
    %dma_start3A_576 = arith.constant 0 : i32
    %dma_start3A_577 = arith.constant 0 : i32
    %dma_start3A_578 = tpu.memref_slice %arg2[%dma_start3A_576, %dma_start3A_577] : memref<10000x128xf32, #tpu.memory_space<hbm>> -> memref<10000x128xf32, #tpu.memory_space<hbm>>
    tpu.enqueue_indirect_dma source(%dma_start3A_578 : memref<10000x128xf32, #tpu.memory_space<hbm>>) target(%arg13 : memref<80x128xf32, #tpu.memory_space<vmem>>) offsets(%dma_start3A_575 : memref<80xi32, #tpu.memory_space<vmem>>) semaphore(%arg19 : memref<!tpu.dma_semaphore, #tpu.memory_space<semaphore_mem>>)
    %dma_wait3A_579 = arith.constant 0 : i32
    %dma_wait3A_580 = arith.constant 0 : i32
    %dma_wait3A_581 = tpu.memref_slice %arg5[%dma_wait3A_579, %dma_wait3A_580] : memref<2x80xi32, #tpu.memory_space<vmem>> -> memref<1x80xi32, #tpu.memory_space<vmem>>
    %dma_wait3A_582 = tpu.memref_squeeze %dma_wait3A_581 : memref<1x80xi32, #tpu.memory_space<vmem>> -> memref<80xi32, #tpu.memory_space<vmem>>
    %dma_wait3A_583 = arith.constant 0 : i32
    %dma_wait3A_584 = arith.constant 0 : i32
    %dma_wait3A_585 = tpu.memref_slice %arg2[%dma_wait3A_583, %dma_wait3A_584] : memref<10000x128xf32, #tpu.memory_space<hbm>> -> memref<10000x128xf32, #tpu.memory_space<hbm>>
    tpu.wait_indirect_dma semaphore(%arg22 : memref<!tpu.dma_semaphore, #tpu.memory_space<semaphore_mem>>) src(%dma_wait3A_585 : memref<10000x128xf32, #tpu.memory_space<hbm>>) dst(%arg16 : memref<80x128xf32, #tpu.memory_space<vmem>>)
    %dma_start3A_586 = arith.constant 1 : i32
    %dma_start3A_587 = arith.constant 0 : i32
    %dma_start3A_588 = tpu.memref_slice %arg8[%dma_start3A_586, %dma_start3A_587] : memref<2x80xi32, #tpu.memory_space<vmem>> -> memref<1x80xi32, #tpu.memory_space<vmem>>
    %dma_start3A_589 = tpu.memref_squeeze %dma_start3A_588 : memref<1x80xi32, #tpu.memory_space<vmem>> -> memref<80xi32, #tpu.memory_space<vmem>>
    %dma_start3A_590 = arith.constant 0 : i32
    %dma_start3A_591 = arith.constant 0 : i32
    %dma_start3A_592 = tpu.memref_slice %arg18[%dma_start3A_590, %dma_start3A_591] : memref<10240x128xf32, #tpu.memory_space<vmem_shared>> -> memref<10240x128xf32, #tpu.memory_space<vmem_shared>>
    tpu.enqueue_indirect_dma source(%arg16 : memref<80x128xf32, #tpu.memory_space<vmem>>) target(%dma_start3A_592 : memref<10240x128xf32, #tpu.memory_space<vmem_shared>>) offsets(%dma_start3A_589 : memref<80xi32, #tpu.memory_space<vmem>>) semaphore(%arg26 : memref<!tpu.dma_semaphore, #tpu.memory_space<semaphore_mem>>) {add = true}
    %dma_wait3A_593 = arith.constant 1 : i32
    %dma_wait3A_594 = arith.constant 0 : i32
    %dma_wait3A_595 = tpu.memref_slice %arg5[%dma_wait3A_593, %dma_wait3A_594] : memref<2x80xi32, #tpu.memory_space<vmem>> -> memref<1x80xi32, #tpu.memory_space<vmem>>
    %dma_wait3A_596 = tpu.memref_squeeze %dma_wait3A_595 : memref<1x80xi32, #tpu.memory_space<vmem>> -> memref<80xi32, #tpu.memory_space<vmem>>
    %dma_wait3A_597 = arith.constant 0 : i32
    %dma_wait3A_598 = arith.constant 0 : i32
    %dma_wait3A_599 = tpu.memref_slice %arg18[%dma_wait3A_597, %dma_wait3A_598] : memref<10240x128xf32, #tpu.memory_space<vmem_shared>> -> memref<10240x128xf32, #tpu.memory_space<vmem_shared>>
    tpu.wait_indirect_dma semaphore(%arg24 : memref<!tpu.dma_semaphore, #tpu.memory_space<semaphore_mem>>) src(%arg14 : memref<80x128xf32, #tpu.memory_space<vmem>>) dst(%dma_wait3A_599 : memref<10240x128xf32, #tpu.memory_space<vmem_shared>>)
    %dma_wait3A_600 = arith.constant 0 : i32
    %dma_wait3A_601 = arith.constant 0 : i32
    %dma_wait3A_602 = tpu.memref_slice %arg5[%dma_wait3A_600, %dma_wait3A_601] : memref<2x80xi32, #tpu.memory_space<vmem>> -> memref<1x80xi32, #tpu.memory_space<vmem>>
    %dma_wait3A_603 = tpu.memref_squeeze %dma_wait3A_602 : memref<1x80xi32, #tpu.memory_space<vmem>> -> memref<80xi32, #tpu.memory_space<vmem>>
    %dma_wait3A_604 = arith.constant 0 : i32
    %dma_wait3A_605 = arith.constant 0 : i32
    %dma_wait3A_606 = tpu.memref_slice %arg2[%dma_wait3A_604, %dma_wait3A_605] : memref<10000x128xf32, #tpu.memory_space<hbm>> -> memref<10000x128xf32, #tpu.memory_space<hbm>>
    tpu.wait_indirect_dma semaphore(%arg19 : memref<!tpu.dma_semaphore, #tpu.memory_space<semaphore_mem>>) src(%dma_wait3A_606 : memref<10000x128xf32, #tpu.memory_space<hbm>>) dst(%arg13 : memref<80x128xf32, #tpu.memory_space<vmem>>)
    %dma_start3A_607 = arith.constant 1 : i32
    %dma_start3A_608 = arith.constant 0 : i32
    %dma_start3A_609 = tpu.memref_slice %arg9[%dma_start3A_607, %dma_start3A_608] : memref<2x80xi32, #tpu.memory_space<vmem>> -> memref<1x80xi32, #tpu.memory_space<vmem>>
    %dma_start3A_610 = tpu.memref_squeeze %dma_start3A_609 : memref<1x80xi32, #tpu.memory_space<vmem>> -> memref<80xi32, #tpu.memory_space<vmem>>
    %dma_start3A_611 = arith.constant 0 : i32
    %dma_start3A_612 = arith.constant 0 : i32
    %dma_start3A_613 = tpu.memref_slice %arg18[%dma_start3A_611, %dma_start3A_612] : memref<10240x128xf32, #tpu.memory_space<vmem_shared>> -> memref<10240x128xf32, #tpu.memory_space<vmem_shared>>
    tpu.enqueue_indirect_dma source(%arg13 : memref<80x128xf32, #tpu.memory_space<vmem>>) target(%dma_start3A_613 : memref<10240x128xf32, #tpu.memory_space<vmem_shared>>) offsets(%dma_start3A_610 : memref<80xi32, #tpu.memory_space<vmem>>) semaphore(%arg23 : memref<!tpu.dma_semaphore, #tpu.memory_space<semaphore_mem>>) {add = true}
    %dma_wait3A_614 = arith.constant 1 : i32
    %dma_wait3A_615 = arith.constant 0 : i32
    %dma_wait3A_616 = tpu.memref_slice %arg5[%dma_wait3A_614, %dma_wait3A_615] : memref<2x80xi32, #tpu.memory_space<vmem>> -> memref<1x80xi32, #tpu.memory_space<vmem>>
    %dma_wait3A_617 = tpu.memref_squeeze %dma_wait3A_616 : memref<1x80xi32, #tpu.memory_space<vmem>> -> memref<80xi32, #tpu.memory_space<vmem>>
    %dma_wait3A_618 = arith.constant 0 : i32
    %dma_wait3A_619 = arith.constant 0 : i32
    %dma_wait3A_620 = tpu.memref_slice %arg18[%dma_wait3A_618, %dma_wait3A_619] : memref<10240x128xf32, #tpu.memory_space<vmem_shared>> -> memref<10240x128xf32, #tpu.memory_space<vmem_shared>>
    tpu.wait_indirect_dma semaphore(%arg25 : memref<!tpu.dma_semaphore, #tpu.memory_space<semaphore_mem>>) src(%arg15 : memref<80x128xf32, #tpu.memory_space<vmem>>) dst(%dma_wait3A_620 : memref<10240x128xf32, #tpu.memory_space<vmem_shared>>)
    %dma_wait3A_621 = arith.constant 1 : i32
    %dma_wait3A_622 = arith.constant 0 : i32
    %dma_wait3A_623 = tpu.memref_slice %arg5[%dma_wait3A_621, %dma_wait3A_622] : memref<2x80xi32, #tpu.memory_space<vmem>> -> memref<1x80xi32, #tpu.memory_space<vmem>>
    %dma_wait3A_624 = tpu.memref_squeeze %dma_wait3A_623 : memref<1x80xi32, #tpu.memory_space<vmem>> -> memref<80xi32, #tpu.memory_space<vmem>>
    %dma_wait3A_625 = arith.constant 0 : i32
    %dma_wait3A_626 = arith.constant 0 : i32
    %dma_wait3A_627 = tpu.memref_slice %arg18[%dma_wait3A_625, %dma_wait3A_626] : memref<10240x128xf32, #tpu.memory_space<vmem_shared>> -> memref<10240x128xf32, #tpu.memory_space<vmem_shared>>
    tpu.wait_indirect_dma semaphore(%arg26 : memref<!tpu.dma_semaphore, #tpu.memory_space<semaphore_mem>>) src(%arg16 : memref<80x128xf32, #tpu.memory_space<vmem>>) dst(%dma_wait3A_627 : memref<10240x128xf32, #tpu.memory_space<vmem_shared>>)
    %dma_wait3A_628 = arith.constant 1 : i32
    %dma_wait3A_629 = arith.constant 0 : i32
    %dma_wait3A_630 = tpu.memref_slice %arg5[%dma_wait3A_628, %dma_wait3A_629] : memref<2x80xi32, #tpu.memory_space<vmem>> -> memref<1x80xi32, #tpu.memory_space<vmem>>
    %dma_wait3A_631 = tpu.memref_squeeze %dma_wait3A_630 : memref<1x80xi32, #tpu.memory_space<vmem>> -> memref<80xi32, #tpu.memory_space<vmem>>
    %dma_wait3A_632 = arith.constant 0 : i32
    %dma_wait3A_633 = arith.constant 0 : i32
    %dma_wait3A_634 = tpu.memref_slice %arg18[%dma_wait3A_632, %dma_wait3A_633] : memref<10240x128xf32, #tpu.memory_space<vmem_shared>> -> memref<10240x128xf32, #tpu.memory_space<vmem_shared>>
    tpu.wait_indirect_dma semaphore(%arg23 : memref<!tpu.dma_semaphore, #tpu.memory_space<semaphore_mem>>) src(%arg13 : memref<80x128xf32, #tpu.memory_space<vmem>>) dst(%dma_wait3A_634 : memref<10240x128xf32, #tpu.memory_space<vmem_shared>>)
    %barrier3A_635 = arith.constant 0 : index
    tpu.barrier barrier_id(%barrier3A_635)
    "tpu.region"() ({
      %run_scoped3A = tpu.sem_alloc : memref<!tpu.dma_semaphore, #tpu.memory_space<semaphore_mem>>
      %dma_start3A_636 = arith.constant 0 : i32
      %dma_start3A_637 = tpu.memref_slice %arg4[%arg0, %mul3A_2, %dma_start3A_636] : memref<2x10240x128xf32, #tpu.memory_space<hbm>> -> memref<1x640x128xf32, #tpu.memory_space<hbm>>
      %dma_start3A_638 = tpu.memref_squeeze %dma_start3A_637 : memref<1x640x128xf32, #tpu.memory_space<hbm>> -> memref<640x128xf32, #tpu.memory_space<hbm>>
      %dma_start3A_639 = arith.constant 0 : i32
      %dma_start3A_640 = tpu.memref_slice %arg18[%mul3A_2, %dma_start3A_639] : memref<10240x128xf32, #tpu.memory_space<vmem_shared>> -> memref<640x128xf32, #tpu.memory_space<vmem_shared>>
      tpu.enqueue_dma source(%dma_start3A_640 : memref<640x128xf32, #tpu.memory_space<vmem_shared>>) target(%dma_start3A_638 : memref<640x128xf32, #tpu.memory_space<hbm>>) target_semaphore(%run_scoped3A : memref<!tpu.dma_semaphore, #tpu.memory_space<semaphore_mem>>)
      %dma_wait3A_641 = arith.constant 0 : i32
      %dma_wait3A_642 = tpu.memref_slice %arg4[%arg0, %mul3A_2, %dma_wait3A_641] : memref<2x10240x128xf32, #tpu.memory_space<hbm>> -> memref<1x640x128xf32, #tpu.memory_space<hbm>>
      %dma_wait3A_643 = tpu.memref_squeeze %dma_wait3A_642 : memref<1x640x128xf32, #tpu.memory_space<hbm>> -> memref<640x128xf32, #tpu.memory_space<hbm>>
      %dma_wait3A_644 = arith.constant 0 : i32
      %dma_wait3A_645 = tpu.memref_slice %arg18[%mul3A_2, %dma_wait3A_644] : memref<10240x128xf32, #tpu.memory_space<vmem_shared>> -> memref<640x128xf32, #tpu.memory_space<vmem_shared>>
      tpu.wait_dma2 semaphore(%run_scoped3A : memref<!tpu.dma_semaphore, #tpu.memory_space<semaphore_mem>>) src(%dma_wait3A_645 : memref<640x128xf32, #tpu.memory_space<vmem_shared>>) dst(%dma_wait3A_643 : memref<640x128xf32, #tpu.memory_space<hbm>>)
      tpu.yield
    }) : () -> ()
    return
  }
}

module attributes {stable_mosaic.version = 14 : i64} {
  func.func @_pre_body(%arg0: memref<10000x128xf32, #tpu.memory_space<vmem>>, %arg1: memref<128x128xf32, #tpu.memory_space<vmem>>, %arg2: memref<10000x128xf32, #tpu.memory_space<vmem>>) attributes {dimension_semantics = [], scalar_prefetch = 0 : i64, scratch_operands = 0 : i64, tpu.core_type = #tpu.core_type<tc>} {
    %get3A = arith.constant 0 : index
    %get3A_0 = arith.constant 0 : index
    %get3A_1 = vector.load %arg0[%get3A, %get3A_0] : memref<10000x128xf32, #tpu.memory_space<vmem>>, vector<10000x128xf32>
    %get3A_2 = arith.constant 0 : index
    %get3A_3 = arith.constant 0 : index
    %get3A_4 = vector.load %arg1[%get3A_2, %get3A_3] : memref<128x128xf32, #tpu.memory_space<vmem>>, vector<128x128xf32>
    %dot_general3A = arith.constant dense<0.000000e+00> : vector<10000x128xf32>
    %dot_general3A_5 = tpu.matmul %get3A_1, %get3A_4, %dot_general3A {dimension_numbers = #tpu.dot_dimension_numbers<[1], [0], [0], [1], [0, 0, 1, 1], [], []>, transpose_lhs_hint = false} : vector<10000x128xf32>, vector<128x128xf32>, vector<10000x128xf32> -> vector<10000x128xf32>
    %swap3A = arith.constant 0 : index
    %swap3A_6 = arith.constant 0 : index
    %swap3A_7 = vector.load %arg2[%swap3A, %swap3A_6] : memref<10000x128xf32, #tpu.memory_space<vmem>>, vector<10000x128xf32>
    tpu.vector_store %arg2[%swap3A, %swap3A_6], %dot_general3A_5 {strides = array<i32>} : memref<10000x128xf32, #tpu.memory_space<vmem>>, vector<10000x128xf32>,
    return
  }
}

module attributes {stable_mosaic.version = 14 : i64} {
  func.func @_tc_body(%arg0: memref<2x10240x128xf32, #tpu.memory_space<vmem>>, %arg1: memref<10000x128xf32, #tpu.memory_space<vmem>>, %arg2: memref<1x10000xi32, #tpu.memory_space<vmem>>, %arg3: memref<128x128xf32, #tpu.memory_space<vmem>>, %arg4: memref<128x10xf32, #tpu.memory_space<vmem>>, %arg5: memref<64x10xf32, #tpu.memory_space<vmem>>) attributes {dimension_semantics = [], scalar_prefetch = 0 : i64, scratch_operands = 0 : i64, tpu.core_type = #tpu.core_type<tc>} {
    %get3A = arith.constant 0 : index
    %get3A_0 = arith.constant 0 : index
    %get3A_1 = arith.constant 0 : index
    %get3A_2 = vector.load %arg0[%get3A, %get3A_0, %get3A_1] : memref<2x10240x128xf32, #tpu.memory_space<vmem>>, vector<1x10240x128xf32>
    %get3A_3 = vector.shape_cast %get3A_2 : vector<1x10240x128xf32> to vector<10240x128xf32>
    %get3A_4 = arith.constant 1 : index
    %get3A_5 = arith.constant 0 : index
    %get3A_6 = arith.constant 0 : index
    %get3A_7 = vector.load %arg0[%get3A_4, %get3A_5, %get3A_6] : memref<2x10240x128xf32, #tpu.memory_space<vmem>>, vector<1x10240x128xf32>
    %get3A_8 = vector.shape_cast %get3A_7 : vector<1x10240x128xf32> to vector<10240x128xf32>
    %add3A = arith.addf %get3A_3, %get3A_8 : vector<10240x128xf32>
    %slice3A = vector.extract_strided_slice %add3A {offsets = [0, 0], sizes = [10000, 128], strides = [1, 1]} : vector<10240x128xf32> to vector<10000x128xf32>
    %get3A_9 = arith.constant 0 : index
    %get3A_10 = arith.constant 0 : index
    %get3A_11 = vector.load %arg3[%get3A_9, %get3A_10] : memref<128x128xf32, #tpu.memory_space<vmem>>, vector<128x128xf32>
    %dot_general3A = arith.constant dense<0.000000e+00> : vector<10000x128xf32>
    %dot_general3A_12 = tpu.matmul %slice3A, %get3A_11, %dot_general3A {dimension_numbers = #tpu.dot_dimension_numbers<[1], [0], [0], [1], [0, 0, 1, 1], [], []>, transpose_lhs_hint = false} : vector<10000x128xf32>, vector<128x128xf32>, vector<10000x128xf32> -> vector<10000x128xf32>
    %get3A_13 = arith.constant 0 : index
    %get3A_14 = arith.constant 0 : index
    %get3A_15 = vector.load %arg1[%get3A_13, %get3A_14] : memref<10000x128xf32, #tpu.memory_space<vmem>>, vector<10000x128xf32>
    %add3A_16 = arith.addf %dot_general3A_12, %get3A_15 : vector<10000x128xf32>
    %max3A = arith.constant 0.000000e+00 : f32
    %max3A_17 = vector.broadcast %max3A : f32 to vector<10000x128xf32>
    %max3A_18 = arith.maximumf %add3A_16, %max3A_17 : vector<10000x128xf32>
    %iota3A = tpu.iota {dimensions = array<i32: 0>} : vector<64x10000xi32>
    %get3A_19 = arith.constant 0 : index
    %get3A_20 = arith.constant 0 : index
    %get3A_21 = vector.load %arg2[%get3A_19, %get3A_20] : memref<1x10000xi32, #tpu.memory_space<vmem>>, vector<1x10000xi32>
    %eq3A = vector.broadcast %get3A_21 : vector<1x10000xi32> to vector<64x10000xi32>
    %eq3A_22 = arith.cmpi eq, %iota3A, %eq3A : vector<64x10000xi32>
    %convert_element_type3A = arith.extui %eq3A_22 : vector<64x10000xi1> to vector<64x10000xi32>
    %convert_element_type3A_23 = arith.sitofp %convert_element_type3A : vector<64x10000xi32> to vector<64x10000xf32>
    %dot_general3A_24 = arith.constant dense<0.000000e+00> : vector<64x128xf32>
    %dot_general3A_25 = tpu.matmul %convert_element_type3A_23, %max3A_18, %dot_general3A_24 {dimension_numbers = #tpu.dot_dimension_numbers<[1], [0], [0], [1], [0, 0, 1, 1], [], []>, transpose_lhs_hint = false} : vector<64x10000xf32>, vector<10000x128xf32>, vector<64x128xf32> -> vector<64x128xf32>
    %reduce_sum3A = arith.constant dense<0.000000e+00> : vector<64xf32>
    %reduce_sum3A_26 = vector.multi_reduction <add>, %convert_element_type3A_23, %reduce_sum3A [1] : vector<64x10000xf32> to vector<64xf32>
    %broadcast_in_dim3A = vector.shape_cast %reduce_sum3A_26 : vector<64xf32> to vector<64x1xf32>
    %max3A_27 = arith.constant 1.000000e+00 : f32
    %max3A_28 = vector.broadcast %max3A_27 : f32 to vector<64x1xf32>
    %max3A_29 = arith.maximumf %broadcast_in_dim3A, %max3A_28 : vector<64x1xf32>
    %div3A = vector.broadcast %max3A_29 : vector<64x1xf32> to vector<64x128xf32>
    %div3A_30 = arith.divf %dot_general3A_25, %div3A : vector<64x128xf32>
    %get3A_31 = arith.constant 0 : index
    %get3A_32 = arith.constant 0 : index
    %get3A_33 = vector.load %arg4[%get3A_31, %get3A_32] : memref<128x10xf32, #tpu.memory_space<vmem>>, vector<128x10xf32>
    %dot_general3A_34 = arith.constant dense<0.000000e+00> : vector<64x10xf32>
    %dot_general3A_35 = tpu.matmul %div3A_30, %get3A_33, %dot_general3A_34 {dimension_numbers = #tpu.dot_dimension_numbers<[1], [0], [0], [1], [0, 0, 1, 1], [], []>, transpose_lhs_hint = false} : vector<64x128xf32>, vector<128x10xf32>, vector<64x10xf32> -> vector<64x10xf32>
    %swap3A = arith.constant 0 : index
    %swap3A_36 = arith.constant 0 : index
    %swap3A_37 = vector.load %arg5[%swap3A, %swap3A_36] : memref<64x10xf32, #tpu.memory_space<vmem>>, vector<64x10xf32>
    tpu.vector_store %arg5[%swap3A, %swap3A_36], %dot_general3A_35 {strides = array<i32>} : memref<64x10xf32, #tpu.memory_space<vmem>>, vector<64x10xf32>,
    return
  }
}

</mosaic_0001>

<sc_bundles>
// kernel: kernel.5.cloned.1.call-start
scs
__scs_entry_jumppad:
0x0: {  	(pc) =	sbr.rel $0x88, $3  }
0x1: {  	(tag) =	ssettag $0x0;
	lr =	simm.s32 $0x1  }
0x2: {  	[smem:$0x3F9B] =	sst lr;
	_ =	strace $0xD0000000  }
0x3: {  	_ = 	snop  }
0x4: {  	_ = 	snop  }
0x5: {  	_ = 	snop  }
0x6: {  	_ = 	snop  }
0x7: {  	_ = 	snop  }
__scs_overlays_trampoline_lowered:
0x8: {  	[smem:$0x3FAA] =	sst s0  }
0x9: {  	[smem:$0x3FAB] =	sst s1  }
0xa: {  	[smem:$0x3FAC] =	sst s2  }
0xb: {  	[smem:$0x3FAD] =	sst s3  }
0xc: {  	[smem:$0x3FAE] =	sst s4  }
0xd: {  	[smem:$0x3FAF] =	sst s5  }
0xe: {  	[smem:$0x3FB0] =	sst s6  }
0xf: {  	[smem:$0x3FB1] =	sst s7  }
0x10: {  	[smem:$0x3FB2] =	sst s8  }
0x11: {  	[smem:$0x3FB3] =	sst s9;
	s0 =	simm.s32 @!p0 $0x0  }
0x12: {  	s1 =	sld [smem:$0x3F99];
	s0 =	simm.s32 @p0 $0x1  }
0x13: {  	[smem:$0x3FB4] =	sst s0;
	s0 =	simm.s32 @!p1 $0x0  }
0x14: {  	s2 =	sld [smem:$0x3F98];
	s0 =	simm.s32 @p1 $0x1  }
0x15: {  	[smem:$0x3FB5] =	sst s0;
	s0 =	simm.s32 @!p2 $0x0  }
0x16: {  	s3 =	sld [smem:$0x3FDB];
	s0 =	simm.s32 @p2 $0x1  }
0x17: {  	s4 =	simm.s32 $0x1BF5;
	[smem:$0x3FB7] =	sst s0  }
0x18: {  	s0 =	sld [smem:$0x3F9A];
	_ =	swait.ge [sflag:s4], $0x0  }
0x19: {  	s7 =	sld [smem:$0x3F9B]  }
0x1a: {  	s8 =	sadd.s32 $0xFFFFE003, lr  }
0x1b: {  	s9 =	sadd.s32 $0xFFFFFEF7, lr;
	s5 =	simm.s32 $0xFFFFFFFF;
	p2 =	slt.u32 s8, $0xFFFFF086  }
0x1c: {  	p1 =	slt.u32 s9, $0xF7A;
	s5 =	simm.s32 @!p2 $0x0  }
0x1d: {  	s5 =	simm.s32 @p1 $0x1;
	p0 =	seq.s32 s7, s2  }
0x1e: {  	s7 =	smul.u32 @!p0 $0xF7A, s2;
	p2 =	seq.s32 @!p0 s5, $0x0  }
0x1f: {  	s9 =	smul.u32 $0xF7A, s1;
	s8 =	simm.s32 @!p0 $0x1BF5;
	p2 =	por !p2, p0  }
0x20: {  	[sflag:s8] =	ssyncset.s32 @!p0 $0xFFFFF086;
	s6 =	sadd.s32 @!p0 s3, s7;
	s7 =	simm.s32 @!p0 $0x108  }
0x21: {  	s3 =	sadd.s32 s3, s9;
	s6 =	sadd.s32 @!p0 $0x88, s6;
	s7 =	simm.s32 @p2 $0x1082  }
0x22: {  	[simem:s7], [sflag:s8] =	dma.local @!p0 [hbm:s6], $0xF7A  }
0x23: {  	s9 =	sor.u32 $0xD0000000, s2;
	s6 =	simm.s32 $0x108;
	_ =	swait.ge @!p0 [sflag:s8], $0x0  }
0x24: {  	s3 =	sadd.s32 $0x88, s3;
	s6 =	simm.s32 @!p1 $0x1082;
	[sflag:s4] =	ssyncset.s32 $0xFFFFF086  }
0x25: {  	[simem:s6], [sflag:s4] =	dma.local [hbm:s3], $0xF7A  }
0x26: {  	[smem:$0x3F9B] =	sst s1;
	(tag) =	ssettag s2;
	_ =	strace s9  }
0x27: {  	s1 =	sld [smem:$0x3FAB]  }
0x28: {  	s2 =	sld [smem:$0x3FAC]  }
0x29: {  	s4 =	sld [smem:$0x3FAE]  }
0x2a: {  	p0 =	seq.s32 s5, $0x0;
	s5 =	sld [smem:$0x3FAF]  }
0x2b: {  	s6 =	sld [smem:$0x3FB0]  }
0x2c: {  	s7 =	sld [smem:$0x3FB1]  }
0x2d: {  	s3 =	simm.s32 $0x108;
	s8 =	sld [smem:$0x3FB2]  }
0x2e: {  	s3 =	simm.s32 @!p0 $0x1082;
	s9 =	sld [smem:$0x3FB3]  }
0x2f: {  	lr =	sadd.s32 s0, s3;
	s0 =	sld [smem:$0x3FAA]  }
0x30: {  	s3 =	sld [smem:$0x3FAD]  }
0x31: {  	[smem:$0x3FB6] =	sst s10  }
0x32: {  	s10 =	sld [smem:$0x3FB4];
	_ =	sdelay $0x3  }
0x33: {  	p0 =	seq.s32 s10, $0x1;
	s10 =	sld [smem:$0x3FB6];
	_ =	sdelay $0x3  }
0x34: {  	[smem:$0x3FB6] =	sst s10  }
0x35: {  	s10 =	sld [smem:$0x3FB5];
	_ =	sdelay $0x3  }
0x36: {  	p1 =	seq.s32 s10, $0x1;
	s10 =	sld [smem:$0x3FB6];
	_ =	sdelay $0x3  }
0x37: {  	[smem:$0x3FB6] =	sst s10  }
0x38: {  	s10 =	sld [smem:$0x3FB7]  }
0x39: {  	_ = 	snop;
	(pc) =	sbr.ind lr, $3  }
0x3a: {  	_ = 	snop  }
0x3b: {  	_ = 	snop  }
0x3c: {  	p2 =	seq.s32 s10, $0x1;
	s10 =	sld [smem:$0x3FB6]  }
0x3d: {  	_ =	shalt  }
0x3e: {  	_ =	shalt  }
0x3f: {  	_ =	shalt  }
0x40: {  	_ =	shalt  }
0x41: {  	_ =	shalt  }
0x42: {  	_ =	shalt  }
0x43: {  	_ =	shalt  }
0x44: {  	_ =	shalt  }
0x45: {  	_ =	shalt  }
0x46: {  	_ =	shalt  }
0x47: {  	_ =	shalt  }
0x48: {  	_ =	shalt  }
0x49: {  	_ =	shalt  }
0x4a: {  	_ =	shalt  }
0x4b: {  	_ =	shalt  }
0x4c: {  	_ =	shalt  }
0x4d: {  	_ =	shalt  }
0x4e: {  	_ =	shalt  }
0x4f: {  	_ =	shalt  }
0x50: {  	_ =	shalt  }
0x51: {  	_ =	shalt  }
0x52: {  	_ =	shalt  }
0x53: {  	_ =	shalt  }
0x54: {  	_ =	shalt  }
0x55: {  	_ =	shalt  }
0x56: {  	_ =	shalt  }
0x57: {  	_ =	shalt  }
0x58: {  	_ =	shalt  }
0x59: {  	_ =	shalt  }
0x5a: {  	_ =	shalt  }
0x5b: {  	_ =	shalt  }
0x5c: {  	_ =	shalt  }
0x5d: {  	_ =	shalt  }
0x5e: {  	_ =	shalt  }
0x5f: {  	_ =	shalt  }
0x60: {  	_ =	shalt  }
0x61: {  	_ =	shalt  }
0x62: {  	_ =	shalt  }
0x63: {  	_ =	shalt  }
0x64: {  	_ =	shalt  }
0x65: {  	_ =	shalt  }
0x66: {  	_ =	shalt  }
0x67: {  	_ =	shalt  }
0x68: {  	_ =	shalt  }
0x69: {  	_ =	shalt  }
0x6a: {  	_ =	shalt  }
0x6b: {  	_ =	shalt  }
0x6c: {  	_ =	shalt  }
0x6d: {  	_ =	shalt  }
0x6e: {  	_ =	shalt  }
0x6f: {  	_ =	shalt  }
0x70: {  	_ =	shalt  }
0x71: {  	_ =	shalt  }
0x72: {  	_ =	shalt  }
0x73: {  	_ =	shalt  }
0x74: {  	_ =	shalt  }
0x75: {  	_ =	shalt  }
0x76: {  	_ =	shalt  }
0x77: {  	_ =	shalt  }
0x78: {  	_ =	shalt  }
0x79: {  	_ =	shalt  }
0x7a: {  	_ =	shalt  }
0x7b: {  	_ =	shalt  }
0x7c: {  	_ =	shalt  }
0x7d: {  	_ =	shalt  }
0x7e: {  	_ =	shalt  }
0x7f: {  	_ =	shalt  }
0x80: {  	_ =	shalt  }
0x81: {  	_ =	shalt  }
0x82: {  	_ =	shalt  }
0x83: {  	_ =	shalt  }
0x84: {  	_ =	shalt  }
0x85: {  	_ =	shalt  }
0x86: {  	_ =	shalt  }
0x87: {  	_ =	shalt  }
.Lfunc_end0:
.L_simem_size_0:
called_computation_lowered:
.L_overlay_start_0:
0x88: {  	s2 =	sld [smem:$0x3FD9]  }
0x89: {  	s3 =	sld [smem:$0x3FFE];
	_ =	sdelay $0x1  }
0x8a: {  	s1 =	srdreg.scid  }
0x8b: {  	s0 =	sand.u32 $0x1, s1  }
0x8c: {  	s17 =	sshll.u32 s0, $0xA;
	s2 =	sadd.s32 s3, s2  }
0x8d: {  	s2 =	sadd.s32 s2, s17  }
0x8e: {  	[smem:$0x3FC2] =	sst s2  }
0x8f: {  	_ = 	snop  }
0x90: {  	s2 =	sld [smem:$0x3FC9];
	(tm) =	ssettm $0x1  }
0x91: {  	s18 =	sld [smem:$0x3FFB];
	_ =	sdelay $0x3  }
0x92: {  	_ =	strace s18  }
0x93: {  	s3 =	sld [smem:$0x3FFC];
	_ =	sdelay $0x3  }
0x94: {  	_ =	strace s3  }
0x95: {  	s3 =	sld [smem:$0x3FFD];
	_ =	sdelay $0x3  }
0x96: {  	_ =	strace s3  }
0x97: {  	_ =	strace $0x8FFFFFFF  }
0x98: {  	s19 =	sld [smem:$0x3FDB];
	_ =	sdelay $0x1  }
0x99: {  	s4 =	simm.s32 $_scs_section_size  }
0x9a: {  	s5 =	simm.s32 $_size__tile_overlayer_lowered;
	s6 =	simm.s32 $_tile_overlayer_lowered  }
0x9b: {  	s22 =	simm.s32 $0x1BFF;
	s21 =	sshll.u32 s6, $0x1;
	s3 =	sadd.s32 s4, s19  }
0x9c: {  	s7 =	simm.s32 $0x0;
	s20 =	sshll.u32 s5, $0x1;
	s5 =	sadd.s32 s21, s3  }
0x9d: {  	[timem:s7], [sflag:s22] =	dma.local [hbm:s5], s20  }
0x9e: {  	_ =	swait.ge [sflag:s22], s20  }
0x9f: {  	s4 =	ssub.s32 $0x0, s20;
	[sflag:s22] =	ssyncset.done $0x0  }
0xa0: {  	[sflag:s22] =	ssyncadd.s32 s4;
	_ =	sdelay $0x1  }
0xa1: {  	s23 =	simm.s32 $0x1B8B  }
0xa2: {  	_ =	swait.ge [sflag:s23], $0x1  }
0xa3: {  	[sflag:s23] =	ssyncset.done $0x0  }
0xa4: {  	s25 =	simm.s32 $0x1B8E;
	s24 =	sld [smem:$0x3FFE];
	[sflag:s23] =	ssyncadd.s32 $0xFFFFFFFF  }
0xa5: {  	s26 =	simm.s32 $execute0_lowered;
	[smem:$0x3FD2] =	sst s25  }
0xa6: {  	s5 =	sshll.u32 s26, $0x1;
	_ =	strace $0x80000046;
	[dreg:$0x1] =	wrdreg $0xFFFFFFFF  }
0xa7: {  	s28 =	simm.s32 $_size_execute0_lowered;
	s3 =	sadd.s32 s3, s5;
	[dreg:$0x0] =	wrdreg $0x0  }
0xa8: {  	s5 =	sshll.u32 s28, $0x1;
	[dreg:$0x2] =	wrdreg s3  }
0xa9: {  	[dreg:$0x3] =	wrdreg s5  }
0xaa: {  	[dreg:$0x4] =	wrdreg $0xC0  }
0xab: {  	_ =	task [dreg:s7], $0x5FFFF  }
0xac: {  	[dreg:$0x1] =	wrdreg $0xFFFFFFFF  }
0xad: {  	[dreg:$0x0] =	wrdreg $0x60  }
0xae: {  	[dreg:$0x2] =	wrdreg s2  }
0xaf: {  	[dreg:$0x3] =	wrdreg s24  }
0xb0: {  	[dreg:$0x4] =	wrdreg $0xB8000  }
0xb1: {  	[dreg:$0x5] =	wrdreg $0x9  }
0xb2: {  	_ =	task.clear_ibuf [dreg:s7], $0x6FFFF;
	_ =	strace $0x90000046  }
0xb3: {  	s29 =	simm.s32 $0x9;
	_ =	strace $0x80000048  }
0xb4: {  	_ =	swait.ge [sflag:s29], $0x1  }
0xb5: {  	[sflag:s29] =	ssyncadd.s32 $0xFFFFFFFF  }
0xb6: {  	_ =	strace $0x90000048  }
0xb7: {  	_ =	sfence  }
0xb8: {  	s30 =	sld [smem:$0x0];
	_ =	sdelay $0x2  }
0xb9: {  	s31 =	sshll.u32 s1, $0xD;
	s1 =	sshrl.u32 s1, $0x2  }
0xba: {  	s3 =	sand.u32 $0x4000, s31;
	s1 =	sadd.s32 s1, s30  }
0xbb: {  	s0 =	sor.u32 s3, s0;
	s1 =	sshll.u32 s1, $0x11  }
0xbc: {  	s0 =	sor.u32 s1, s0  }
0xbd: {  	s0 =	sadd.s32 $0x8F2B, s0  }
0xbe: {  	[sflag:s0] =	ssyncadd.remote.s32 $0x1  }
0xbf: {  	_ =	sfence.sel $0xFFFF  }
0xc0: {  	[dreg:$0x0] =	wrdreg $0xFFFFFFFF;
	(pc) =	sbr.abs _section_cstart, $3  }
0xc1: {  	[dreg:$0x1] =	wrdreg $0xFFFFFFFF  }
0xc2: {  	_ =	task.clear_ibuf [dreg:s7], $0x2FFFF;
	_ =	strace $0x9FFFFFFF  }
0xc3: {  	(tm) =	ssettm $0x7FFFFFFF  }
tec
execute0_lowered:
.L_overlay_start_1:
0x0: {  	(tag) =	ssettag $0x1  }
0x1: {  	s1 =	rddreg [dreg:$0x0]  }
0x2: {  	s0 =	rddreg [dreg:$0x1];
	s9 =	stileid.u32  }
0x3: {  	s3 =	rddreg [dreg:$0x2];
	s7 =	smul.u32 $0x14000, s9  }
0x4: {  	s2 =	srdreg.scid;
	s16 =	smul.u32 $0x50000, s9  }
0x5: {  	s4 =	simm.s32 $0x0;
	s2 =	sand.u32 $0x1, s2;
	s19 =	smul.u32 $0xFA00, s9  }
0x6: {  	s6 =	sshll.u32 s9, $0x1;
	[smem:$0x7FF] =	sst s4;
	s5 =	smul.u32 $0x140000, s2  }
0x7: {  	s6 =	sor.u32 s2, s6;
	s12 =	ssub.s32 $0x2, s2;
	s2 =	smul.u32 $0x7D00, s2  }
0x8: {  	s28 =	sadd.s32 $0x1600, s0;
	_ =	strace $0x80000047;
	s6 =	smul.u32 $0x7D00, s6  }
0x9: {  	[dreg:$0xb] =	wrdreg s28;
	s8 =	sshrl.u32 s12, $0x1;
	s5 =	sadd.s32 s7, s5  }
0xa: {  	s13 =	ssub.s32 s12, s8;
	s2 =	sadd.s32 s2, s19;
	s6 =	sshrl.u32 s6, $0x3  }
0xb: {  	s5 =	sshrl.u32 s5, $0x3;
	s9 =	sadd.s32 $0xF00, s2;
	s14 =	sadd.s32 s28, s6  }
0xc: {  	s0 =	sadd.s32 s5, s0;
	s5 =	smax.u32 s13, $0x1;
	[dreg:$0xc] =	wrdreg s14  }
0xd: {  	s11 =	sshrl.u32 s9, $0x3;
	s9 =	sadd.s32 $0x800, s2;
	[dreg:$0x1b] =	wrdreg s5  }
0xe: {  	s6 =	sadd.s32 $0x20, s14;
	[dreg:$0x1f] =	wrdreg s9  }
0xf: {  	s15 =	sadd.s32 $0x40, s14;
	[dreg:$0xd] =	wrdreg s6  }
0x10: {  	s17 =	sadd.s32 $0x60, s14;
	[dreg:$0xe] =	wrdreg s15  }
0x11: {  	s18 =	sadd.s32 $0x80, s14;
	[dreg:$0xf] =	wrdreg s17  }
0x12: {  	s21 =	sadd.s32 $0xA0, s14;
	[dreg:$0x10] =	wrdreg s18  }
0x13: {  	s22 =	sadd.s32 $0xC0, s14;
	[dreg:$0x11] =	wrdreg s21  }
0x14: {  	s23 =	sadd.s32 $0xE0, s14;
	[dreg:$0x13] =	wrdreg s22  }
0x15: {  	s24 =	sadd.s32 $0xF00, s14;
	[dreg:$0x14] =	wrdreg s23  }
0x16: {  	s25 =	sadd.s32 $0xF20, s14;
	[dreg:$0x15] =	wrdreg s24  }
0x17: {  	s12 =	sadd.s32 $0xE00, s2;
	s26 =	sadd.s32 $0xF40, s14;
	[dreg:$0x16] =	wrdreg s25  }
0x18: {  	s19 =	sadd.s32 $0xB00, s2;
	s7 =	sadd.s32 $0xF60, s14;
	[dreg:$0x17] =	wrdreg s26  }
0x19: {  	s13 =	sshrl.u32 s12, $0x3;
	s10 =	sadd.s32 $0xF80, s14;
	[dreg:$0x18] =	wrdreg s7  }
0x1a: {  	s0 =	sadd.s32 $0x20A00, s0;
	s14 =	sadd.s32 $0xD00, s2;
	[dreg:$0x19] =	wrdreg s10  }
0x1b: {  	s6 =	sshrl.u32 s16, $0x2;
	[dreg:$0x1a] =	wrdreg s0;
	s0 =	sadd.s32 s11, s28  }
0x1c: {  	s5 =	sshrl.u32 s14, $0x3;
	[dreg:$0x4] =	wrdreg s0;
	s0 =	sadd.s32 s13, s28  }
0x1d: {  	s15 =	sadd.s32 $0xC00, s2;
	s16 =	sadd.s32 s5, s28;
	[dreg:$0x5] =	wrdreg s0  }
0x1e: {  	s20 =	sadd.s32 s6, s3;
	s17 =	sshrl.u32 s15, $0x3;
	[dreg:$0x6] =	wrdreg s16  }
0x1f: {  	s21 =	sshrl.u32 s19, $0x3;
	s18 =	sadd.s32 s17, s28;
	[dreg:$0x12] =	wrdreg s20  }
0x20: {  	s22 =	sadd.s32 $0xA00, s2;
	s0 =	sadd.s32 s21, s28;
	[dreg:$0x7] =	wrdreg s18  }
0x21: {  	s5 =	sshrl.u32 s22, $0x3;
	s26 =	sadd.s32 $0x1000, s20;
	[dreg:$0x8] =	wrdreg s0  }
0x22: {  	s23 =	sadd.s32 $0x900, s2;
	s24 =	sadd.s32 s5, s28;
	[dreg:$0x1c] =	wrdreg s26  }
0x23: {  	s25 =	sshrl.u32 s23, $0x3;
	s7 =	sadd.s32 $0x2000, s20;
	[dreg:$0x9] =	wrdreg s24  }
0x24: {  	s6 =	sadd.s32 s25, s28;
	[dreg:$0x1d] =	wrdreg s7  }
0x25: {  	s8 =	sadd.s32 $0x3000, s20;
	[dreg:$0xa] =	wrdreg s6  }
0x26: {  	s10 =	sadd.s32 $0x4000, s20;
	[dreg:$0x1e] =	wrdreg s8  }
0x27: {  	s11 =	sadd.s32 $0x5000, s20;
	[smem:$0x7EE] =	sst s10  }
0x28: {  	s12 =	sadd.s32 $0x6000, s20;
	[smem:$0x7EF] =	sst s11  }
0x29: {  	s13 =	sadd.s32 $0x7000, s20;
	[smem:$0x7F0] =	sst s12  }
0x2a: {  	s14 =	sadd.s32 $0x8000, s20;
	[smem:$0x7F1] =	sst s13  }
0x2b: {  	s15 =	sadd.s32 $0x9000, s20;
	[smem:$0x7F2] =	sst s14  }
0x2c: {  	s16 =	sadd.s32 $0xA000, s20;
	[smem:$0x7F3] =	sst s15  }
0x2d: {  	s31 =	simm.s32 $0x1;
	s17 =	sadd.s32 $0xB000, s20;
	[smem:$0x7F4] =	sst s16  }
0x2e: {  	s30 =	simm.s32 $0x6;
	s19 =	sadd.s32 $0xD000, s20;
	[smem:$0x7F5] =	sst s17  }
0x2f: {  	s29 =	simm.s32 $0x800;
	s21 =	sadd.s32 $0xE000, s20;
	[smem:$0x7F7] =	sst s19  }
0x30: {  	s9 =	simm.s32 $0x2;
	s22 =	sadd.s32 $0xF000, s20;
	[smem:$0x7F8] =	sst s21  }
0x31: {  	s2 =	simm.s32 $0x500;
	s23 =	sadd.s32 $0x10000, s20;
	[smem:$0x7F9] =	sst s22  }
0x32: {  	s25 =	sadd.s32 $0x12000, s20;
	s5 =	simm.s32 $0x0;
	[smem:$0x7FA] =	sst s23  }
0x33: {  	s18 =	sadd.s32 $0xC000, s20;
	s24 =	sadd.s32 $0x11000, s20;
	[smem:$0x7FC] =	sst s25  }
0x34: {  	s26 =	sadd.s32 $0x13000, s20;
	s14 =	simm.s32 $0x100;
	s11 =	simm.s32 $0x200  }
0x35: {  	s19 =	simm.s32 $0x300;
	s23 =	simm.s32 $0x400;
	s0 =	simm.s32 $0x800  }
0x36: {  	s8 =	simm.s32 $0x3000;
	s15 =	simm.s32 $0x3;
	s6 =	simm.s32 $0x5  }
0x37: {  	s12 =	simm.s32 $0x4;
	s21 =	simm.s32 $0x480;
	[smem:$0x7F6] =	sst s18  }
0x38: {  	s16 =	simm.s32 $0x7;
	s10 =	simm.s32 $0x8;
	[smem:$0x7FB] =	sst s24  }
0x39: {  	v0 =	vimm.f32 $0.0e+00;
	[smem:$0x7FD] =	sst s26;
	s24 =	simm.s32 $0x50;
	s26 =	simm.s32 $0x5800  }
.LBB2_1:
0x3a: {  	[smem:$0x7ED] =	sst s5  }
0x3b: {  	s17 =	rddreg [dreg:$0xc]  }
0x3c: {  	[tilespmem:s4], [sflag:$0x9] =	stream.linear.gather [hbm4b:s17+s4], $0x100, $0x38;
	[tilespmem:$0x1F800] =	vst v63  }
0x3d: {  	s7 =	rddreg [dreg:$0xd]  }
0x3e: {  	[tilespmem:s14], [sflag:$0xA] =	stream.linear.gather [hbm4b:s7+s4], $0x100, $0x38;
	[tilespmem:$0x1F800] =	vst v63  }
0x3f: {  	s13 =	rddreg [dreg:$0xe]  }
0x40: {  	[tilespmem:s11], [sflag:$0xB] =	stream.linear.gather [hbm4b:s13+s4], $0x100, $0x38;
	[tilespmem:$0x1F800] =	vst v63  }
0x41: {  	s18 =	rddreg [dreg:$0xf]  }
0x42: {  	[tilespmem:s19], [sflag:$0xC] =	stream.linear.gather [hbm4b:s18+s4], $0x100, $0x38;
	[tilespmem:$0x1F800] =	vst v63  }
0x43: {  	s22 =	rddreg [dreg:$0x10]  }
0x44: {  	[tilespmem:s23], [sflag:$0xD] =	stream.linear.gather [hbm4b:s22+s4], $0x100, $0x38;
	[tilespmem:$0x1F800] =	vst v63  }
0x45: {  	s25 =	rddreg [dreg:$0x11];
	s17 =	simm.s32 $0x0;
	s18 =	simm.s32 $0x200  }
0x46: {  	[tilespmem:s2], [sflag:$0xE] =	stream.linear.gather [hbm4b:s25+s4], $0x100, $0x38;
	[tilespmem:$0x1F800] =	vst v63  }
.LBB2_2:
0x47: {  	p0 =	sne.s32 s18, $0x3E00;
	[tilespmem:s17+$0xA870] =	vst v0  }
0x48: {  	[tilespmem:s17+$0xA800] =	vst v0  }
0x49: {  	[tilespmem:s17+$0xA810] =	vst v0  }
.Ltmp0:
0x4a: {  	[tilespmem:s17+$0xA820] =	vst v0;
	(pc) =	sbr.rel @p0 .LBB2_2-.Ltmp0, $4  }
0x4b: {  	[tilespmem:s17+$0xA830] =	vst v0  }
0x4c: {  	[tilespmem:s17+$0xA840] =	vst v0  }
0x4d: {  	[tilespmem:s17+$0xA850] =	vst v0  }
0x4e: {  	[tilespmem:s17+$0xA860] =	vst v0;
	s17 =	sshra.s32 s18, $0x2;
	s18 =	sadd.s32 $0x200, s18  }
0x4f: {  	[tilespmem:s17+$0xA870] =	vst v0  }
0x50: {  	[tilespmem:s17+$0xA800] =	vst v0  }
0x51: {  	[tilespmem:s17+$0xA810] =	vst v0  }
0x52: {  	[tilespmem:s17+$0xA820] =	vst v0  }
0x53: {  	[tilespmem:s17+$0xA830] =	vst v0  }
0x54: {  	[tilespmem:s17+$0xA840] =	vst v0  }
0x55: {  	[tilespmem:s17+$0xA850] =	vst v0  }
0x56: {  	[tilespmem:s17+$0xA860] =	vst v0;
	s7 =	simm.s32 $0xA800;
	s25 =	rddreg [dreg:$0x1c]  }
0x57: {  	[spmem:s20] =	stream.linear.scatter [tilespmem:s7], [sflag:$0x11], $0x1000, $0x38;
	[tilespmem:$0x1F800] =	vst v63  }
0x58: {  	s2 =	rddreg [dreg:$0x1d]  }
0x59: {  	[spmem:s25] =	stream.linear.scatter [tilespmem:s7], [sflag:$0x11], $0x1000, $0x38;
	[tilespmem:$0x1F800] =	vst v63  }
0x5a: {  	s5 =	rddreg [dreg:$0x1e]  }
0x5b: {  	[spmem:s2] =	stream.linear.scatter [tilespmem:s7], [sflag:$0x11], $0x1000, $0x38;
	[tilespmem:$0x1F800] =	vst v63  }
0x5c: {  	s13 =	sld [smem:$0x7EE]  }
0x5d: {  	[spmem:s5] =	stream.linear.scatter [tilespmem:s7], [sflag:$0x11], $0x1000, $0x38;
	[tilespmem:$0x1F800] =	vst v63  }
0x5e: {  	s18 =	sld [smem:$0x7EF]  }
0x5f: {  	[spmem:s13] =	stream.linear.scatter [tilespmem:s7], [sflag:$0x11], $0x1000, $0x38;
	[tilespmem:$0x1F800] =	vst v63  }
0x60: {  	s20 =	sld [smem:$0x7F0]  }
0x61: {  	[spmem:s18] =	stream.linear.scatter [tilespmem:s7], [sflag:$0x11], $0x1000, $0x38;
	[tilespmem:$0x1F800] =	vst v63  }
0x62: {  	s22 =	sld [smem:$0x7F1]  }
0x63: {  	[spmem:s20] =	stream.linear.scatter [tilespmem:s7], [sflag:$0x11], $0x1000, $0x38;
	[tilespmem:$0x1F800] =	vst v63  }
0x64: {  	s25 =	sld [smem:$0x7F2]  }
0x65: {  	[spmem:s22] =	stream.linear.scatter [tilespmem:s7], [sflag:$0x11], $0x1000, $0x38;
	[tilespmem:$0x1F800] =	vst v63  }
0x66: {  	s2 =	sld [smem:$0x7F3]  }
0x67: {  	[spmem:s25] =	stream.linear.scatter [tilespmem:s7], [sflag:$0x11], $0x1000, $0x38;
	[tilespmem:$0x1F800] =	vst v63  }
0x68: {  	s5 =	sld [smem:$0x7F4]  }
0x69: {  	[spmem:s2] =	stream.linear.scatter [tilespmem:s7], [sflag:$0x11], $0x1000, $0x38;
	[tilespmem:$0x1F800] =	vst v63  }
0x6a: {  	s13 =	sld [smem:$0x7F5]  }
0x6b: {  	[spmem:s5] =	stream.linear.scatter [tilespmem:s7], [sflag:$0x11], $0x1000, $0x38;
	[tilespmem:$0x1F800] =	vst v63  }
0x6c: {  	s18 =	sld [smem:$0x7F6]  }
0x6d: {  	[spmem:s13] =	stream.linear.scatter [tilespmem:s7], [sflag:$0x11], $0x1000, $0x38;
	[tilespmem:$0x1F800] =	vst v63  }
0x6e: {  	s20 =	sld [smem:$0x7F7]  }
0x6f: {  	[spmem:s18] =	stream.linear.scatter [tilespmem:s7], [sflag:$0x11], $0x1000, $0x38;
	[tilespmem:$0x1F800] =	vst v63  }
0x70: {  	s22 =	sld [smem:$0x7F8]  }
0x71: {  	[spmem:s20] =	stream.linear.scatter [tilespmem:s7], [sflag:$0x11], $0x1000, $0x38;
	[tilespmem:$0x1F800] =	vst v63  }
0x72: {  	s25 =	sld [smem:$0x7F9]  }
0x73: {  	[spmem:s22] =	stream.linear.scatter [tilespmem:s7], [sflag:$0x11], $0x1000, $0x38;
	[tilespmem:$0x1F800] =	vst v63  }
0x74: {  	s2 =	sld [smem:$0x7FA]  }
0x75: {  	[spmem:s25] =	stream.linear.scatter [tilespmem:s7], [sflag:$0x11], $0x1000, $0x38;
	[tilespmem:$0x1F800] =	vst v63  }
0x76: {  	s5 =	sld [smem:$0x7FB]  }
0x77: {  	[spmem:s2] =	stream.linear.scatter [tilespmem:s7], [sflag:$0x11], $0x1000, $0x38;
	[tilespmem:$0x1F800] =	vst v63  }
0x78: {  	s13 =	sld [smem:$0x7FC]  }
0x79: {  	[spmem:s5] =	stream.linear.scatter [tilespmem:s7], [sflag:$0x11], $0x1000, $0x38;
	[tilespmem:$0x1F800] =	vst v63  }
0x7a: {  	s18 =	sld [smem:$0x7FD]  }
0x7b: {  	[spmem:s13] =	stream.linear.scatter [tilespmem:s7], [sflag:$0x11], $0x1000, $0x38;
	[tilespmem:$0x1F800] =	vst v63  }
0x7c: {  	s13 =	simm.s32 $0x9  }
0x7d: {  	[spmem:s18] =	stream.linear.scatter [tilespmem:s7], [sflag:$0x11], $0x1000, $0x38;
	[tilespmem:$0x1F800] =	vst v63  }
0x7e: {  	_ =	swait.ge [sflag:s13], $0x100  }
0x7f: {  	[sflag:s13] =	ssyncset.done $0x0  }
0x80: {  	s17 =	simm.s32 $0x0;
	s25 =	simm.s32 $0xA;
	[sflag:s13] =	ssyncadd.s32 $0xFFFFFF00  }
0x81: {  	[tilespmem:s0], [sflag:$0x1] =	stream.indirect.gather [hbm4b:s1+s24], $0x80, s17, s24, $0xb8;
	[tilespmem:$0x1F800] =	vst v63  }
0x82: {  	_ =	swait.ge [sflag:s25], $0x100  }
0x83: {  	[sflag:s25] =	ssyncset.done $0x0  }
0x84: {  	s20 =	simm.s32 $0x11;
	[sflag:s25] =	ssyncadd.s32 $0xFFFFFF00  }
0x85: {  	[tilespmem:s8], [sflag:$0x2] =	stream.indirect.gather [hbm4b:s1+s24], $0x80, s14, s24, $0xb8;
	[tilespmem:$0x1F800] =	vst v63  }
0x86: {  	_ =	swait.ge [sflag:s20], $0x1000  }
0x87: {  	[sflag:s20] =	ssyncset.done $0x0  }
0x88: {  	[sflag:s20] =	ssyncadd.s32 $0xFFFFF000  }
0x89: {  	_ =	swait.ge [sflag:s20], $0x1000  }
0x8a: {  	[sflag:s20] =	ssyncset.done $0x0  }
0x8b: {  	[sflag:s20] =	ssyncadd.s32 $0xFFFFF000  }
0x8c: {  	_ =	swait.ge [sflag:s20], $0x1000  }
0x8d: {  	[sflag:s20] =	ssyncset.done $0x0  }
0x8e: {  	[sflag:s20] =	ssyncadd.s32 $0xFFFFF000  }
0x8f: {  	_ =	swait.ge [sflag:s20], $0x1000  }
0x90: {  	[sflag:s20] =	ssyncset.done $0x0  }
0x91: {  	[sflag:s20] =	ssyncadd.s32 $0xFFFFF000  }
0x92: {  	_ =	swait.ge [sflag:s20], $0x1000  }
0x93: {  	[sflag:s20] =	ssyncset.done $0x0  }
0x94: {  	[sflag:s20] =	ssyncadd.s32 $0xFFFFF000  }
0x95: {  	_ =	swait.ge [sflag:s20], $0x1000  }
0x96: {  	[sflag:s20] =	ssyncset.done $0x0  }
0x97: {  	[sflag:s20] =	ssyncadd.s32 $0xFFFFF000  }
0x98: {  	_ =	swait.ge [sflag:s20], $0x1000  }
0x99: {  	[sflag:s20] =	ssyncset.done $0x0  }
0x9a: {  	[sflag:s20] =	ssyncadd.s32 $0xFFFFF000  }
0x9b: {  	_ =	swait.ge [sflag:s20], $0x1000  }
0x9c: {  	[sflag:s20] =	ssyncset.done $0x0  }
0x9d: {  	[sflag:s20] =	ssyncadd.s32 $0xFFFFF000  }
0x9e: {  	_ =	swait.ge [sflag:s20], $0x1000  }
0x9f: {  	[sflag:s20] =	ssyncset.done $0x0  }
0xa0: {  	[sflag:s20] =	ssyncadd.s32 $0xFFFFF000  }
0xa1: {  	_ =	swait.ge [sflag:s20], $0x1000  }
0xa2: {  	[sflag:s20] =	ssyncset.done $0x0  }
0xa3: {  	[sflag:s20] =	ssyncadd.s32 $0xFFFFF000  }
0xa4: {  	_ =	swait.ge [sflag:s20], $0x1000  }
0xa5: {  	[sflag:s20] =	ssyncset.done $0x0  }
0xa6: {  	[sflag:s20] =	ssyncadd.s32 $0xFFFFF000  }
0xa7: {  	_ =	swait.ge [sflag:s20], $0x1000  }
0xa8: {  	[sflag:s20] =	ssyncset.done $0x0  }
0xa9: {  	[sflag:s20] =	ssyncadd.s32 $0xFFFFF000  }
0xaa: {  	_ =	swait.ge [sflag:s20], $0x1000  }
0xab: {  	[sflag:s20] =	ssyncset.done $0x0  }
0xac: {  	[sflag:s20] =	ssyncadd.s32 $0xFFFFF000  }
0xad: {  	_ =	swait.ge [sflag:s20], $0x1000  }
0xae: {  	[sflag:s20] =	ssyncset.done $0x0  }
0xaf: {  	[sflag:s20] =	ssyncadd.s32 $0xFFFFF000  }
0xb0: {  	_ =	swait.ge [sflag:s20], $0x1000  }
0xb1: {  	[sflag:s20] =	ssyncset.done $0x0  }
0xb2: {  	[sflag:s20] =	ssyncadd.s32 $0xFFFFF000  }
0xb3: {  	_ =	swait.ge [sflag:s20], $0x1000  }
0xb4: {  	[sflag:s20] =	ssyncset.done $0x0  }
0xb5: {  	[sflag:s20] =	ssyncadd.s32 $0xFFFFF000  }
0xb6: {  	_ =	swait.ge [sflag:s20], $0x1000  }
0xb7: {  	[sflag:s20] =	ssyncset.done $0x0  }
0xb8: {  	[sflag:s20] =	ssyncadd.s32 $0xFFFFF000  }
0xb9: {  	_ =	swait.ge [sflag:s20], $0x1000  }
0xba: {  	[sflag:s20] =	ssyncset.done $0x0  }
0xbb: {  	[sflag:s20] =	ssyncadd.s32 $0xFFFFF000  }
0xbc: {  	_ =	swait.ge [sflag:s20], $0x1000  }
0xbd: {  	[sflag:s20] =	ssyncset.done $0x0  }
0xbe: {  	[sflag:s20] =	ssyncadd.s32 $0xFFFFF000  }
0xbf: {  	_ =	swait.ge [sflag:s20], $0x1000  }
0xc0: {  	[sflag:s20] =	ssyncset.done $0x0  }
0xc1: {  	[sflag:s20] =	ssyncadd.s32 $0xFFFFF000  }
0xc2: {  	[bflag:$0x0] =	sbarrier.arrive $0xFFFF  }
0xc3: {  	_ =	swait.ge [sflag:s31], $0x2800  }
0xc4: {  	[sflag:s31] =	ssyncset.done $0x0  }
0xc5: {  	s2 =	simm.s32 $0x80;
	[sflag:s31] =	ssyncadd.s32 $0xFFFFD800  }
0xc6: {  	[spmem:s3] =	stream.indirect.scatter.add.f32 [tilespmem:s0], [sflag:$0x5], $0x80, s2, s24, $0xb8;
	[tilespmem:$0x1F800] =	vst v63  }
0xc7: {  	s22 =	simm.s32 $0x600;
	s18 =	rddreg [dreg:$0x13]  }
0xc8: {  	[tilespmem:s22], [sflag:$0xF] =	stream.linear.gather [hbm4b:s18+s17], $0x100, $0x38;
	[tilespmem:$0x1F800] =	vst v63  }
0xc9: {  	s22 =	simm.s32 $0xB  }
0xca: {  	_ =	swait.ge [sflag:s22], $0x100  }
0xcb: {  	[sflag:s22] =	ssyncset.done $0x0  }
0xcc: {  	[sflag:s22] =	ssyncadd.s32 $0xFFFFFF00  }
0xcd: {  	[tilespmem:s26], [sflag:$0x3] =	stream.indirect.gather [hbm4b:s1+s24], $0x80, s11, s24, $0xb8;
	[tilespmem:$0x1F800] =	vst v63  }
0xce: {  	_ =	swait.ge [sflag:s9], $0x2800  }
0xcf: {  	[sflag:s9] =	ssyncset.done $0x0  }
0xd0: {  	s8 =	simm.s32 $0x3000;
	s2 =	simm.s32 $0x180;
	[sflag:s9] =	ssyncadd.s32 $0xFFFFD800  }
0xd1: {  	[spmem:s3] =	stream.indirect.scatter.add.f32 [tilespmem:s8], [sflag:$0x6], $0x80, s2, s24, $0xb8;
	[tilespmem:$0x1F800] =	vst v63  }
0xd2: {  	s7 =	simm.s32 $0x700;
	s5 =	rddreg [dreg:$0x14]  }
0xd3: {  	[tilespmem:s7], [sflag:$0x10] =	stream.linear.gather [hbm4b:s5+s17], $0x100, $0x38;
	[tilespmem:$0x1F800] =	vst v63  }
0xd4: {  	s7 =	simm.s32 $0xC  }
0xd5: {  	_ =	swait.ge [sflag:s7], $0x100  }
0xd6: {  	[sflag:s7] =	ssyncset.done $0x0  }
0xd7: {  	s2 =	simm.s32 $0x8000;
	[sflag:s7] =	ssyncadd.s32 $0xFFFFFF00  }
0xd8: {  	[tilespmem:s2], [sflag:$0x4] =	stream.indirect.gather [hbm4b:s1+s24], $0x80, s19, s24, $0xb8;
	[tilespmem:$0x1F800] =	vst v63  }
0xd9: {  	_ =	swait.ge [sflag:s15], $0x2800  }
0xda: {  	[sflag:s15] =	ssyncset.done $0x0  }
0xdb: {  	s20 =	simm.s32 $0x280;
	[sflag:s15] =	ssyncadd.s32 $0xFFFFD800  }
0xdc: {  	[spmem:s3] =	stream.indirect.scatter.add.f32 [tilespmem:s26], [sflag:$0x7], $0x80, s20, s24, $0xb8;
	[tilespmem:$0x1F800] =	vst v63  }
0xdd: {  	_ =	swait.ge [sflag:s6], $0x2800  }
0xde: {  	s18 =	rddreg [dreg:$0x1f]  }
0xdf: {  	[sflag:s6] =	ssyncset.done $0x0;
	s5 =	sshrl.u32 s18, $0x3  }
0xe0: {  	[sflag:s6] =	ssyncadd.s32 $0xFFFFD800;
	s17 =	sadd.s32 s28, s5;
	s5 =	simm.s32 $0xD  }
0xe1: {  	[tilespmem:s4], [sflag:$0x9] =	stream.linear.gather [hbm4b:s17+s4], $0x100, $0x38;
	[tilespmem:$0x1F800] =	vst v63  }
0xe2: {  	_ =	swait.ge [sflag:s5], $0x100  }
0xe3: {  	[sflag:s5] =	ssyncset.done $0x0  }
0xe4: {  	[sflag:s5] =	ssyncadd.s32 $0xFFFFFF00  }
0xe5: {  	[tilespmem:s29], [sflag:$0x1] =	stream.indirect.gather [hbm4b:s1+s24], $0x80, s23, s24, $0xb8;
	[tilespmem:$0x1F800] =	vst v63  }
0xe6: {  	_ =	swait.ge [sflag:s12], $0x2800  }
0xe7: {  	[sflag:s12] =	ssyncset.done $0x0  }
0xe8: {  	s17 =	simm.s32 $0x380;
	[sflag:s12] =	ssyncadd.s32 $0xFFFFD800  }
0xe9: {  	[spmem:s3] =	stream.indirect.scatter.add.f32 [tilespmem:s2], [sflag:$0x8], $0x80, s17, s24, $0xb8;
	[tilespmem:$0x1F800] =	vst v63  }
0xea: {  	_ =	swait.ge [sflag:s30], $0x2800  }
0xeb: {  	s20 =	rddreg [dreg:$0xa];
	[sflag:s30] =	ssyncset.done $0x0  }
0xec: {  	s0 =	simm.s32 $0xE;
	[sflag:s30] =	ssyncadd.s32 $0xFFFFD800;
	s17 =	sadd.s32 $0x0, s20  }
0xed: {  	[tilespmem:s14], [sflag:$0xA] =	stream.linear.gather [hbm4b:s17+s4], $0x100, $0x38;
	[tilespmem:$0x1F800] =	vst v63  }
0xee: {  	_ =	swait.ge [sflag:s0], $0x100  }
0xef: {  	[sflag:s0] =	ssyncset.done $0x0  }
0xf0: {  	s20 =	simm.s32 $0x500;
	[sflag:s0] =	ssyncadd.s32 $0xFFFFFF00  }
0xf1: {  	[tilespmem:s8], [sflag:$0x2] =	stream.indirect.gather [hbm4b:s1+s24], $0x80, s20, s24, $0xb8;
	[tilespmem:$0x1F800] =	vst v63  }
0xf2: {  	_ =	swait.ge [sflag:s31], $0x2800  }
0xf3: {  	[sflag:s31] =	ssyncset.done $0x0  }
0xf4: {  	[sflag:s31] =	ssyncadd.s32 $0xFFFFD800  }
0xf5: {  	[spmem:s3] =	stream.indirect.scatter.add.f32 [tilespmem:s29], [sflag:$0x5], $0x80, s21, s24, $0xb8;
	[tilespmem:$0x1F800] =	vst v63  }
0xf6: {  	_ =	swait.ge [sflag:s16], $0x2800  }
0xf7: {  	s21 =	rddreg [dreg:$0x9];
	[sflag:s16] =	ssyncset.done $0x0  }
0xf8: {  	[sflag:s16] =	ssyncadd.s32 $0xFFFFD800;
	s17 =	sadd.s32 $0x0, s21;
	s21 =	simm.s32 $0xF  }
0xf9: {  	[tilespmem:s11], [sflag:$0xB] =	stream.linear.gather [hbm4b:s17+s4], $0x100, $0x38;
	[tilespmem:$0x1F800] =	vst v63  }
0xfa: {  	_ =	swait.ge [sflag:s21], $0x100  }
0xfb: {  	[sflag:s21] =	ssyncset.done $0x0  }
0xfc: {  	s17 =	simm.s32 $0x600;
	[sflag:s21] =	ssyncadd.s32 $0xFFFFFF00  }
0xfd: {  	[tilespmem:s26], [sflag:$0x3] =	stream.indirect.gather [hbm4b:s1+s24], $0x80, s17, s24, $0xb8;
	[tilespmem:$0x1F800] =	vst v63  }
0xfe: {  	_ =	swait.ge [sflag:s9], $0x2800  }
0xff: {  	[sflag:s9] =	ssyncset.done $0x0  }
0x100: {  	s17 =	simm.s32 $0x580;
	[sflag:s9] =	ssyncadd.s32 $0xFFFFD800  }
0x101: {  	[spmem:s3] =	stream.indirect.scatter.add.f32 [tilespmem:s8], [sflag:$0x6], $0x80, s17, s24, $0xb8;
	[tilespmem:$0x1F800] =	vst v63  }
0x102: {  	_ =	swait.ge [sflag:s10], $0x2800  }
0x103: {  	s17 =	rddreg [dreg:$0x8];
	[sflag:s10] =	ssyncset.done $0x0  }
0x104: {  	s28 =	simm.s32 $0x10;
	[sflag:s10] =	ssyncadd.s32 $0xFFFFD800;
	s17 =	sadd.s32 $0x0, s17  }
0x105: {  	[tilespmem:s19], [sflag:$0xC] =	stream.linear.gather [hbm4b:s17+s4], $0x100, $0x38;
	[tilespmem:$0x1F800] =	vst v63  }
0x106: {  	_ =	swait.ge [sflag:s28], $0x100  }
0x107: {  	[sflag:s28] =	ssyncset.done $0x0  }
0x108: {  	s19 =	simm.s32 $0x700;
	[sflag:s28] =	ssyncadd.s32 $0xFFFFFF00  }
0x109: {  	[tilespmem:s2], [sflag:$0x4] =	stream.indirect.gather [hbm4b:s1+s24], $0x80, s19, s24, $0xb8;
	[tilespmem:$0x1F800] =	vst v63  }
0x10a: {  	_ =	swait.ge [sflag:s15], $0x2800  }
0x10b: {  	[sflag:s15] =	ssyncset.done $0x0  }
0x10c: {  	s17 =	simm.s32 $0x680;
	[sflag:s15] =	ssyncadd.s32 $0xFFFFD800  }
0x10d: {  	[spmem:s3] =	stream.indirect.scatter.add.f32 [tilespmem:s26], [sflag:$0x7], $0x80, s17, s24, $0xb8;
	[tilespmem:$0x1F800] =	vst v63  }
0x10e: {  	_ =	swait.ge [sflag:s6], $0x2800  }
0x10f: {  	s17 =	rddreg [dreg:$0x7];
	[sflag:s6] =	ssyncset.done $0x0  }
0x110: {  	[sflag:s6] =	ssyncadd.s32 $0xFFFFD800;
	s17 =	sadd.s32 $0x0, s17  }
0x111: {  	[tilespmem:s23], [sflag:$0xD] =	stream.linear.gather [hbm4b:s17+s4], $0x100, $0x38;
	[tilespmem:$0x1F800] =	vst v63  }
0x112: {  	_ =	swait.ge [sflag:s13], $0x100  }
0x113: {  	[sflag:s13] =	ssyncset.done $0x0  }
0x114: {  	[sflag:s13] =	ssyncadd.s32 $0xFFFFFF00  }
0x115: {  	[tilespmem:s29], [sflag:$0x1] =	stream.indirect.gather [hbm4b:s1+s24], $0x80, s4, s24, $0xb8;
	[tilespmem:$0x1F800] =	vst v63  }
0x116: {  	_ =	swait.ge [sflag:s12], $0x2800  }
0x117: {  	[sflag:s12] =	ssyncset.done $0x0  }
0x118: {  	s17 =	simm.s32 $0x780;
	[sflag:s12] =	ssyncadd.s32 $0xFFFFD800  }
0x119: {  	[spmem:s3] =	stream.indirect.scatter.add.f32 [tilespmem:s2], [sflag:$0x8], $0x80, s17, s24, $0xb8;
	[tilespmem:$0x1F800] =	vst v63  }
0x11a: {  	_ =	swait.ge [sflag:s30], $0x2800  }
0x11b: {  	s23 =	rddreg [dreg:$0x6];
	[sflag:s30] =	ssyncset.done $0x0  }
0x11c: {  	[sflag:s30] =	ssyncadd.s32 $0xFFFFD800;
	s17 =	sadd.s32 $0x0, s23  }
0x11d: {  	[tilespmem:s20], [sflag:$0xE] =	stream.linear.gather [hbm4b:s17+s4], $0x100, $0x38;
	[tilespmem:$0x1F800] =	vst v63  }
0x11e: {  	_ =	swait.ge [sflag:s25], $0x100  }
0x11f: {  	[sflag:s25] =	ssyncset.done $0x0  }
0x120: {  	[sflag:s25] =	ssyncadd.s32 $0xFFFFFF00  }
0x121: {  	[tilespmem:s8], [sflag:$0x2] =	stream.indirect.gather [hbm4b:s1+s24], $0x80, s14, s24, $0xb8;
	[tilespmem:$0x1F800] =	vst v63  }
0x122: {  	_ =	swait.ge [sflag:s31], $0x2800  }
0x123: {  	[sflag:s31] =	ssyncset.done $0x0  }
0x124: {  	s25 =	simm.s32 $0x80;
	[sflag:s31] =	ssyncadd.s32 $0xFFFFD800  }
0x125: {  	[spmem:s3] =	stream.indirect.scatter.add.f32 [tilespmem:s29], [sflag:$0x5], $0x80, s25, s24, $0xb8;
	[tilespmem:$0x1F800] =	vst v63  }
0x126: {  	_ =	swait.ge [sflag:s16], $0x2800  }
0x127: {  	s14 =	rddreg [dreg:$0x5];
	[sflag:s16] =	ssyncset.done $0x0  }
0x128: {  	s20 =	simm.s32 $0x600;
	[sflag:s16] =	ssyncadd.s32 $0xFFFFD800;
	s17 =	sadd.s32 $0x0, s14  }
0x129: {  	[tilespmem:s20], [sflag:$0xF] =	stream.linear.gather [hbm4b:s17+s4], $0x100, $0x38;
	[tilespmem:$0x1F800] =	vst v63  }
0x12a: {  	_ =	swait.ge [sflag:s22], $0x100  }
0x12b: {  	[sflag:s22] =	ssyncset.done $0x0  }
0x12c: {  	[sflag:s22] =	ssyncadd.s32 $0xFFFFFF00  }
0x12d: {  	[tilespmem:s26], [sflag:$0x3] =	stream.indirect.gather [hbm4b:s1+s24], $0x80, s11, s24, $0xb8;
	[tilespmem:$0x1F800] =	vst v63  }
0x12e: {  	_ =	swait.ge [sflag:s9], $0x2800  }
0x12f: {  	[sflag:s9] =	ssyncset.done $0x0  }
0x130: {  	s23 =	simm.s32 $0x180;
	[sflag:s9] =	ssyncadd.s32 $0xFFFFD800  }
0x131: {  	[spmem:s3] =	stream.indirect.scatter.add.f32 [tilespmem:s8], [sflag:$0x6], $0x80, s23, s24, $0xb8;
	[tilespmem:$0x1F800] =	vst v63  }
0x132: {  	_ =	swait.ge [sflag:s10], $0x2800  }
0x133: {  	s25 =	rddreg [dreg:$0x4];
	[sflag:s10] =	ssyncset.done $0x0  }
0x134: {  	s19 =	simm.s32 $0x700;
	[sflag:s10] =	ssyncadd.s32 $0xFFFFD800;
	s17 =	sadd.s32 $0x0, s25  }
0x135: {  	[tilespmem:s19], [sflag:$0x10] =	stream.linear.gather [hbm4b:s17+s4], $0x100, $0x38;
	[tilespmem:$0x1F800] =	vst v63  }
0x136: {  	_ =	swait.ge [sflag:s7], $0x100  }
0x137: {  	s18 =	sadd.s32 $0x800, s18;
	[sflag:s7] =	ssyncset.done $0x0  }
0x138: {  	s17 =	simm.s32 $0x100;
	[sflag:s7] =	ssyncadd.s32 $0xFFFFFF00;
	s7 =	simm.s32 $0x500  }
.LBB2_4:
0x139: {  	s23 =	simm.s32 $0x300  }
0x13a: {  	[tilespmem:s2], [sflag:$0x4] =	stream.indirect.gather [hbm4b:s1+s24], $0x80, s23, s24, $0xb8;
	[tilespmem:$0x1F800] =	vst v63  }
0x13b: {  	_ =	swait.ge [sflag:s15], $0x2800  }
0x13c: {  	[sflag:s15] =	ssyncset.done $0x0  }
0x13d: {  	s20 =	simm.s32 $0x280;
	[sflag:s15] =	ssyncadd.s32 $0xFFFFD800  }
0x13e: {  	[spmem:s3] =	stream.indirect.scatter.add.f32 [tilespmem:s26], [sflag:$0x7], $0x80, s20, s24, $0xb8;
	[tilespmem:$0x1F800] =	vst v63  }
0x13f: {  	_ =	swait.ge [sflag:s6], $0x2800  }
0x140: {  	s14 =	sshrl.u32 s18, $0x3;
	[sflag:s6] =	ssyncset.done $0x0;
	s13 =	rddreg [dreg:$0xb]  }
0x141: {  	[sflag:s6] =	ssyncadd.s32 $0xFFFFD800;
	s20 =	sadd.s32 s13, s14  }
0x142: {  	[tilespmem:s4], [sflag:$0x9] =	stream.linear.gather [hbm4b:s20+s4], $0x100, $0x38;
	[tilespmem:$0x1F800] =	vst v63  }
0x143: {  	_ =	swait.ge [sflag:s5], $0x100  }
0x144: {  	[sflag:s5] =	ssyncset.done $0x0  }
0x145: {  	s26 =	simm.s32 $0x400;
	[sflag:s5] =	ssyncadd.s32 $0xFFFFFF00  }
0x146: {  	[tilespmem:s29], [sflag:$0x1] =	stream.indirect.gather [hbm4b:s1+s24], $0x80, s26, s24, $0xb8;
	[tilespmem:$0x1F800] =	vst v63  }
0x147: {  	_ =	swait.ge [sflag:s12], $0x2800  }
0x148: {  	[sflag:s12] =	ssyncset.done $0x0  }
0x149: {  	s22 =	simm.s32 $0x380;
	[sflag:s12] =	ssyncadd.s32 $0xFFFFD800  }
0x14a: {  	[spmem:s3] =	stream.indirect.scatter.add.f32 [tilespmem:s2], [sflag:$0x8], $0x80, s22, s24, $0xb8;
	[tilespmem:$0x1F800] =	vst v63  }
0x14b: {  	_ =	swait.ge [sflag:s30], $0x2800  }
0x14c: {  	s19 =	smov.u32 s17;
	s25 =	rddreg [dreg:$0xa];
	[sflag:s30] =	ssyncset.done $0x0  }
0x14d: {  	s22 =	simm.s32 $0x100;
	[sflag:s30] =	ssyncadd.s32 $0xFFFFD800;
	s20 =	sadd.s32 s19, s25  }
0x14e: {  	[tilespmem:s22], [sflag:$0xA] =	stream.linear.gather [hbm4b:s20+s4], $0x100, $0x38;
	[tilespmem:$0x1F800] =	vst v63  }
0x14f: {  	_ =	swait.ge [sflag:s0], $0x100  }
0x150: {  	[sflag:s0] =	ssyncset.done $0x0  }
0x151: {  	[sflag:s0] =	ssyncadd.s32 $0xFFFFFF00  }
0x152: {  	[tilespmem:s8], [sflag:$0x2] =	stream.indirect.gather [hbm4b:s1+s24], $0x80, s7, s24, $0xb8;
	[tilespmem:$0x1F800] =	vst v63  }
0x153: {  	_ =	swait.ge [sflag:s31], $0x2800  }
0x154: {  	[sflag:s31] =	ssyncset.done $0x0  }
0x155: {  	s13 =	simm.s32 $0x480;
	[sflag:s31] =	ssyncadd.s32 $0xFFFFD800  }
0x156: {  	[spmem:s3] =	stream.indirect.scatter.add.f32 [tilespmem:s29], [sflag:$0x5], $0x80, s13, s24, $0xb8;
	[tilespmem:$0x1F800] =	vst v63  }
0x157: {  	_ =	swait.ge [sflag:s16], $0x2800  }
0x158: {  	s14 =	rddreg [dreg:$0x9];
	[sflag:s16] =	ssyncset.done $0x0  }
0x159: {  	[sflag:s16] =	ssyncadd.s32 $0xFFFFD800;
	s20 =	sadd.s32 s19, s14;
	s14 =	simm.s32 $0x200  }
0x15a: {  	[tilespmem:s14], [sflag:$0xB] =	stream.linear.gather [hbm4b:s20+s4], $0x100, $0x38;
	[tilespmem:$0x1F800] =	vst v63  }
0x15b: {  	_ =	swait.ge [sflag:s21], $0x100  }
0x15c: {  	[sflag:s21] =	ssyncset.done $0x0  }
0x15d: {  	s11 =	simm.s32 $0x5800;
	s25 =	simm.s32 $0x600;
	[sflag:s21] =	ssyncadd.s32 $0xFFFFFF00  }
0x15e: {  	[tilespmem:s11], [sflag:$0x3] =	stream.indirect.gather [hbm4b:s1+s24], $0x80, s25, s24, $0xb8;
	[tilespmem:$0x1F800] =	vst v63  }
0x15f: {  	_ =	swait.ge [sflag:s9], $0x2800  }
0x160: {  	[sflag:s9] =	ssyncset.done $0x0  }
0x161: {  	s20 =	simm.s32 $0x580;
	[sflag:s9] =	ssyncadd.s32 $0xFFFFD800  }
0x162: {  	[spmem:s3] =	stream.indirect.scatter.add.f32 [tilespmem:s8], [sflag:$0x6], $0x80, s20, s24, $0xb8;
	[tilespmem:$0x1F800] =	vst v63  }
0x163: {  	_ =	swait.ge [sflag:s10], $0x2800  }
0x164: {  	s13 =	rddreg [dreg:$0x8];
	[sflag:s10] =	ssyncset.done $0x0  }
0x165: {  	[sflag:s10] =	ssyncadd.s32 $0xFFFFD800;
	s20 =	sadd.s32 s19, s13  }
0x166: {  	[tilespmem:s23], [sflag:$0xC] =	stream.linear.gather [hbm4b:s20+s4], $0x100, $0x38;
	[tilespmem:$0x1F800] =	vst v63  }
0x167: {  	_ =	swait.ge [sflag:s28], $0x100  }
0x168: {  	[sflag:s28] =	ssyncset.done $0x0  }
0x169: {  	s23 =	simm.s32 $0x700;
	[sflag:s28] =	ssyncadd.s32 $0xFFFFFF00  }
0x16a: {  	[tilespmem:s2], [sflag:$0x4] =	stream.indirect.gather [hbm4b:s1+s24], $0x80, s23, s24, $0xb8;
	[tilespmem:$0x1F800] =	vst v63  }
0x16b: {  	_ =	swait.ge [sflag:s15], $0x2800  }
0x16c: {  	[sflag:s15] =	ssyncset.done $0x0  }
0x16d: {  	s20 =	simm.s32 $0x680;
	[sflag:s15] =	ssyncadd.s32 $0xFFFFD800  }
0x16e: {  	[spmem:s3] =	stream.indirect.scatter.add.f32 [tilespmem:s11], [sflag:$0x7], $0x80, s20, s24, $0xb8;
	[tilespmem:$0x1F800] =	vst v63  }
0x16f: {  	_ =	swait.ge [sflag:s6], $0x2800  }
0x170: {  	s13 =	rddreg [dreg:$0x7];
	[sflag:s6] =	ssyncset.done $0x0  }
0x171: {  	s11 =	simm.s32 $0x9;
	[sflag:s6] =	ssyncadd.s32 $0xFFFFD800;
	s20 =	sadd.s32 s19, s13  }
0x172: {  	[tilespmem:s26], [sflag:$0xD] =	stream.linear.gather [hbm4b:s20+s4], $0x100, $0x38;
	[tilespmem:$0x1F800] =	vst v63  }
0x173: {  	_ =	swait.ge [sflag:s11], $0x100  }
0x174: {  	[sflag:s11] =	ssyncset.done $0x0  }
0x175: {  	[sflag:s11] =	ssyncadd.s32 $0xFFFFFF00  }
0x176: {  	[tilespmem:s29], [sflag:$0x1] =	stream.indirect.gather [hbm4b:s1+s24], $0x80, s4, s24, $0xb8;
	[tilespmem:$0x1F800] =	vst v63  }
0x177: {  	_ =	swait.ge [sflag:s12], $0x2800  }
0x178: {  	[sflag:s12] =	ssyncset.done $0x0  }
0x179: {  	s20 =	simm.s32 $0x780;
	[sflag:s12] =	ssyncadd.s32 $0xFFFFD800  }
0x17a: {  	[spmem:s3] =	stream.indirect.scatter.add.f32 [tilespmem:s2], [sflag:$0x8], $0x80, s20, s24, $0xb8;
	[tilespmem:$0x1F800] =	vst v63  }
0x17b: {  	_ =	swait.ge [sflag:s30], $0x2800  }
0x17c: {  	s11 =	rddreg [dreg:$0x6];
	[sflag:s30] =	ssyncset.done $0x0  }
0x17d: {  	s13 =	simm.s32 $0xA;
	[sflag:s30] =	ssyncadd.s32 $0xFFFFD800;
	s20 =	sadd.s32 s19, s11  }
0x17e: {  	[tilespmem:s7], [sflag:$0xE] =	stream.linear.gather [hbm4b:s20+s4], $0x100, $0x38;
	[tilespmem:$0x1F800] =	vst v63  }
0x17f: {  	_ =	swait.ge [sflag:s13], $0x100  }
0x180: {  	[sflag:s13] =	ssyncset.done $0x0  }
0x181: {  	[sflag:s13] =	ssyncadd.s32 $0xFFFFFF00  }
0x182: {  	[tilespmem:s8], [sflag:$0x2] =	stream.indirect.gather [hbm4b:s1+s24], $0x80, s22, s24, $0xb8;
	[tilespmem:$0x1F800] =	vst v63  }
0x183: {  	_ =	swait.ge [sflag:s31], $0x2800  }
0x184: {  	[sflag:s31] =	ssyncset.done $0x0  }
0x185: {  	s11 =	simm.s32 $0x80;
	[sflag:s31] =	ssyncadd.s32 $0xFFFFD800  }
0x186: {  	[spmem:s3] =	stream.indirect.scatter.add.f32 [tilespmem:s29], [sflag:$0x5], $0x80, s11, s24, $0xb8;
	[tilespmem:$0x1F800] =	vst v63  }
0x187: {  	_ =	swait.ge [sflag:s16], $0x2800  }
0x188: {  	s13 =	rddreg [dreg:$0x5];
	[sflag:s16] =	ssyncset.done $0x0  }
0x189: {  	[sflag:s16] =	ssyncadd.s32 $0xFFFFD800;
	s20 =	sadd.s32 s19, s13  }
0x18a: {  	[tilespmem:s25], [sflag:$0xF] =	stream.linear.gather [hbm4b:s20+s4], $0x100, $0x38;
	[tilespmem:$0x1F800] =	vst v63  }
0x18b: {  	s20 =	simm.s32 $0xB  }
0x18c: {  	_ =	swait.ge [sflag:s20], $0x100  }
0x18d: {  	[sflag:s20] =	ssyncset.done $0x0  }
0x18e: {  	s26 =	simm.s32 $0x5800;
	[sflag:s20] =	ssyncadd.s32 $0xFFFFFF00  }
0x18f: {  	[tilespmem:s26], [sflag:$0x3] =	stream.indirect.gather [hbm4b:s1+s24], $0x80, s14, s24, $0xb8;
	[tilespmem:$0x1F800] =	vst v63  }
0x190: {  	_ =	swait.ge [sflag:s9], $0x2800  }
0x191: {  	[sflag:s9] =	ssyncset.done $0x0  }
0x192: {  	s22 =	simm.s32 $0x180;
	[sflag:s9] =	ssyncadd.s32 $0xFFFFD800  }
0x193: {  	[spmem:s3] =	stream.indirect.scatter.add.f32 [tilespmem:s8], [sflag:$0x6], $0x80, s22, s24, $0xb8;
	[tilespmem:$0x1F800] =	vst v63  }
0x194: {  	p0 =	sne.s32 s17, $0xD00;
	_ =	swait.ge [sflag:s10], $0x2800  }
0x195: {  	s20 =	simm.s32 $0xC;
	s25 =	rddreg [dreg:$0x4];
	[sflag:s10] =	ssyncset.done $0x0  }
.Ltmp1:
0x196: {  	[sflag:s10] =	ssyncadd.s32 $0xFFFFD800;
	s19 =	sadd.s32 s19, s25;
	(pc) =	sbr.rel @p0 .LBB2_4-.Ltmp1, $4  }
0x197: {  	[tilespmem:s23], [sflag:$0x10] =	stream.linear.gather [hbm4b:s19+s4], $0x100, $0x38;
	[tilespmem:$0x1F800] =	vst v63  }
0x198: {  	_ =	swait.ge [sflag:s20], $0x100  }
0x199: {  	s17 =	sadd.s32 $0x100, s17;
	s18 =	sadd.s32 $0x800, s18;
	[sflag:s20] =	ssyncset.done $0x0  }
0x19a: {  	s13 =	simm.s32 $0x600;
	s25 =	simm.s32 $0x700;
	[sflag:s20] =	ssyncadd.s32 $0xFFFFFF00  }
0x19b: {  	s11 =	simm.s32 $0x300  }
0x19c: {  	[tilespmem:s2], [sflag:$0x4] =	stream.indirect.gather [hbm4b:s1+s24], $0x80, s11, s24, $0xb8;
	[tilespmem:$0x1F800] =	vst v63  }
0x19d: {  	_ =	swait.ge [sflag:s15], $0x2800  }
0x19e: {  	[sflag:s15] =	ssyncset.done $0x0  }
0x19f: {  	s18 =	simm.s32 $0x280;
	[sflag:s15] =	ssyncadd.s32 $0xFFFFD800  }
0x1a0: {  	[spmem:s3] =	stream.indirect.scatter.add.f32 [tilespmem:s26], [sflag:$0x7], $0x80, s18, s24, $0xb8;
	[tilespmem:$0x1F800] =	vst v63  }
0x1a1: {  	_ =	swait.ge [sflag:s6], $0x2800  }
0x1a2: {  	[sflag:s6] =	ssyncset.done $0x0  }
0x1a3: {  	s17 =	rddreg [dreg:$0x15];
	[sflag:s6] =	ssyncadd.s32 $0xFFFFD800  }
0x1a4: {  	[tilespmem:s4], [sflag:$0x9] =	stream.linear.gather [hbm4b:s17+s4], $0x100, $0x38;
	[tilespmem:$0x1F800] =	vst v63  }
0x1a5: {  	_ =	swait.ge [sflag:s5], $0x100  }
0x1a6: {  	[sflag:s5] =	ssyncset.done $0x0  }
0x1a7: {  	s23 =	simm.s32 $0x400;
	[sflag:s5] =	ssyncadd.s32 $0xFFFFFF00  }
0x1a8: {  	[tilespmem:s29], [sflag:$0x1] =	stream.indirect.gather [hbm4b:s1+s24], $0x80, s23, s24, $0xb8;
	[tilespmem:$0x1F800] =	vst v63  }
0x1a9: {  	_ =	swait.ge [sflag:s12], $0x2800  }
0x1aa: {  	[sflag:s12] =	ssyncset.done $0x0  }
0x1ab: {  	s19 =	simm.s32 $0x380;
	[sflag:s12] =	ssyncadd.s32 $0xFFFFD800  }
0x1ac: {  	[spmem:s3] =	stream.indirect.scatter.add.f32 [tilespmem:s2], [sflag:$0x8], $0x80, s19, s24, $0xb8;
	[tilespmem:$0x1F800] =	vst v63  }
0x1ad: {  	_ =	swait.ge [sflag:s30], $0x2800  }
0x1ae: {  	[sflag:s30] =	ssyncset.done $0x0  }
0x1af: {  	s22 =	simm.s32 $0x100;
	s14 =	rddreg [dreg:$0x16];
	[sflag:s30] =	ssyncadd.s32 $0xFFFFD800  }
0x1b0: {  	[tilespmem:s22], [sflag:$0xA] =	stream.linear.gather [hbm4b:s14+s4], $0x100, $0x38;
	[tilespmem:$0x1F800] =	vst v63  }
0x1b1: {  	_ =	swait.ge [sflag:s0], $0x100  }
0x1b2: {  	[sflag:s0] =	ssyncset.done $0x0  }
0x1b3: {  	[sflag:s0] =	ssyncadd.s32 $0xFFFFFF00  }
0x1b4: {  	[tilespmem:s8], [sflag:$0x2] =	stream.indirect.gather [hbm4b:s1+s24], $0x80, s7, s24, $0xb8;
	[tilespmem:$0x1F800] =	vst v63  }
0x1b5: {  	_ =	swait.ge [sflag:s31], $0x2800  }
0x1b6: {  	[sflag:s31] =	ssyncset.done $0x0  }
0x1b7: {  	s7 =	simm.s32 $0x480;
	[sflag:s31] =	ssyncadd.s32 $0xFFFFD800  }
0x1b8: {  	[spmem:s3] =	stream.indirect.scatter.add.f32 [tilespmem:s29], [sflag:$0x5], $0x80, s7, s24, $0xb8;
	[tilespmem:$0x1F800] =	vst v63  }
0x1b9: {  	_ =	swait.ge [sflag:s16], $0x2800  }
0x1ba: {  	[sflag:s16] =	ssyncset.done $0x0  }
0x1bb: {  	s14 =	simm.s32 $0x200;
	s0 =	rddreg [dreg:$0x17];
	[sflag:s16] =	ssyncadd.s32 $0xFFFFD800  }
0x1bc: {  	[tilespmem:s14], [sflag:$0xB] =	stream.linear.gather [hbm4b:s0+s4], $0x100, $0x38;
	[tilespmem:$0x1F800] =	vst v63  }
0x1bd: {  	_ =	swait.ge [sflag:s21], $0x100  }
0x1be: {  	[sflag:s21] =	ssyncset.done $0x0  }
0x1bf: {  	[sflag:s21] =	ssyncadd.s32 $0xFFFFFF00  }
0x1c0: {  	[tilespmem:s26], [sflag:$0x3] =	stream.indirect.gather [hbm4b:s1+s24], $0x80, s13, s24, $0xb8;
	[tilespmem:$0x1F800] =	vst v63  }
0x1c1: {  	_ =	swait.ge [sflag:s9], $0x2800  }
0x1c2: {  	[sflag:s9] =	ssyncset.done $0x0  }
0x1c3: {  	s17 =	simm.s32 $0x580;
	[sflag:s9] =	ssyncadd.s32 $0xFFFFD800  }
0x1c4: {  	[spmem:s3] =	stream.indirect.scatter.add.f32 [tilespmem:s8], [sflag:$0x6], $0x80, s17, s24, $0xb8;
	[tilespmem:$0x1F800] =	vst v63  }
0x1c5: {  	_ =	swait.ge [sflag:s10], $0x2800  }
0x1c6: {  	[sflag:s10] =	ssyncset.done $0x0  }
0x1c7: {  	s21 =	rddreg [dreg:$0x18];
	[sflag:s10] =	ssyncadd.s32 $0xFFFFD800  }
0x1c8: {  	[tilespmem:s11], [sflag:$0xC] =	stream.linear.gather [hbm4b:s21+s4], $0x100, $0x38;
	[tilespmem:$0x1F800] =	vst v63  }
0x1c9: {  	_ =	swait.ge [sflag:s28], $0x100  }
0x1ca: {  	[sflag:s28] =	ssyncset.done $0x0  }
0x1cb: {  	[sflag:s28] =	ssyncadd.s32 $0xFFFFFF00  }
0x1cc: {  	[tilespmem:s2], [sflag:$0x4] =	stream.indirect.gather [hbm4b:s1+s24], $0x80, s25, s24, $0xb8;
	[tilespmem:$0x1F800] =	vst v63  }
0x1cd: {  	_ =	swait.ge [sflag:s15], $0x2800  }
0x1ce: {  	[sflag:s15] =	ssyncset.done $0x0  }
0x1cf: {  	s25 =	simm.s32 $0x680;
	[sflag:s15] =	ssyncadd.s32 $0xFFFFD800  }
0x1d0: {  	[spmem:s3] =	stream.indirect.scatter.add.f32 [tilespmem:s26], [sflag:$0x7], $0x80, s25, s24, $0xb8;
	[tilespmem:$0x1F800] =	vst v63  }
0x1d1: {  	_ =	swait.ge [sflag:s6], $0x2800  }
0x1d2: {  	[sflag:s6] =	ssyncset.done $0x0  }
0x1d3: {  	s13 =	simm.s32 $0x9;
	s0 =	rddreg [dreg:$0x19];
	[sflag:s6] =	ssyncadd.s32 $0xFFFFD800  }
0x1d4: {  	[tilespmem:s23], [sflag:$0xD] =	stream.linear.gather [hbm4b:s0+s4], $0x100, $0x38;
	[tilespmem:$0x1F800] =	vst v63  }
0x1d5: {  	_ =	swait.ge [sflag:s13], $0x100  }
0x1d6: {  	[sflag:s13] =	ssyncset.done $0x0  }
0x1d7: {  	[sflag:s13] =	ssyncadd.s32 $0xFFFFFF00  }
0x1d8: {  	[tilespmem:s29], [sflag:$0x1] =	stream.indirect.gather [hbm4b:s1+s24], $0x80, s4, s24, $0xb8;
	[tilespmem:$0x1F800] =	vst v63  }
0x1d9: {  	_ =	swait.ge [sflag:s12], $0x2800  }
0x1da: {  	[sflag:s12] =	ssyncset.done $0x0  }
0x1db: {  	s17 =	simm.s32 $0x780;
	[sflag:s12] =	ssyncadd.s32 $0xFFFFD800  }
0x1dc: {  	[spmem:s3] =	stream.indirect.scatter.add.f32 [tilespmem:s2], [sflag:$0x8], $0x80, s17, s24, $0xb8;
	[tilespmem:$0x1F800] =	vst v63  }
0x1dd: {  	_ =	swait.ge [sflag:s30], $0x2800  }
0x1de: {  	[sflag:s30] =	ssyncset.done $0x0  }
0x1df: {  	s21 =	simm.s32 $0xA;
	[sflag:s30] =	ssyncadd.s32 $0xFFFFD800  }
0x1e0: {  	_ =	swait.ge [sflag:s21], $0x100  }
0x1e1: {  	[sflag:s21] =	ssyncset.done $0x0  }
0x1e2: {  	[sflag:s21] =	ssyncadd.s32 $0xFFFFFF00  }
0x1e3: {  	[tilespmem:s8], [sflag:$0x2] =	stream.indirect.gather [hbm4b:s1+s24], $0x80, s22, s24, $0xb8;
	[tilespmem:$0x1F800] =	vst v63  }
0x1e4: {  	_ =	swait.ge [sflag:s31], $0x2800  }
0x1e5: {  	[sflag:s31] =	ssyncset.done $0x0  }
0x1e6: {  	s25 =	simm.s32 $0x80;
	[sflag:s31] =	ssyncadd.s32 $0xFFFFD800  }
0x1e7: {  	[spmem:s3] =	stream.indirect.scatter.add.f32 [tilespmem:s29], [sflag:$0x5], $0x80, s25, s24, $0xb8;
	[tilespmem:$0x1F800] =	vst v63  }
0x1e8: {  	_ =	swait.ge [sflag:s16], $0x2800  }
0x1e9: {  	[sflag:s16] =	ssyncset.done $0x0  }
0x1ea: {  	s13 =	simm.s32 $0xB;
	[sflag:s16] =	ssyncadd.s32 $0xFFFFD800  }
0x1eb: {  	_ =	swait.ge [sflag:s13], $0x100  }
0x1ec: {  	[sflag:s13] =	ssyncset.done $0x0  }
0x1ed: {  	[sflag:s13] =	ssyncadd.s32 $0xFFFFFF00  }
0x1ee: {  	[tilespmem:s26], [sflag:$0x3] =	stream.indirect.gather [hbm4b:s1+s24], $0x80, s14, s24, $0xb8;
	[tilespmem:$0x1F800] =	vst v63  }
0x1ef: {  	_ =	swait.ge [sflag:s9], $0x2800  }
0x1f0: {  	[sflag:s9] =	ssyncset.done $0x0  }
0x1f1: {  	s17 =	simm.s32 $0x180;
	[sflag:s9] =	ssyncadd.s32 $0xFFFFD800  }
0x1f2: {  	[spmem:s3] =	stream.indirect.scatter.add.f32 [tilespmem:s8], [sflag:$0x6], $0x80, s17, s24, $0xb8;
	[tilespmem:$0x1F800] =	vst v63  }
0x1f3: {  	_ =	swait.ge [sflag:s10], $0x2800  }
0x1f4: {  	[sflag:s10] =	ssyncset.done $0x0  }
0x1f5: {  	[sflag:s10] =	ssyncadd.s32 $0xFFFFD800  }
0x1f6: {  	_ =	swait.ge [sflag:s20], $0x100  }
0x1f7: {  	[sflag:s20] =	ssyncset.done $0x0  }
0x1f8: {  	[sflag:s20] =	ssyncadd.s32 $0xFFFFFF00  }
0x1f9: {  	[tilespmem:s2], [sflag:$0x4] =	stream.indirect.gather [hbm4b:s1+s24], $0x80, s11, s24, $0xb8;
	[tilespmem:$0x1F800] =	vst v63  }
0x1fa: {  	_ =	swait.ge [sflag:s15], $0x2800  }
0x1fb: {  	[sflag:s15] =	ssyncset.done $0x0  }
0x1fc: {  	[sflag:s15] =	ssyncadd.s32 $0xFFFFD800  }
0x1fd: {  	[spmem:s3] =	stream.indirect.scatter.add.f32 [tilespmem:s26], [sflag:$0x7], $0x80, s18, s24, $0xb8;
	[tilespmem:$0x1F800] =	vst v63  }
0x1fe: {  	_ =	swait.ge [sflag:s6], $0x2800  }
0x1ff: {  	[sflag:s6] =	ssyncset.done $0x0  }
0x200: {  	[sflag:s6] =	ssyncadd.s32 $0xFFFFD800  }
0x201: {  	_ =	swait.ge [sflag:s5], $0x100  }
0x202: {  	[sflag:s5] =	ssyncset.done $0x0  }
0x203: {  	[sflag:s5] =	ssyncadd.s32 $0xFFFFFF00  }
0x204: {  	[tilespmem:s29], [sflag:$0x1] =	stream.indirect.gather [hbm4b:s1+s24], $0x80, s23, s24, $0xb8;
	[tilespmem:$0x1F800] =	vst v63  }
0x205: {  	_ =	swait.ge [sflag:s12], $0x2800  }
0x206: {  	[sflag:s12] =	ssyncset.done $0x0  }
0x207: {  	[sflag:s12] =	ssyncadd.s32 $0xFFFFD800  }
0x208: {  	[spmem:s3] =	stream.indirect.scatter.add.f32 [tilespmem:s2], [sflag:$0x8], $0x80, s19, s24, $0xb8;
	[tilespmem:$0x1F800] =	vst v63  }
0x209: {  	_ =	swait.ge [sflag:s30], $0x2800  }
0x20a: {  	[sflag:s30] =	ssyncset.done $0x0  }
0x20b: {  	[sflag:s30] =	ssyncadd.s32 $0xFFFFD800  }
0x20c: {  	_ =	swait.ge [sflag:s31], $0x2800  }
0x20d: {  	[sflag:s31] =	ssyncset.done $0x0  }
0x20e: {  	[sflag:s31] =	ssyncadd.s32 $0xFFFFD800  }
0x20f: {  	[spmem:s3] =	stream.indirect.scatter.add.f32 [tilespmem:s29], [sflag:$0x5], $0x80, s7, s24, $0xb8;
	[tilespmem:$0x1F800] =	vst v63  }
0x210: {  	_ =	swait.ge [sflag:s16], $0x2800  }
0x211: {  	[sflag:s16] =	ssyncset.done $0x0  }
0x212: {  	[sflag:s16] =	ssyncadd.s32 $0xFFFFD800  }
0x213: {  	_ =	swait.ge [sflag:s10], $0x2800  }
0x214: {  	[sflag:s10] =	ssyncset.done $0x0  }
0x215: {  	[sflag:s10] =	ssyncadd.s32 $0xFFFFD800  }
0x216: {  	_ =	swait.ge [sflag:s6], $0x2800  }
0x217: {  	[sflag:s6] =	ssyncset.done $0x0  }
0x218: {  	[sflag:s6] =	ssyncadd.s32 $0xFFFFD800  }
0x219: {  	s18 =	stileid.u32;
	[bflag:$0x0] =	sbarrier.arrive $0xFFFF  }
0x21a: {  	s22 =	simm.s32 $0x12;
	s17 =	sshll.u32 s18, $0x6;
	s20 =	rddreg [dreg:$0x12]  }
0x21b: {  	s17 =	sor.u32 $0x1C12, s17;
	s21 =	rddreg [dreg:$0x1a];
	s19 =	sshrl.u32 s20, $0x3  }
0x21c: {  	[hbm:s21], [sflag:s17] =	dma.local [spmem:s19], $0x2800  }
0x21d: {  	_ =	swait.ge [sflag:s22], $0x2800  }
0x21e: {  	s23 =	sld [smem:$0x7ED];
	_ =	sdelay $0x2  }
0x21f: {  	s25 =	rddreg [dreg:$0x1b];
	s5 =	sadd.s32 $0x1, s23  }
0x220: {  	p0 =	sne.s32 s5, s25  }
.Ltmp2:
0x221: {  	_ = 	snop;
	(pc) =	sbr.rel @p0 .LBB2_1-.Ltmp2, $4  }
0x222: {  	s0 =	simm.s32 $0x800;
	s14 =	simm.s32 $0x100  }
0x223: {  	s8 =	simm.s32 $0x3000;
	s11 =	simm.s32 $0x200;
	s2 =	simm.s32 $0x500  }
0x224: {  	s19 =	simm.s32 $0x300;
	s21 =	simm.s32 $0x480;
	[sflag:s22] =	ssyncset.done $0x0  }
0x225: {  	s28 =	rddreg [dreg:$0xb];
	[sflag:s22] =	ssyncadd.s32 $0xFFFFD800;
	s23 =	simm.s32 $0x400  }
0x226: {  	_ =	sfence.sel $0x180000  }
0x227: {  	[bflag:$0x0] =	sbarrier.arrive $0xFFFF  }
0x228: {  	_ =	strace $0x90000047  }
0x229: {  	s0 =	stileid.u32;
	[bflag:$0x2] =	sbarrier.arrive $0xFFFF  }
0x22a: {  	p0 =	sne.s32 s0, $0x0;
	s0 =	rddreg [dreg:$0x3]  }
0x22b: {  	s0 =	sadd.s32 @!p0 $0x100000, s0  }
0x22c: {  	[sflag:s0] =	ssyncadd.tile.s32 @!p0 $0x1;
	_ =	shalt  }
.Lfunc_end2:
_tile_overlayer_lowered:
.L_overlay_start_2:
0x22d: {  	(tag) =	ssettag $0x2  }
0x22e: {  	s0 =	rddreg [dreg:$0x0];
	s2 =	stileid.u32  }
0x22f: {  	s1 =	rddreg [dreg:$0x1];
	p0 =	sne.s32 s2, $0x0  }
0x230: {  	s3 =	rddreg [dreg:$0x2];
	[bflag:$0x3] =	sbarrier.arrive $0xFFFF;
	s2 =	simm.s32 @!p0 $0x1C12  }
0x231: {  	[timem:s3], [sflag:s2] =	dma.local @!p0 [hbm:s0], s1  }
0x232: {  	s0 =	simm.s32 @!p0 $0x12  }
0x233: {  	_ =	swait.ge @!p0 [sflag:s0], s1  }
0x234: {  	s1 =	ssub.s32 @!p0 $0x0, s1;
	[sflag:s0] =	ssyncset.done @!p0 $0x0  }
0x235: {  	[sflag:s0] =	ssyncadd.s32 @!p0 s1  }
0x236: {  	[bflag:$0x3] =	sbarrier.arrive $0xFFFF  }
0x237: {  	_ =	shalt  }

</sc_bundles>
